<compile_context>
chip_gen: v7x
topology: tpu7x:2x2x1
jax: 0.10.2.dev20260603
libtpu: 0.0.44.dev20260713+nightly
codegen_flags: <defaults>
</compile_context>

<pallas_src>
import functools
import math

import jax
import jax.numpy as jnp
from jax import lax
from jax.experimental import pallas as pl
from jax.experimental.pallas import tpu as pltpu
from jax.experimental.pallas import tpu_sc as plsc

N = 10000
E = 320000
EH = E // 2
D = 128
NG = 50
NGA = 56
NF = 64
NFP = 128
CUTOFF = 5.0

NC = 2
NS = 16
L = 16
NW = NC * NS
RPW = EH // NW
CHUNK = 80
CR = CHUNK // 2
NCHUNK = RPW // CR
NBUF = 3
ZPT = 640
ZLAST = N - 15 * ZPT
ZROWS = 80

EBLK = 16000
EGRID2 = EH // EBLK


def _wfilt_body(a1_ref, a2_ref, w1_ref, w2_ref, w1aug_ref, we2a_ref,
                x_ref, wl1_ref, out_ref, h_ref):
    step = CUTOFF / (NG - 1)
    coeff = -0.5 / step ** 2
    offs = lax.broadcasted_iota(jnp.int32, (NGA, 1), 0).astype(jnp.float32) * step

    def half(attr_row, w_row):
        attr_row = attr_row.reshape(1, EBLK)
        w_row = w_row.reshape(1, EBLK)
        cc = 0.5 * (jnp.cos(w_row * (math.pi / CUTOFF)) + 1.0)
        dist = attr_row - offs
        smeared = jnp.exp(coeff * dist * dist)
        ridx = lax.broadcasted_iota(jnp.int32, (NGA, EBLK), 0)
        smeared = jnp.where(ridx == NG, 1.0, smeared)
        smeared = jnp.where(ridx > NG, 0.0, smeared)
        smc = smeared * cc
        hgt = lax.dot_general(w1aug_ref[...], smc,
                              (((1,), (0,)), ((), ())),
                              preferred_element_type=jnp.float32)
        hgt = jnp.maximum(hgt, 0.0)
        ccpad = jnp.where(
            lax.broadcasted_iota(jnp.int32, (8, EBLK), 0) == 0, cc, 0.0)
        aug = jnp.concatenate([hgt, ccpad], axis=0)
        return lax.dot_general(aug, we2a_ref[...],
                               (((0,), (0,)), ((), ())),
                               preferred_element_type=jnp.float32)

    wfa = half(a1_ref[...], w1_ref[...])
    wfb = half(a2_ref[...], w2_ref[...])
    out_ref[...] = jnp.concatenate([wfa, wfb], axis=1)

    @pl.when(pl.program_id(0) == 0)
    def _h():
        h_ref[...] = jnp.dot(x_ref[...], wl1_ref[...],
                             preferred_element_type=jnp.float32)


_wfilt_call = pl.pallas_call(
    _wfilt_body,
    grid=(EGRID2,),
    in_specs=[
        pl.BlockSpec((1, 1, EBLK), lambda i: (i, 0, 0)),
        pl.BlockSpec((1, 1, EBLK), lambda i: (i + EGRID2, 0, 0)),
        pl.BlockSpec((1, 1, EBLK), lambda i: (i, 0, 0)),
        pl.BlockSpec((1, 1, EBLK), lambda i: (i + EGRID2, 0, 0)),
        pl.BlockSpec((NF, NGA), lambda i: (0, 0)),
        pl.BlockSpec((NF + 8, NF), lambda i: (0, 0)),
        pl.BlockSpec((N, D), lambda i: (0, 0)),
        pl.BlockSpec((D, NFP), lambda i: (0, 0)),
    ],
    out_specs=[
        pl.BlockSpec((EBLK, NFP), lambda i: (i, 0)),
        pl.BlockSpec((N, NFP), lambda i: (0, 0)),
    ],
    out_shape=[
        jax.ShapeDtypeStruct((EH, NFP), jnp.float32),
        jax.ShapeDtypeStruct((N, NFP), jnp.float32),
    ],
    compiler_params=pltpu.CompilerParams(
        fuse_transposed_lhs_in_matmul=True),
)


def _sc_body(h_hbm, wf_hbm, src_hbm, dst_hbm, out_hbm,
             agg_sh, src_v, dst_v, wf_v, rows_v, sem_in, sem_g,
             sem_s):
    cid = lax.axis_index("c")
    sid = lax.axis_index("s")
    wid = sid * NC + cid
    rb0 = wid * RPW

    def _zrow(i, carry):
        for j in range(NFP // L):
            rows_v[0, i, pl.ds(j * L, L)] = jnp.zeros((L,), jnp.float32)
        return carry
    lax.fori_loop(0, ZROWS, _zrow, 0)
    nrep = jnp.where(sid < NS - 1, ZPT // ZROWS, ZLAST // ZROWS)

    def _zcopy(k, carry):
        zbase = pl.multiple_of(sid * ZPT + k * ZROWS, 8)
        pltpu.async_copy(rows_v.at[0], agg_sh.at[pl.ds(zbase, ZROWS)],
                         sem_in)
        return carry
    lax.fori_loop(0, nrep, _zcopy, 0)

    def _zwait(k, carry):
        zbase = pl.multiple_of(sid * ZPT + k * ZROWS, 8)
        pltpu.make_async_copy(rows_v.at[0],
                              agg_sh.at[pl.ds(zbase, ZROWS)],
                              sem_in).wait()
        return carry
    lax.fori_loop(0, nrep, _zwait, 0)
    plsc.subcore_barrier()

    def _front_copies(c):
        b = c % NBUF
        rbase = pl.multiple_of(rb0 + c * CR, 8)
        return (
            (src_hbm.at[pl.ds(rbase, CR)], src_v.at[b, pl.ds(0, CR)]),
            (src_hbm.at[pl.ds(EH + rbase, CR)], src_v.at[b, pl.ds(CR, CR)]),
            (dst_hbm.at[pl.ds(rbase, CR)], dst_v.at[b, pl.ds(0, CR)]),
            (dst_hbm.at[pl.ds(EH + rbase, CR)], dst_v.at[b, pl.ds(CR, CR)]),
            (wf_hbm.at[pl.ds(rbase, CR)], wf_v.at[b]),
        )

    def _front(c):
        for s, d in _front_copies(c):
            pltpu.async_copy(s, d, sem_in)

    def _front_wait(c):
        for s, d in _front_copies(c):
            pltpu.make_async_copy(s, d, sem_in).wait()

    def _gather(c):
        b = c % NBUF
        pltpu.async_copy(h_hbm.at[src_v.at[b]], rows_v.at[b], sem_g)

    def _gather_wait(c):
        b = c % NBUF
        pltpu.make_async_copy(h_hbm.at[src_v.at[b]], rows_v.at[b],
                              sem_g).wait()

    def _scatter(c):
        b = c % NBUF
        pltpu.async_copy(rows_v.at[b], agg_sh.at[dst_v.at[b]], sem_s,
                         add=True)

    def _scatter_wait(c):
        b = c % NBUF
        pltpu.make_async_copy(rows_v.at[b], agg_sh.at[dst_v.at[b]],
                              sem_s).wait()

    _front(0)
    _front(1)
    _front_wait(0)
    _gather(0)

    def _step(c, carry):
        b = c % NBUF
        _gather_wait(c)

        @pl.when(c + 1 < NCHUNK)
        def _():
            _front_wait(c + 1)

            @pl.when(c >= 2)
            def _():
                _scatter_wait(c - 2)
            _gather(c + 1)

        @pl.when(c + 2 < NCHUNK)
        def _():
            _front(c + 2)

        def _mul(i, icarry):
            for j in range(NF // L):
                s = pl.ds(j * L, L)
                s2 = pl.ds(NF + j * L, L)
                rows_v[b, i, s] = rows_v[b, i, s] * wf_v[b, i, s]
                rows_v[b, CR + i, s] = rows_v[b, CR + i, s] * wf_v[b, i, s2]
            return icarry
        lax.fori_loop(0, CR, _mul, 0, unroll=4)

        _scatter(c)
        return carry
    lax.fori_loop(0, NCHUNK, _step, 0)
    _scatter_wait(NCHUNK - 2)
    _scatter_wait(NCHUNK - 1)

    plsc.subcore_barrier()

    zbase = pl.multiple_of(sid * ZPT, 8)
    obase = pl.multiple_of(cid * N + sid * ZPT, 8)

    @pl.when(sid < NS - 1)
    def _copy_out():
        pltpu.sync_copy(agg_sh.at[pl.ds(zbase, ZPT)],
                        out_hbm.at[pl.ds(obase, ZPT)])

    @pl.when(sid == NS - 1)
    def _copy_out_last():
        pltpu.sync_copy(agg_sh.at[pl.ds(zbase, ZLAST)],
                        out_hbm.at[pl.ds(obase, ZLAST)])


_sc_call = functools.partial(
    pl.kernel,
    mesh=plsc.VectorSubcoreMesh(core_axis_name="c", subcore_axis_name="s"),
    out_type=jax.ShapeDtypeStruct((NC * N, NFP), jnp.float32),
    scratch_types=[
        pltpu.VMEM_SHARED((N, NFP), jnp.float32),
        pltpu.VMEM((NBUF, CHUNK), jnp.int32),
        pltpu.VMEM((NBUF, CHUNK), jnp.int32),
        pltpu.VMEM((NBUF, CR, NFP), jnp.float32),
        pltpu.VMEM((NBUF, CHUNK, NFP), jnp.float32),
        pltpu.SemaphoreType.DMA,
        pltpu.SemaphoreType.DMA,
        pltpu.SemaphoreType.DMA,
    ],
)(_sc_body)


def _final_body(agg_ref, x_ref, w_ref, b_ref, out_ref):
    aggsum = agg_ref[:N, :NF] + agg_ref[N:, :NF]
    y = jnp.dot(aggsum, w_ref[...], preferred_element_type=jnp.float32)
    y = jnp.maximum(y + b_ref[...], 0.0)
    out_ref[...] = x_ref[...] + y


_final_call = pl.pallas_call(
    _final_body,
    out_shape=jax.ShapeDtypeStruct((N, D), jnp.float32),
)


def kernel(x, edge_index, edge_attr, edge_weight, W_lin1, W_e1, b_e1,
           W_e2, b_e2, W_lin2, b_lin2):
    src = edge_index[0].astype(jnp.int32)
    dst = edge_index[1].astype(jnp.int32)
    attr2 = edge_attr.reshape(2 * EGRID2, 1, EBLK)
    wgt2 = edge_weight.reshape(2 * EGRID2, 1, EBLK)
    w1p = jnp.concatenate([W_lin1, jnp.zeros((D, NFP - NF), jnp.float32)],
                          axis=1)
    w1aug = jnp.concatenate(
        [W_e1.T, b_e1.reshape(NF, 1),
         jnp.zeros((NF, NGA - NG - 1), jnp.float32)], axis=1)
    we2a = jnp.concatenate(
        [W_e2, b_e2.reshape(1, NF), jnp.zeros((7, NF), jnp.float32)],
        axis=0)
    wfilt, h = _wfilt_call(attr2, attr2, wgt2, wgt2, w1aug, we2a, x, w1p)
    agg2 = _sc_call(h, wfilt, src, dst)
    return _final_call(agg2, x, W_lin2, b_lin2.reshape(1, D))

# --- scband reference (transcript-rebuilt; emitter-appended) ---
"""Pipeline reference for scband-gcnconv-gnnlayer-85744727097461 (READ-ONLY COPY).

The authoritative reference and input builder live on the scoring server;
editing this copy changes nothing except your own understanding.
"""

import jax, jax.numpy as jnp
import numpy as np

N = 10000
E = 320000
D = 128
NG = 50
NF = 64
CUTOFF = 5.0


def setup_inputs(seed: int = 0) -> dict:
    key = jax.random.key(seed)
    ks = jax.random.split(key, 12)
    x = jax.random.normal(ks[0], (N, D), dtype=jnp.float32)
    edge_index = jax.random.randint(ks[1], (2, E), 0, N)
    edge_attr = jax.random.uniform(ks[2], (E,), dtype=jnp.float32)
    edge_weight = jax.random.uniform(ks[3], (E,), dtype=jnp.float32)
    # CFConv lin1: Linear(D, NF, bias=False)
    W_lin1 = jax.random.normal(ks[4], (D, NF), dtype=jnp.float32) * 0.05
    # edge_nn: Linear(NG, NF) -> ReLU -> Linear(NF, NF)
    W_e1 = jax.random.normal(ks[5], (NG, NF), dtype=jnp.float32) * 0.05
    b_e1 = jax.random.normal(ks[6], (NF,), dtype=jnp.float32) * 0.05
    W_e2 = jax.random.normal(ks[7], (NF, NF), dtype=jnp.float32) * 0.05
    b_e2 = jax.random.normal(ks[8], (NF,), dtype=jnp.float32) * 0.05
    # CFConv lin2: Linear(NF, D, bias=True)
    W_lin2 = jax.random.normal(ks[9], (NF, D), dtype=jnp.float32) * 0.05
    b_lin2 = jax.random.normal(ks[10], (D,), dtype=jnp.float32) * 0.05
    return {"x": x, "edge_index": edge_index, "edge_attr": edge_attr,
            "edge_weight": edge_weight, "W_lin1": W_lin1, "W_e1": W_e1,
            "b_e1": b_e1, "W_e2": W_e2, "b_e2": b_e2, "W_lin2": W_lin2,
            "b_lin2": b_lin2}


def reference(x, edge_index, edge_attr, edge_weight, W_lin1, W_e1, b_e1,
              W_e2, b_e2, W_lin2, b_lin2):
    # GaussianSmearing(0.0, cutoff=5.0, num_gaussians=50)
    offset = jnp.linspace(0.0, CUTOFF, NG)
    coeff = -0.5 / (offset[1] - offset[0]) ** 2
    dist_expanded = edge_attr.reshape(-1, 1) - offset.reshape(1, -1)
    smeared = jnp.exp(coeff * dist_expanded ** 2)
    # edge filter network
    h_e = jax.nn.relu(smeared @ W_e1 + b_e1)
    Wfilt = h_e @ W_e2 + b_e2
    # cosine cutoff on edge_weight (CFConv)
    C = 0.5 * (jnp.cos(edge_weight * jnp.pi / CUTOFF) + 1.0)
    Wfilt = Wfilt * C[:, None]
    # CFConv: lin1, message x_j * W, aggr='add', lin2
    h = x @ W_lin1
    src = edge_index[0]
    dst = edge_index[1]
    msgs = h[src] * Wfilt
    agg = jax.ops.segment_sum(msgs, dst, num_segments=N)
    y = agg @ W_lin2 + b_lin2
    # activation (relu), dropout p=0.0 is identity, node residual
    y = jax.nn.relu(y)
    return x + y

if __name__ == "__main__":
    import jax
    _d = setup_inputs()
    print(jax.jit(kernel)(*tuple(_d.values())))

</pallas_src>

<mosaic_0001>
#map = affine_map<(d0, d1) -> (0, 0)>
#map1 = affine_map<(d0, d1) -> (0)>
module attributes {stable_mosaic.version = 14 : i64} {
  func.func @_sc_body(%arg0: i32, %arg1: i32, %arg2: memref<10000x128xf32, #tpu.memory_space<hbm>>, %arg3: memref<160000x128xf32, #tpu.memory_space<hbm>>, %arg4: memref<320000xi32, #tpu.memory_space<hbm>>, %arg5: memref<320000xi32, #tpu.memory_space<hbm>>, %arg6: memref<20000x128xf32, #tpu.memory_space<hbm>>, %arg7: memref<10000x128xf32, #tpu.memory_space<vmem_shared>>, %arg8: memref<3x80xi32, #tpu.memory_space<vmem>>, %arg9: memref<3x80xi32, #tpu.memory_space<vmem>>, %arg10: memref<3x40x128xf32, #tpu.memory_space<vmem>>, %arg11: memref<3x80x128xf32, #tpu.memory_space<vmem>>, %arg12: memref<!tpu.dma_semaphore, #tpu.memory_space<semaphore_mem>>, %arg13: memref<!tpu.dma_semaphore, #tpu.memory_space<semaphore_mem>>, %arg14: memref<!tpu.dma_semaphore, #tpu.memory_space<semaphore_mem>>) attributes {dimension_semantics = [#tpu.dimension_semantics<core_parallel>, #tpu.dimension_semantics<subcore_parallel>], iteration_bounds = array<i64: 2, 16>, scalar_prefetch = 0 : i64, scratch_operands = 8 : i64, tpu.core_type = #tpu.core_type<sc_vector_subcore>, window_params = [{transform_indices = #map}, {transform_indices = #map}, {transform_indices = #map1}, {transform_indices = #map1}, {transform_indices = #map}]} {
    %mul3A = arith.constant 2 : i32
    %mul3A_0 = arith.muli %arg1, %mul3A : i32
    %add3A = arith.addi %mul3A_0, %arg0 : i32
    %mul3A_1 = arith.constant 5000 : i32
    %mul3A_2 = arith.muli %add3A, %mul3A_1 : i32
    %scan3A = arith.constant 0 : i32
    %scan3A_3 = arith.constant 0 : i32
    %scan3A_4 = arith.constant 80 : i32
    %scan3A_5 = arith.addi %scan3A_3, %scan3A_4 : i32
    %scan3A_6 = arith.constant 1 : i32
    scf.for %scan3A_253 = %scan3A_3 to %scan3A_5 step %scan3A_6  : i32 {
      %broadcast_in_dim3A = arith.constant 0.000000e+00 : f32
      %broadcast_in_dim3A_254 = vector.broadcast %broadcast_in_dim3A : f32 to vector<16xf32>
      %swap3A = arith.constant 0 : i32
      %swap3A_255 = arith.index_cast %swap3A : i32 to index
      %swap3A_256 = arith.index_cast %scan3A_253 : i32 to index
      %swap3A_257 = arith.constant 0 : index
      %swap3A_258 = tpu.vector_load %arg11[%swap3A_255, %swap3A_256, %swap3A_257] {strides = array<i32>} : memref<3x80x128xf32, #tpu.memory_space<vmem>>, vector<1x1x16xf32>,
      %swap3A_259 = vector.shape_cast %swap3A_258 : vector<1x1x16xf32> to vector<16xf32>
      %swap3A_260 = vector.shape_cast %broadcast_in_dim3A_254 : vector<16xf32> to vector<1x1x16xf32>
      tpu.vector_store %arg11[%swap3A_255, %swap3A_256, %swap3A_257], %swap3A_260 {strides = array<i32>} : memref<3x80x128xf32, #tpu.memory_space<vmem>>, vector<1x1x16xf32>,
      %broadcast_in_dim3A_261 = arith.constant 0.000000e+00 : f32
      %broadcast_in_dim3A_262 = vector.broadcast %broadcast_in_dim3A_261 : f32 to vector<16xf32>
      %swap3A_263 = arith.constant 0 : i32
      %swap3A_264 = arith.index_cast %swap3A_263 : i32 to index
      %swap3A_265 = arith.index_cast %scan3A_253 : i32 to index
      %swap3A_266 = arith.constant 16 : index
      %swap3A_267 = tpu.vector_load %arg11[%swap3A_264, %swap3A_265, %swap3A_266] {strides = array<i32>} : memref<3x80x128xf32, #tpu.memory_space<vmem>>, vector<1x1x16xf32>,
      %swap3A_268 = vector.shape_cast %swap3A_267 : vector<1x1x16xf32> to vector<16xf32>
      %swap3A_269 = vector.shape_cast %broadcast_in_dim3A_262 : vector<16xf32> to vector<1x1x16xf32>
      tpu.vector_store %arg11[%swap3A_264, %swap3A_265, %swap3A_266], %swap3A_269 {strides = array<i32>} : memref<3x80x128xf32, #tpu.memory_space<vmem>>, vector<1x1x16xf32>,
      %broadcast_in_dim3A_270 = arith.constant 0.000000e+00 : f32
      %broadcast_in_dim3A_271 = vector.broadcast %broadcast_in_dim3A_270 : f32 to vector<16xf32>
      %swap3A_272 = arith.constant 0 : i32
      %swap3A_273 = arith.index_cast %swap3A_272 : i32 to index
      %swap3A_274 = arith.index_cast %scan3A_253 : i32 to index
      %swap3A_275 = arith.constant 32 : index
      %swap3A_276 = tpu.vector_load %arg11[%swap3A_273, %swap3A_274, %swap3A_275] {strides = array<i32>} : memref<3x80x128xf32, #tpu.memory_space<vmem>>, vector<1x1x16xf32>,
      %swap3A_277 = vector.shape_cast %swap3A_276 : vector<1x1x16xf32> to vector<16xf32>
      %swap3A_278 = vector.shape_cast %broadcast_in_dim3A_271 : vector<16xf32> to vector<1x1x16xf32>
      tpu.vector_store %arg11[%swap3A_273, %swap3A_274, %swap3A_275], %swap3A_278 {strides = array<i32>} : memref<3x80x128xf32, #tpu.memory_space<vmem>>, vector<1x1x16xf32>,
      %broadcast_in_dim3A_279 = arith.constant 0.000000e+00 : f32
      %broadcast_in_dim3A_280 = vector.broadcast %broadcast_in_dim3A_279 : f32 to vector<16xf32>
      %swap3A_281 = arith.constant 0 : i32
      %swap3A_282 = arith.index_cast %swap3A_281 : i32 to index
      %swap3A_283 = arith.index_cast %scan3A_253 : i32 to index
      %swap3A_284 = arith.constant 48 : index
      %swap3A_285 = tpu.vector_load %arg11[%swap3A_282, %swap3A_283, %swap3A_284] {strides = array<i32>} : memref<3x80x128xf32, #tpu.memory_space<vmem>>, vector<1x1x16xf32>,
      %swap3A_286 = vector.shape_cast %swap3A_285 : vector<1x1x16xf32> to vector<16xf32>
      %swap3A_287 = vector.shape_cast %broadcast_in_dim3A_280 : vector<16xf32> to vector<1x1x16xf32>
      tpu.vector_store %arg11[%swap3A_282, %swap3A_283, %swap3A_284], %swap3A_287 {strides = array<i32>} : memref<3x80x128xf32, #tpu.memory_space<vmem>>, vector<1x1x16xf32>,
      %broadcast_in_dim3A_288 = arith.constant 0.000000e+00 : f32
      %broadcast_in_dim3A_289 = vector.broadcast %broadcast_in_dim3A_288 : f32 to vector<16xf32>
      %swap3A_290 = arith.constant 0 : i32
      %swap3A_291 = arith.index_cast %swap3A_290 : i32 to index
      %swap3A_292 = arith.index_cast %scan3A_253 : i32 to index
      %swap3A_293 = arith.constant 64 : index
      %swap3A_294 = tpu.vector_load %arg11[%swap3A_291, %swap3A_292, %swap3A_293] {strides = array<i32>} : memref<3x80x128xf32, #tpu.memory_space<vmem>>, vector<1x1x16xf32>,
      %swap3A_295 = vector.shape_cast %swap3A_294 : vector<1x1x16xf32> to vector<16xf32>
      %swap3A_296 = vector.shape_cast %broadcast_in_dim3A_289 : vector<16xf32> to vector<1x1x16xf32>
      tpu.vector_store %arg11[%swap3A_291, %swap3A_292, %swap3A_293], %swap3A_296 {strides = array<i32>} : memref<3x80x128xf32, #tpu.memory_space<vmem>>, vector<1x1x16xf32>,
      %broadcast_in_dim3A_297 = arith.constant 0.000000e+00 : f32
      %broadcast_in_dim3A_298 = vector.broadcast %broadcast_in_dim3A_297 : f32 to vector<16xf32>
      %swap3A_299 = arith.constant 0 : i32
      %swap3A_300 = arith.index_cast %swap3A_299 : i32 to index
      %swap3A_301 = arith.index_cast %scan3A_253 : i32 to index
      %swap3A_302 = arith.constant 80 : index
      %swap3A_303 = tpu.vector_load %arg11[%swap3A_300, %swap3A_301, %swap3A_302] {strides = array<i32>} : memref<3x80x128xf32, #tpu.memory_space<vmem>>, vector<1x1x16xf32>,
      %swap3A_304 = vector.shape_cast %swap3A_303 : vector<1x1x16xf32> to vector<16xf32>
      %swap3A_305 = vector.shape_cast %broadcast_in_dim3A_298 : vector<16xf32> to vector<1x1x16xf32>
      tpu.vector_store %arg11[%swap3A_300, %swap3A_301, %swap3A_302], %swap3A_305 {strides = array<i32>} : memref<3x80x128xf32, #tpu.memory_space<vmem>>, vector<1x1x16xf32>,
      %broadcast_in_dim3A_306 = arith.constant 0.000000e+00 : f32
      %broadcast_in_dim3A_307 = vector.broadcast %broadcast_in_dim3A_306 : f32 to vector<16xf32>
      %swap3A_308 = arith.constant 0 : i32
      %swap3A_309 = arith.index_cast %swap3A_308 : i32 to index
      %swap3A_310 = arith.index_cast %scan3A_253 : i32 to index
      %swap3A_311 = arith.constant 96 : index
      %swap3A_312 = tpu.vector_load %arg11[%swap3A_309, %swap3A_310, %swap3A_311] {strides = array<i32>} : memref<3x80x128xf32, #tpu.memory_space<vmem>>, vector<1x1x16xf32>,
      %swap3A_313 = vector.shape_cast %swap3A_312 : vector<1x1x16xf32> to vector<16xf32>
      %swap3A_314 = vector.shape_cast %broadcast_in_dim3A_307 : vector<16xf32> to vector<1x1x16xf32>
      tpu.vector_store %arg11[%swap3A_309, %swap3A_310, %swap3A_311], %swap3A_314 {strides = array<i32>} : memref<3x80x128xf32, #tpu.memory_space<vmem>>, vector<1x1x16xf32>,
      %broadcast_in_dim3A_315 = arith.constant 0.000000e+00 : f32
      %broadcast_in_dim3A_316 = vector.broadcast %broadcast_in_dim3A_315 : f32 to vector<16xf32>
      %swap3A_317 = arith.constant 0 : i32
      %swap3A_318 = arith.index_cast %swap3A_317 : i32 to index
      %swap3A_319 = arith.index_cast %scan3A_253 : i32 to index
      %swap3A_320 = arith.constant 112 : index
      %swap3A_321 = tpu.vector_load %arg11[%swap3A_318, %swap3A_319, %swap3A_320] {strides = array<i32>} : memref<3x80x128xf32, #tpu.memory_space<vmem>>, vector<1x1x16xf32>,
      %swap3A_322 = vector.shape_cast %swap3A_321 : vector<1x1x16xf32> to vector<16xf32>
      %swap3A_323 = vector.shape_cast %broadcast_in_dim3A_316 : vector<16xf32> to vector<1x1x16xf32>
      tpu.vector_store %arg11[%swap3A_318, %swap3A_319, %swap3A_320], %swap3A_323 {strides = array<i32>} : memref<3x80x128xf32, #tpu.memory_space<vmem>>, vector<1x1x16xf32>,
    }
    %scan3A_7 = arith.constant 80 : i32
    %lt3A = arith.constant 15 : i32
    %lt3A_8 = arith.cmpi slt, %arg1, %lt3A : i32
    %jit3A = arith.constant 8 : i32
    %jit3A_9 = arith.constant 5 : i32
    %select_n3A = arith.select %lt3A_8, %jit3A, %jit3A_9 : i32
    %while3A = arith.constant 0 : i32
    %while3A_10 = arith.constant 0 : i32
    %while3A_11 = arith.subi %select_n3A, %while3A_10 : i32
    %while3A_12 = arith.addi %while3A_10, %while3A_11 : i32
    %while3A_13 = arith.constant 1 : i32
    %while3A_14 = arith.divsi %while3A_11, %while3A_13 : i32
    %while3A_15 = arith.muli %while3A_14, %while3A_13 : i32
    %while3A_16 = arith.addi %while3A_10, %while3A_15 : i32
    %while3A_17 = arith.constant 1 : i32
    scf.for %while3A_253 = %while3A_10 to %while3A_16 step %while3A_17  : i32 {
      %mul3A_254 = arith.constant 640 : i32
      %mul3A_255 = arith.muli %arg1, %mul3A_254 : i32
      %mul3A_256 = arith.constant 80 : i32
      %mul3A_257 = arith.muli %while3A_253, %mul3A_256 : i32
      %add3A_258 = arith.addi %mul3A_255, %mul3A_257 : i32
      %multiple_of3A_259 = tpu.assume_multiple %add3A_258, 8 : i32
      %dma_start3A_260 = arith.constant 0 : i32
      %dma_start3A_261 = arith.constant 0 : i32
      %dma_start3A_262 = arith.constant 0 : i32
      %dma_start3A_263 = tpu.memref_slice %arg11[%dma_start3A_260, %dma_start3A_261, %dma_start3A_262] : memref<3x80x128xf32, #tpu.memory_space<vmem>> -> memref<1x80x128xf32, #tpu.memory_space<vmem>>
      %dma_start3A_264 = tpu.memref_squeeze %dma_start3A_263 : memref<1x80x128xf32, #tpu.memory_space<vmem>> -> memref<80x128xf32, #tpu.memory_space<vmem>>
      %dma_start3A_265 = arith.constant 0 : i32
      %dma_start3A_266 = tpu.memref_slice %arg7[%multiple_of3A_259, %dma_start3A_265] : memref<10000x128xf32, #tpu.memory_space<vmem_shared>> -> memref<80x128xf32, #tpu.memory_space<vmem_shared>>
      %dma_start3A_267 = arith.constant 0 : i32
      %dma_start3A_268 = tpu.memref_slice %arg7[%multiple_of3A_259, %dma_start3A_267] : memref<10000x128xf32, #tpu.memory_space<vmem_shared>> -> memref<80x128xf32, #tpu.memory_space<vmem_shared>>
      %dma_start3A_269 = arith.constant 0 : i32
      %dma_start3A_270 = arith.constant 0 : i32
      %dma_start3A_271 = tpu.memref_slice %arg11[%dma_start3A_260, %dma_start3A_269, %dma_start3A_270] : memref<3x80x128xf32, #tpu.memory_space<vmem>> -> memref<1x80x128xf32, #tpu.memory_space<vmem>>
      %dma_start3A_272 = tpu.memref_squeeze %dma_start3A_271 : memref<1x80x128xf32, #tpu.memory_space<vmem>> -> memref<80x128xf32, #tpu.memory_space<vmem>>
      tpu.enqueue_dma source(%dma_start3A_272 : memref<80x128xf32, #tpu.memory_space<vmem>>) target(%dma_start3A_268 : memref<80x128xf32, #tpu.memory_space<vmem_shared>>) target_semaphore(%arg12 : memref<!tpu.dma_semaphore, #tpu.memory_space<semaphore_mem>>)
    }
    %while3A_18 = arith.constant 1 : i32
    scf.for %while3A_253 = %while3A_16 to %while3A_12 step %while3A_18  : i32 {
      %mul3A_254 = arith.constant 640 : i32
      %mul3A_255 = arith.muli %arg1, %mul3A_254 : i32
      %mul3A_256 = arith.constant 80 : i32
      %mul3A_257 = arith.muli %while3A_253, %mul3A_256 : i32
      %add3A_258 = arith.addi %mul3A_255, %mul3A_257 : i32
      %multiple_of3A_259 = tpu.assume_multiple %add3A_258, 8 : i32
      %dma_start3A_260 = arith.constant 0 : i32
      %dma_start3A_261 = arith.constant 0 : i32
      %dma_start3A_262 = arith.constant 0 : i32
      %dma_start3A_263 = tpu.memref_slice %arg11[%dma_start3A_260, %dma_start3A_261, %dma_start3A_262] : memref<3x80x128xf32, #tpu.memory_space<vmem>> -> memref<1x80x128xf32, #tpu.memory_space<vmem>>
      %dma_start3A_264 = tpu.memref_squeeze %dma_start3A_263 : memref<1x80x128xf32, #tpu.memory_space<vmem>> -> memref<80x128xf32, #tpu.memory_space<vmem>>
      %dma_start3A_265 = arith.constant 0 : i32
      %dma_start3A_266 = tpu.memref_slice %arg7[%multiple_of3A_259, %dma_start3A_265] : memref<10000x128xf32, #tpu.memory_space<vmem_shared>> -> memref<80x128xf32, #tpu.memory_space<vmem_shared>>
      %dma_start3A_267 = arith.constant 0 : i32
      %dma_start3A_268 = tpu.memref_slice %arg7[%multiple_of3A_259, %dma_start3A_267] : memref<10000x128xf32, #tpu.memory_space<vmem_shared>> -> memref<80x128xf32, #tpu.memory_space<vmem_shared>>
      %dma_start3A_269 = arith.constant 0 : i32
      %dma_start3A_270 = arith.constant 0 : i32
      %dma_start3A_271 = tpu.memref_slice %arg11[%dma_start3A_260, %dma_start3A_269, %dma_start3A_270] : memref<3x80x128xf32, #tpu.memory_space<vmem>> -> memref<1x80x128xf32, #tpu.memory_space<vmem>>
      %dma_start3A_272 = tpu.memref_squeeze %dma_start3A_271 : memref<1x80x128xf32, #tpu.memory_space<vmem>> -> memref<80x128xf32, #tpu.memory_space<vmem>>
      tpu.enqueue_dma source(%dma_start3A_272 : memref<80x128xf32, #tpu.memory_space<vmem>>) target(%dma_start3A_268 : memref<80x128xf32, #tpu.memory_space<vmem_shared>>) target_semaphore(%arg12 : memref<!tpu.dma_semaphore, #tpu.memory_space<semaphore_mem>>)
    }
    %while3A_19 = arith.constant 0 : i32
    %while3A_20 = arith.constant 0 : i32
    %while3A_21 = arith.subi %select_n3A, %while3A_20 : i32
    %while3A_22 = arith.addi %while3A_20, %while3A_21 : i32
    %while3A_23 = arith.constant 1 : i32
    %while3A_24 = arith.divsi %while3A_21, %while3A_23 : i32
    %while3A_25 = arith.muli %while3A_24, %while3A_23 : i32
    %while3A_26 = arith.addi %while3A_20, %while3A_25 : i32
    %while3A_27 = arith.constant 1 : i32
    scf.for %while3A_253 = %while3A_20 to %while3A_26 step %while3A_27  : i32 {
      %mul3A_254 = arith.constant 640 : i32
      %mul3A_255 = arith.muli %arg1, %mul3A_254 : i32
      %mul3A_256 = arith.constant 80 : i32
      %mul3A_257 = arith.muli %while3A_253, %mul3A_256 : i32
      %add3A_258 = arith.addi %mul3A_255, %mul3A_257 : i32
      %multiple_of3A_259 = tpu.assume_multiple %add3A_258, 8 : i32
      %dma_wait3A_260 = arith.constant 0 : i32
      %dma_wait3A_261 = arith.constant 0 : i32
      %dma_wait3A_262 = arith.constant 0 : i32
      %dma_wait3A_263 = tpu.memref_slice %arg11[%dma_wait3A_260, %dma_wait3A_261, %dma_wait3A_262] : memref<3x80x128xf32, #tpu.memory_space<vmem>> -> memref<1x80x128xf32, #tpu.memory_space<vmem>>
      %dma_wait3A_264 = tpu.memref_squeeze %dma_wait3A_263 : memref<1x80x128xf32, #tpu.memory_space<vmem>> -> memref<80x128xf32, #tpu.memory_space<vmem>>
      %dma_wait3A_265 = arith.constant 0 : i32
      %dma_wait3A_266 = tpu.memref_slice %arg7[%multiple_of3A_259, %dma_wait3A_265] : memref<10000x128xf32, #tpu.memory_space<vmem_shared>> -> memref<80x128xf32, #tpu.memory_space<vmem_shared>>
      %dma_wait3A_267 = arith.constant 0 : i32
      %dma_wait3A_268 = tpu.memref_slice %arg7[%multiple_of3A_259, %dma_wait3A_267] : memref<10000x128xf32, #tpu.memory_space<vmem_shared>> -> memref<80x128xf32, #tpu.memory_space<vmem_shared>>
      %dma_wait3A_269 = arith.constant 0 : i32
      %dma_wait3A_270 = arith.constant 0 : i32
      %dma_wait3A_271 = tpu.memref_slice %arg11[%dma_wait3A_260, %dma_wait3A_269, %dma_wait3A_270] : memref<3x80x128xf32, #tpu.memory_space<vmem>> -> memref<1x80x128xf32, #tpu.memory_space<vmem>>
      %dma_wait3A_272 = tpu.memref_squeeze %dma_wait3A_271 : memref<1x80x128xf32, #tpu.memory_space<vmem>> -> memref<80x128xf32, #tpu.memory_space<vmem>>
      tpu.wait_dma2 semaphore(%arg12 : memref<!tpu.dma_semaphore, #tpu.memory_space<semaphore_mem>>) src(%dma_wait3A_272 : memref<80x128xf32, #tpu.memory_space<vmem>>) dst(%dma_wait3A_268 : memref<80x128xf32, #tpu.memory_space<vmem_shared>>)
    }
    %while3A_28 = arith.constant 1 : i32
    scf.for %while3A_253 = %while3A_26 to %while3A_22 step %while3A_28  : i32 {
      %mul3A_254 = arith.constant 640 : i32
      %mul3A_255 = arith.muli %arg1, %mul3A_254 : i32
      %mul3A_256 = arith.constant 80 : i32
      %mul3A_257 = arith.muli %while3A_253, %mul3A_256 : i32
      %add3A_258 = arith.addi %mul3A_255, %mul3A_257 : i32
      %multiple_of3A_259 = tpu.assume_multiple %add3A_258, 8 : i32
      %dma_wait3A_260 = arith.constant 0 : i32
      %dma_wait3A_261 = arith.constant 0 : i32
      %dma_wait3A_262 = arith.constant 0 : i32
      %dma_wait3A_263 = tpu.memref_slice %arg11[%dma_wait3A_260, %dma_wait3A_261, %dma_wait3A_262] : memref<3x80x128xf32, #tpu.memory_space<vmem>> -> memref<1x80x128xf32, #tpu.memory_space<vmem>>
      %dma_wait3A_264 = tpu.memref_squeeze %dma_wait3A_263 : memref<1x80x128xf32, #tpu.memory_space<vmem>> -> memref<80x128xf32, #tpu.memory_space<vmem>>
      %dma_wait3A_265 = arith.constant 0 : i32
      %dma_wait3A_266 = tpu.memref_slice %arg7[%multiple_of3A_259, %dma_wait3A_265] : memref<10000x128xf32, #tpu.memory_space<vmem_shared>> -> memref<80x128xf32, #tpu.memory_space<vmem_shared>>
      %dma_wait3A_267 = arith.constant 0 : i32
      %dma_wait3A_268 = tpu.memref_slice %arg7[%multiple_of3A_259, %dma_wait3A_267] : memref<10000x128xf32, #tpu.memory_space<vmem_shared>> -> memref<80x128xf32, #tpu.memory_space<vmem_shared>>
      %dma_wait3A_269 = arith.constant 0 : i32
      %dma_wait3A_270 = arith.constant 0 : i32
      %dma_wait3A_271 = tpu.memref_slice %arg11[%dma_wait3A_260, %dma_wait3A_269, %dma_wait3A_270] : memref<3x80x128xf32, #tpu.memory_space<vmem>> -> memref<1x80x128xf32, #tpu.memory_space<vmem>>
      %dma_wait3A_272 = tpu.memref_squeeze %dma_wait3A_271 : memref<1x80x128xf32, #tpu.memory_space<vmem>> -> memref<80x128xf32, #tpu.memory_space<vmem>>
      tpu.wait_dma2 semaphore(%arg12 : memref<!tpu.dma_semaphore, #tpu.memory_space<semaphore_mem>>) src(%dma_wait3A_272 : memref<80x128xf32, #tpu.memory_space<vmem>>) dst(%dma_wait3A_268 : memref<80x128xf32, #tpu.memory_space<vmem_shared>>)
    }
    %barrier3A = arith.constant 0 : index
    tpu.barrier barrier_id(%barrier3A)
    %add3A_29 = arith.constant 0 : i32
    %add3A_30 = arith.addi %mul3A_2, %add3A_29 : i32
    %multiple_of3A = tpu.assume_multiple %add3A_30, 8 : i32
    %add3A_31 = arith.constant 160000 : i32
    %add3A_32 = arith.addi %add3A_31, %multiple_of3A : i32
    %add3A_33 = arith.constant 160000 : i32
    %add3A_34 = arith.addi %add3A_33, %multiple_of3A : i32
    %dma_start3A = arith.constant 0 : i32
    %dma_start3A_35 = arith.constant 0 : i32
    %dma_start3A_36 = tpu.memref_slice %arg8[%dma_start3A, %dma_start3A_35] : memref<3x80xi32, #tpu.memory_space<vmem>> -> memref<1x40xi32, #tpu.memory_space<vmem>>
    %dma_start3A_37 = tpu.memref_squeeze %dma_start3A_36 : memref<1x40xi32, #tpu.memory_space<vmem>> -> memref<40xi32, #tpu.memory_space<vmem>>
    %dma_start3A_38 = tpu.memref_slice %arg4[%multiple_of3A] : memref<320000xi32, #tpu.memory_space<hbm>> -> memref<40xi32, #tpu.memory_space<hbm>>
    %dma_start3A_39 = arith.constant 0 : i32
    %dma_start3A_40 = tpu.memref_slice %arg8[%dma_start3A, %dma_start3A_39] : memref<3x80xi32, #tpu.memory_space<vmem>> -> memref<1x40xi32, #tpu.memory_space<vmem>>
    %dma_start3A_41 = tpu.memref_squeeze %dma_start3A_40 : memref<1x40xi32, #tpu.memory_space<vmem>> -> memref<40xi32, #tpu.memory_space<vmem>>
    %dma_start3A_42 = tpu.memref_slice %arg4[%multiple_of3A] : memref<320000xi32, #tpu.memory_space<hbm>> -> memref<40xi32, #tpu.memory_space<hbm>>
    tpu.enqueue_dma source(%dma_start3A_42 : memref<40xi32, #tpu.memory_space<hbm>>) target(%dma_start3A_41 : memref<40xi32, #tpu.memory_space<vmem>>) target_semaphore(%arg12 : memref<!tpu.dma_semaphore, #tpu.memory_space<semaphore_mem>>)
    %dma_start3A_43 = arith.constant 0 : i32
    %dma_start3A_44 = arith.constant 40 : i32
    %dma_start3A_45 = tpu.memref_slice %arg8[%dma_start3A_43, %dma_start3A_44] : memref<3x80xi32, #tpu.memory_space<vmem>> -> memref<1x40xi32, #tpu.memory_space<vmem>>
    %dma_start3A_46 = tpu.memref_squeeze %dma_start3A_45 : memref<1x40xi32, #tpu.memory_space<vmem>> -> memref<40xi32, #tpu.memory_space<vmem>>
    %dma_start3A_47 = tpu.memref_slice %arg4[%add3A_32] : memref<320000xi32, #tpu.memory_space<hbm>> -> memref<40xi32, #tpu.memory_space<hbm>>
    %dma_start3A_48 = arith.constant 40 : i32
    %dma_start3A_49 = tpu.memref_slice %arg8[%dma_start3A_43, %dma_start3A_48] : memref<3x80xi32, #tpu.memory_space<vmem>> -> memref<1x40xi32, #tpu.memory_space<vmem>>
    %dma_start3A_50 = tpu.memref_squeeze %dma_start3A_49 : memref<1x40xi32, #tpu.memory_space<vmem>> -> memref<40xi32, #tpu.memory_space<vmem>>
    %dma_start3A_51 = tpu.memref_slice %arg4[%add3A_32] : memref<320000xi32, #tpu.memory_space<hbm>> -> memref<40xi32, #tpu.memory_space<hbm>>
    tpu.enqueue_dma source(%dma_start3A_51 : memref<40xi32, #tpu.memory_space<hbm>>) target(%dma_start3A_50 : memref<40xi32, #tpu.memory_space<vmem>>) target_semaphore(%arg12 : memref<!tpu.dma_semaphore, #tpu.memory_space<semaphore_mem>>)
    %dma_start3A_52 = arith.constant 0 : i32
    %dma_start3A_53 = arith.constant 0 : i32
    %dma_start3A_54 = tpu.memref_slice %arg9[%dma_start3A_52, %dma_start3A_53] : memref<3x80xi32, #tpu.memory_space<vmem>> -> memref<1x40xi32, #tpu.memory_space<vmem>>
    %dma_start3A_55 = tpu.memref_squeeze %dma_start3A_54 : memref<1x40xi32, #tpu.memory_space<vmem>> -> memref<40xi32, #tpu.memory_space<vmem>>
    %dma_start3A_56 = tpu.memref_slice %arg5[%multiple_of3A] : memref<320000xi32, #tpu.memory_space<hbm>> -> memref<40xi32, #tpu.memory_space<hbm>>
    %dma_start3A_57 = arith.constant 0 : i32
    %dma_start3A_58 = tpu.memref_slice %arg9[%dma_start3A_52, %dma_start3A_57] : memref<3x80xi32, #tpu.memory_space<vmem>> -> memref<1x40xi32, #tpu.memory_space<vmem>>
    %dma_start3A_59 = tpu.memref_squeeze %dma_start3A_58 : memref<1x40xi32, #tpu.memory_space<vmem>> -> memref<40xi32, #tpu.memory_space<vmem>>
    %dma_start3A_60 = tpu.memref_slice %arg5[%multiple_of3A] : memref<320000xi32, #tpu.memory_space<hbm>> -> memref<40xi32, #tpu.memory_space<hbm>>
    tpu.enqueue_dma source(%dma_start3A_60 : memref<40xi32, #tpu.memory_space<hbm>>) target(%dma_start3A_59 : memref<40xi32, #tpu.memory_space<vmem>>) target_semaphore(%arg12 : memref<!tpu.dma_semaphore, #tpu.memory_space<semaphore_mem>>)
    %dma_start3A_61 = arith.constant 0 : i32
    %dma_start3A_62 = arith.constant 40 : i32
    %dma_start3A_63 = tpu.memref_slice %arg9[%dma_start3A_61, %dma_start3A_62] : memref<3x80xi32, #tpu.memory_space<vmem>> -> memref<1x40xi32, #tpu.memory_space<vmem>>
    %dma_start3A_64 = tpu.memref_squeeze %dma_start3A_63 : memref<1x40xi32, #tpu.memory_space<vmem>> -> memref<40xi32, #tpu.memory_space<vmem>>
    %dma_start3A_65 = tpu.memref_slice %arg5[%add3A_34] : memref<320000xi32, #tpu.memory_space<hbm>> -> memref<40xi32, #tpu.memory_space<hbm>>
    %dma_start3A_66 = arith.constant 40 : i32
    %dma_start3A_67 = tpu.memref_slice %arg9[%dma_start3A_61, %dma_start3A_66] : memref<3x80xi32, #tpu.memory_space<vmem>> -> memref<1x40xi32, #tpu.memory_space<vmem>>
    %dma_start3A_68 = tpu.memref_squeeze %dma_start3A_67 : memref<1x40xi32, #tpu.memory_space<vmem>> -> memref<40xi32, #tpu.memory_space<vmem>>
    %dma_start3A_69 = tpu.memref_slice %arg5[%add3A_34] : memref<320000xi32, #tpu.memory_space<hbm>> -> memref<40xi32, #tpu.memory_space<hbm>>
    tpu.enqueue_dma source(%dma_start3A_69 : memref<40xi32, #tpu.memory_space<hbm>>) target(%dma_start3A_68 : memref<40xi32, #tpu.memory_space<vmem>>) target_semaphore(%arg12 : memref<!tpu.dma_semaphore, #tpu.memory_space<semaphore_mem>>)
    %dma_start3A_70 = arith.constant 0 : i32
    %dma_start3A_71 = arith.constant 0 : i32
    %dma_start3A_72 = arith.constant 0 : i32
    %dma_start3A_73 = tpu.memref_slice %arg10[%dma_start3A_70, %dma_start3A_71, %dma_start3A_72] : memref<3x40x128xf32, #tpu.memory_space<vmem>> -> memref<1x40x128xf32, #tpu.memory_space<vmem>>
    %dma_start3A_74 = tpu.memref_squeeze %dma_start3A_73 : memref<1x40x128xf32, #tpu.memory_space<vmem>> -> memref<40x128xf32, #tpu.memory_space<vmem>>
    %dma_start3A_75 = arith.constant 0 : i32
    %dma_start3A_76 = tpu.memref_slice %arg3[%multiple_of3A, %dma_start3A_75] : memref<160000x128xf32, #tpu.memory_space<hbm>> -> memref<40x128xf32, #tpu.memory_space<hbm>>
    %dma_start3A_77 = arith.constant 0 : i32
    %dma_start3A_78 = arith.constant 0 : i32
    %dma_start3A_79 = tpu.memref_slice %arg10[%dma_start3A_70, %dma_start3A_77, %dma_start3A_78] : memref<3x40x128xf32, #tpu.memory_space<vmem>> -> memref<1x40x128xf32, #tpu.memory_space<vmem>>
    %dma_start3A_80 = tpu.memref_squeeze %dma_start3A_79 : memref<1x40x128xf32, #tpu.memory_space<vmem>> -> memref<40x128xf32, #tpu.memory_space<vmem>>
    %dma_start3A_81 = arith.constant 0 : i32
    %dma_start3A_82 = tpu.memref_slice %arg3[%multiple_of3A, %dma_start3A_81] : memref<160000x128xf32, #tpu.memory_space<hbm>> -> memref<40x128xf32, #tpu.memory_space<hbm>>
    tpu.enqueue_dma source(%dma_start3A_82 : memref<40x128xf32, #tpu.memory_space<hbm>>) target(%dma_start3A_80 : memref<40x128xf32, #tpu.memory_space<vmem>>) target_semaphore(%arg12 : memref<!tpu.dma_semaphore, #tpu.memory_space<semaphore_mem>>)
    %add3A_83 = arith.constant 40 : i32
    %add3A_84 = arith.addi %mul3A_2, %add3A_83 : i32
    %multiple_of3A_85 = tpu.assume_multiple %add3A_84, 8 : i32
    %add3A_86 = arith.constant 160000 : i32
    %add3A_87 = arith.addi %add3A_86, %multiple_of3A_85 : i32
    %add3A_88 = arith.constant 160000 : i32
    %add3A_89 = arith.addi %add3A_88, %multiple_of3A_85 : i32
    %dma_start3A_90 = arith.constant 1 : i32
    %dma_start3A_91 = arith.constant 0 : i32
    %dma_start3A_92 = tpu.memref_slice %arg8[%dma_start3A_90, %dma_start3A_91] : memref<3x80xi32, #tpu.memory_space<vmem>> -> memref<1x40xi32, #tpu.memory_space<vmem>>
    %dma_start3A_93 = tpu.memref_squeeze %dma_start3A_92 : memref<1x40xi32, #tpu.memory_space<vmem>> -> memref<40xi32, #tpu.memory_space<vmem>>
    %dma_start3A_94 = tpu.memref_slice %arg4[%multiple_of3A_85] : memref<320000xi32, #tpu.memory_space<hbm>> -> memref<40xi32, #tpu.memory_space<hbm>>
    %dma_start3A_95 = arith.constant 0 : i32
    %dma_start3A_96 = tpu.memref_slice %arg8[%dma_start3A_90, %dma_start3A_95] : memref<3x80xi32, #tpu.memory_space<vmem>> -> memref<1x40xi32, #tpu.memory_space<vmem>>
    %dma_start3A_97 = tpu.memref_squeeze %dma_start3A_96 : memref<1x40xi32, #tpu.memory_space<vmem>> -> memref<40xi32, #tpu.memory_space<vmem>>
    %dma_start3A_98 = tpu.memref_slice %arg4[%multiple_of3A_85] : memref<320000xi32, #tpu.memory_space<hbm>> -> memref<40xi32, #tpu.memory_space<hbm>>
    tpu.enqueue_dma source(%dma_start3A_98 : memref<40xi32, #tpu.memory_space<hbm>>) target(%dma_start3A_97 : memref<40xi32, #tpu.memory_space<vmem>>) target_semaphore(%arg12 : memref<!tpu.dma_semaphore, #tpu.memory_space<semaphore_mem>>)
    %dma_start3A_99 = arith.constant 1 : i32
    %dma_start3A_100 = arith.constant 40 : i32
    %dma_start3A_101 = tpu.memref_slice %arg8[%dma_start3A_99, %dma_start3A_100] : memref<3x80xi32, #tpu.memory_space<vmem>> -> memref<1x40xi32, #tpu.memory_space<vmem>>
    %dma_start3A_102 = tpu.memref_squeeze %dma_start3A_101 : memref<1x40xi32, #tpu.memory_space<vmem>> -> memref<40xi32, #tpu.memory_space<vmem>>
    %dma_start3A_103 = tpu.memref_slice %arg4[%add3A_87] : memref<320000xi32, #tpu.memory_space<hbm>> -> memref<40xi32, #tpu.memory_space<hbm>>
    %dma_start3A_104 = arith.constant 40 : i32
    %dma_start3A_105 = tpu.memref_slice %arg8[%dma_start3A_99, %dma_start3A_104] : memref<3x80xi32, #tpu.memory_space<vmem>> -> memref<1x40xi32, #tpu.memory_space<vmem>>
    %dma_start3A_106 = tpu.memref_squeeze %dma_start3A_105 : memref<1x40xi32, #tpu.memory_space<vmem>> -> memref<40xi32, #tpu.memory_space<vmem>>
    %dma_start3A_107 = tpu.memref_slice %arg4[%add3A_87] : memref<320000xi32, #tpu.memory_space<hbm>> -> memref<40xi32, #tpu.memory_space<hbm>>
    tpu.enqueue_dma source(%dma_start3A_107 : memref<40xi32, #tpu.memory_space<hbm>>) target(%dma_start3A_106 : memref<40xi32, #tpu.memory_space<vmem>>) target_semaphore(%arg12 : memref<!tpu.dma_semaphore, #tpu.memory_space<semaphore_mem>>)
    %dma_start3A_108 = arith.constant 1 : i32
    %dma_start3A_109 = arith.constant 0 : i32
    %dma_start3A_110 = tpu.memref_slice %arg9[%dma_start3A_108, %dma_start3A_109] : memref<3x80xi32, #tpu.memory_space<vmem>> -> memref<1x40xi32, #tpu.memory_space<vmem>>
    %dma_start3A_111 = tpu.memref_squeeze %dma_start3A_110 : memref<1x40xi32, #tpu.memory_space<vmem>> -> memref<40xi32, #tpu.memory_space<vmem>>
    %dma_start3A_112 = tpu.memref_slice %arg5[%multiple_of3A_85] : memref<320000xi32, #tpu.memory_space<hbm>> -> memref<40xi32, #tpu.memory_space<hbm>>
    %dma_start3A_113 = arith.constant 0 : i32
    %dma_start3A_114 = tpu.memref_slice %arg9[%dma_start3A_108, %dma_start3A_113] : memref<3x80xi32, #tpu.memory_space<vmem>> -> memref<1x40xi32, #tpu.memory_space<vmem>>
    %dma_start3A_115 = tpu.memref_squeeze %dma_start3A_114 : memref<1x40xi32, #tpu.memory_space<vmem>> -> memref<40xi32, #tpu.memory_space<vmem>>
    %dma_start3A_116 = tpu.memref_slice %arg5[%multiple_of3A_85] : memref<320000xi32, #tpu.memory_space<hbm>> -> memref<40xi32, #tpu.memory_space<hbm>>
    tpu.enqueue_dma source(%dma_start3A_116 : memref<40xi32, #tpu.memory_space<hbm>>) target(%dma_start3A_115 : memref<40xi32, #tpu.memory_space<vmem>>) target_semaphore(%arg12 : memref<!tpu.dma_semaphore, #tpu.memory_space<semaphore_mem>>)
    %dma_start3A_117 = arith.constant 1 : i32
    %dma_start3A_118 = arith.constant 40 : i32
    %dma_start3A_119 = tpu.memref_slice %arg9[%dma_start3A_117, %dma_start3A_118] : memref<3x80xi32, #tpu.memory_space<vmem>> -> memref<1x40xi32, #tpu.memory_space<vmem>>
    %dma_start3A_120 = tpu.memref_squeeze %dma_start3A_119 : memref<1x40xi32, #tpu.memory_space<vmem>> -> memref<40xi32, #tpu.memory_space<vmem>>
    %dma_start3A_121 = tpu.memref_slice %arg5[%add3A_89] : memref<320000xi32, #tpu.memory_space<hbm>> -> memref<40xi32, #tpu.memory_space<hbm>>
    %dma_start3A_122 = arith.constant 40 : i32
    %dma_start3A_123 = tpu.memref_slice %arg9[%dma_start3A_117, %dma_start3A_122] : memref<3x80xi32, #tpu.memory_space<vmem>> -> memref<1x40xi32, #tpu.memory_space<vmem>>
    %dma_start3A_124 = tpu.memref_squeeze %dma_start3A_123 : memref<1x40xi32, #tpu.memory_space<vmem>> -> memref<40xi32, #tpu.memory_space<vmem>>
    %dma_start3A_125 = tpu.memref_slice %arg5[%add3A_89] : memref<320000xi32, #tpu.memory_space<hbm>> -> memref<40xi32, #tpu.memory_space<hbm>>
    tpu.enqueue_dma source(%dma_start3A_125 : memref<40xi32, #tpu.memory_space<hbm>>) target(%dma_start3A_124 : memref<40xi32, #tpu.memory_space<vmem>>) target_semaphore(%arg12 : memref<!tpu.dma_semaphore, #tpu.memory_space<semaphore_mem>>)
    %dma_start3A_126 = arith.constant 1 : i32
    %dma_start3A_127 = arith.constant 0 : i32
    %dma_start3A_128 = arith.constant 0 : i32
    %dma_start3A_129 = tpu.memref_slice %arg10[%dma_start3A_126, %dma_start3A_127, %dma_start3A_128] : memref<3x40x128xf32, #tpu.memory_space<vmem>> -> memref<1x40x128xf32, #tpu.memory_space<vmem>>
    %dma_start3A_130 = tpu.memref_squeeze %dma_start3A_129 : memref<1x40x128xf32, #tpu.memory_space<vmem>> -> memref<40x128xf32, #tpu.memory_space<vmem>>
    %dma_start3A_131 = arith.constant 0 : i32
    %dma_start3A_132 = tpu.memref_slice %arg3[%multiple_of3A_85, %dma_start3A_131] : memref<160000x128xf32, #tpu.memory_space<hbm>> -> memref<40x128xf32, #tpu.memory_space<hbm>>
    %dma_start3A_133 = arith.constant 0 : i32
    %dma_start3A_134 = arith.constant 0 : i32
    %dma_start3A_135 = tpu.memref_slice %arg10[%dma_start3A_126, %dma_start3A_133, %dma_start3A_134] : memref<3x40x128xf32, #tpu.memory_space<vmem>> -> memref<1x40x128xf32, #tpu.memory_space<vmem>>
    %dma_start3A_136 = tpu.memref_squeeze %dma_start3A_135 : memref<1x40x128xf32, #tpu.memory_space<vmem>> -> memref<40x128xf32, #tpu.memory_space<vmem>>
    %dma_start3A_137 = arith.constant 0 : i32
    %dma_start3A_138 = tpu.memref_slice %arg3[%multiple_of3A_85, %dma_start3A_137] : memref<160000x128xf32, #tpu.memory_space<hbm>> -> memref<40x128xf32, #tpu.memory_space<hbm>>
    tpu.enqueue_dma source(%dma_start3A_138 : memref<40x128xf32, #tpu.memory_space<hbm>>) target(%dma_start3A_136 : memref<40x128xf32, #tpu.memory_space<vmem>>) target_semaphore(%arg12 : memref<!tpu.dma_semaphore, #tpu.memory_space<semaphore_mem>>)
    %add3A_139 = arith.constant 0 : i32
    %add3A_140 = arith.addi %mul3A_2, %add3A_139 : i32
    %multiple_of3A_141 = tpu.assume_multiple %add3A_140, 8 : i32
    %add3A_142 = arith.constant 160000 : i32
    %add3A_143 = arith.addi %add3A_142, %multiple_of3A_141 : i32
    %add3A_144 = arith.constant 160000 : i32
    %add3A_145 = arith.addi %add3A_144, %multiple_of3A_141 : i32
    %dma_wait3A = arith.constant 0 : i32
    %dma_wait3A_146 = arith.constant 0 : i32
    %dma_wait3A_147 = tpu.memref_slice %arg8[%dma_wait3A, %dma_wait3A_146] : memref<3x80xi32, #tpu.memory_space<vmem>> -> memref<1x40xi32, #tpu.memory_space<vmem>>
    %dma_wait3A_148 = tpu.memref_squeeze %dma_wait3A_147 : memref<1x40xi32, #tpu.memory_space<vmem>> -> memref<40xi32, #tpu.memory_space<vmem>>
    %dma_wait3A_149 = tpu.memref_slice %arg4[%multiple_of3A_141] : memref<320000xi32, #tpu.memory_space<hbm>> -> memref<40xi32, #tpu.memory_space<hbm>>
    %dma_wait3A_150 = arith.constant 0 : i32
    %dma_wait3A_151 = tpu.memref_slice %arg8[%dma_wait3A, %dma_wait3A_150] : memref<3x80xi32, #tpu.memory_space<vmem>> -> memref<1x40xi32, #tpu.memory_space<vmem>>
    %dma_wait3A_152 = tpu.memref_squeeze %dma_wait3A_151 : memref<1x40xi32, #tpu.memory_space<vmem>> -> memref<40xi32, #tpu.memory_space<vmem>>
    %dma_wait3A_153 = tpu.memref_slice %arg4[%multiple_of3A_141] : memref<320000xi32, #tpu.memory_space<hbm>> -> memref<40xi32, #tpu.memory_space<hbm>>
    tpu.wait_dma2 semaphore(%arg12 : memref<!tpu.dma_semaphore, #tpu.memory_space<semaphore_mem>>) src(%dma_wait3A_153 : memref<40xi32, #tpu.memory_space<hbm>>) dst(%dma_wait3A_152 : memref<40xi32, #tpu.memory_space<vmem>>)
    %dma_wait3A_154 = arith.constant 0 : i32
    %dma_wait3A_155 = arith.constant 40 : i32
    %dma_wait3A_156 = tpu.memref_slice %arg8[%dma_wait3A_154, %dma_wait3A_155] : memref<3x80xi32, #tpu.memory_space<vmem>> -> memref<1x40xi32, #tpu.memory_space<vmem>>
    %dma_wait3A_157 = tpu.memref_squeeze %dma_wait3A_156 : memref<1x40xi32, #tpu.memory_space<vmem>> -> memref<40xi32, #tpu.memory_space<vmem>>
    %dma_wait3A_158 = tpu.memref_slice %arg4[%add3A_143] : memref<320000xi32, #tpu.memory_space<hbm>> -> memref<40xi32, #tpu.memory_space<hbm>>
    %dma_wait3A_159 = arith.constant 40 : i32
    %dma_wait3A_160 = tpu.memref_slice %arg8[%dma_wait3A_154, %dma_wait3A_159] : memref<3x80xi32, #tpu.memory_space<vmem>> -> memref<1x40xi32, #tpu.memory_space<vmem>>
    %dma_wait3A_161 = tpu.memref_squeeze %dma_wait3A_160 : memref<1x40xi32, #tpu.memory_space<vmem>> -> memref<40xi32, #tpu.memory_space<vmem>>
    %dma_wait3A_162 = tpu.memref_slice %arg4[%add3A_143] : memref<320000xi32, #tpu.memory_space<hbm>> -> memref<40xi32, #tpu.memory_space<hbm>>
    tpu.wait_dma2 semaphore(%arg12 : memref<!tpu.dma_semaphore, #tpu.memory_space<semaphore_mem>>) src(%dma_wait3A_162 : memref<40xi32, #tpu.memory_space<hbm>>) dst(%dma_wait3A_161 : memref<40xi32, #tpu.memory_space<vmem>>)
    %dma_wait3A_163 = arith.constant 0 : i32
    %dma_wait3A_164 = arith.constant 0 : i32
    %dma_wait3A_165 = tpu.memref_slice %arg9[%dma_wait3A_163, %dma_wait3A_164] : memref<3x80xi32, #tpu.memory_space<vmem>> -> memref<1x40xi32, #tpu.memory_space<vmem>>
    %dma_wait3A_166 = tpu.memref_squeeze %dma_wait3A_165 : memref<1x40xi32, #tpu.memory_space<vmem>> -> memref<40xi32, #tpu.memory_space<vmem>>
    %dma_wait3A_167 = tpu.memref_slice %arg5[%multiple_of3A_141] : memref<320000xi32, #tpu.memory_space<hbm>> -> memref<40xi32, #tpu.memory_space<hbm>>
    %dma_wait3A_168 = arith.constant 0 : i32
    %dma_wait3A_169 = tpu.memref_slice %arg9[%dma_wait3A_163, %dma_wait3A_168] : memref<3x80xi32, #tpu.memory_space<vmem>> -> memref<1x40xi32, #tpu.memory_space<vmem>>
    %dma_wait3A_170 = tpu.memref_squeeze %dma_wait3A_169 : memref<1x40xi32, #tpu.memory_space<vmem>> -> memref<40xi32, #tpu.memory_space<vmem>>
    %dma_wait3A_171 = tpu.memref_slice %arg5[%multiple_of3A_141] : memref<320000xi32, #tpu.memory_space<hbm>> -> memref<40xi32, #tpu.memory_space<hbm>>
    tpu.wait_dma2 semaphore(%arg12 : memref<!tpu.dma_semaphore, #tpu.memory_space<semaphore_mem>>) src(%dma_wait3A_171 : memref<40xi32, #tpu.memory_space<hbm>>) dst(%dma_wait3A_170 : memref<40xi32, #tpu.memory_space<vmem>>)
    %dma_wait3A_172 = arith.constant 0 : i32
    %dma_wait3A_173 = arith.constant 40 : i32
    %dma_wait3A_174 = tpu.memref_slice %arg9[%dma_wait3A_172, %dma_wait3A_173] : memref<3x80xi32, #tpu.memory_space<vmem>> -> memref<1x40xi32, #tpu.memory_space<vmem>>
    %dma_wait3A_175 = tpu.memref_squeeze %dma_wait3A_174 : memref<1x40xi32, #tpu.memory_space<vmem>> -> memref<40xi32, #tpu.memory_space<vmem>>
    %dma_wait3A_176 = tpu.memref_slice %arg5[%add3A_145] : memref<320000xi32, #tpu.memory_space<hbm>> -> memref<40xi32, #tpu.memory_space<hbm>>
    %dma_wait3A_177 = arith.constant 40 : i32
    %dma_wait3A_178 = tpu.memref_slice %arg9[%dma_wait3A_172, %dma_wait3A_177] : memref<3x80xi32, #tpu.memory_space<vmem>> -> memref<1x40xi32, #tpu.memory_space<vmem>>
    %dma_wait3A_179 = tpu.memref_squeeze %dma_wait3A_178 : memref<1x40xi32, #tpu.memory_space<vmem>> -> memref<40xi32, #tpu.memory_space<vmem>>
    %dma_wait3A_180 = tpu.memref_slice %arg5[%add3A_145] : memref<320000xi32, #tpu.memory_space<hbm>> -> memref<40xi32, #tpu.memory_space<hbm>>
    tpu.wait_dma2 semaphore(%arg12 : memref<!tpu.dma_semaphore, #tpu.memory_space<semaphore_mem>>) src(%dma_wait3A_180 : memref<40xi32, #tpu.memory_space<hbm>>) dst(%dma_wait3A_179 : memref<40xi32, #tpu.memory_space<vmem>>)
    %dma_wait3A_181 = arith.constant 0 : i32
    %dma_wait3A_182 = arith.constant 0 : i32
    %dma_wait3A_183 = arith.constant 0 : i32
    %dma_wait3A_184 = tpu.memref_slice %arg10[%dma_wait3A_181, %dma_wait3A_182, %dma_wait3A_183] : memref<3x40x128xf32, #tpu.memory_space<vmem>> -> memref<1x40x128xf32, #tpu.memory_space<vmem>>
    %dma_wait3A_185 = tpu.memref_squeeze %dma_wait3A_184 : memref<1x40x128xf32, #tpu.memory_space<vmem>> -> memref<40x128xf32, #tpu.memory_space<vmem>>
    %dma_wait3A_186 = arith.constant 0 : i32
    %dma_wait3A_187 = tpu.memref_slice %arg3[%multiple_of3A_141, %dma_wait3A_186] : memref<160000x128xf32, #tpu.memory_space<hbm>> -> memref<40x128xf32, #tpu.memory_space<hbm>>
    %dma_wait3A_188 = arith.constant 0 : i32
    %dma_wait3A_189 = arith.constant 0 : i32
    %dma_wait3A_190 = tpu.memref_slice %arg10[%dma_wait3A_181, %dma_wait3A_188, %dma_wait3A_189] : memref<3x40x128xf32, #tpu.memory_space<vmem>> -> memref<1x40x128xf32, #tpu.memory_space<vmem>>
    %dma_wait3A_191 = tpu.memref_squeeze %dma_wait3A_190 : memref<1x40x128xf32, #tpu.memory_space<vmem>> -> memref<40x128xf32, #tpu.memory_space<vmem>>
    %dma_wait3A_192 = arith.constant 0 : i32
    %dma_wait3A_193 = tpu.memref_slice %arg3[%multiple_of3A_141, %dma_wait3A_192] : memref<160000x128xf32, #tpu.memory_space<hbm>> -> memref<40x128xf32, #tpu.memory_space<hbm>>
    tpu.wait_dma2 semaphore(%arg12 : memref<!tpu.dma_semaphore, #tpu.memory_space<semaphore_mem>>) src(%dma_wait3A_193 : memref<40x128xf32, #tpu.memory_space<hbm>>) dst(%dma_wait3A_191 : memref<40x128xf32, #tpu.memory_space<vmem>>)
    %dma_start3A_194 = arith.constant 0 : i32
    %dma_start3A_195 = arith.constant 0 : i32
    %dma_start3A_196 = arith.constant 0 : i32
    %dma_start3A_197 = arith.constant 0 : i32
    %dma_start3A_198 = tpu.memref_slice %arg11[%dma_start3A_195, %dma_start3A_196, %dma_start3A_197] : memref<3x80x128xf32, #tpu.memory_space<vmem>> -> memref<1x80x128xf32, #tpu.memory_space<vmem>>
    %dma_start3A_199 = tpu.memref_squeeze %dma_start3A_198 : memref<1x80x128xf32, #tpu.memory_space<vmem>> -> memref<80x128xf32, #tpu.memory_space<vmem>>
    %dma_start3A_200 = arith.constant 0 : i32
    %dma_start3A_201 = tpu.memref_slice %arg8[%dma_start3A_194, %dma_start3A_200] : memref<3x80xi32, #tpu.memory_space<vmem>> -> memref<1x80xi32, #tpu.memory_space<vmem>>
    %dma_start3A_202 = tpu.memref_squeeze %dma_start3A_201 : memref<1x80xi32, #tpu.memory_space<vmem>> -> memref<80xi32, #tpu.memory_space<vmem>>
    %dma_start3A_203 = arith.constant 0 : i32
    %dma_start3A_204 = arith.constant 0 : i32
    %dma_start3A_205 = tpu.memref_slice %arg2[%dma_start3A_203, %dma_start3A_204] : memref<10000x128xf32, #tpu.memory_space<hbm>> -> memref<10000x128xf32, #tpu.memory_space<hbm>>
    tpu.enqueue_indirect_dma source(%dma_start3A_205 : memref<10000x128xf32, #tpu.memory_space<hbm>>) target(%dma_start3A_199 : memref<80x128xf32, #tpu.memory_space<vmem>>) offsets(%dma_start3A_202 : memref<80xi32, #tpu.memory_space<vmem>>) semaphore(%arg13 : memref<!tpu.dma_semaphore, #tpu.memory_space<semaphore_mem>>)
    %scan3A_206 = arith.constant 0 : i32
    %scan3A_207 = arith.constant 0 : i32
    %scan3A_208 = arith.constant 125 : i32
    %scan3A_209 = arith.addi %scan3A_207, %scan3A_208 : i32
    %scan3A_210 = arith.constant 1 : i32
    scf.for %scan3A_253 = %scan3A_207 to %scan3A_209 step %scan3A_210  : i32 {
      %jit3A_254 = arith.constant 3 : i32
      %eq3A_255 = arith.constant 0 : i32
      %eq3A_256 = arith.cmpi eq, %jit3A_254, %eq3A_255 : i32
      %jit3A_257 = arith.constant 1 : i32
      %select_n3A_258 = arith.select %eq3A_256, %jit3A_257, %jit3A_254 : i32
      %rem3A = arith.remsi %scan3A_253, %select_n3A_258 : i32
      %ne3A = arith.constant 0 : i32
      %ne3A_259 = arith.cmpi ne, %rem3A, %ne3A : i32
      %lt3A_260 = arith.constant 0 : i32
      %lt3A_261 = arith.cmpi slt, %rem3A, %lt3A_260 : i32
      %lt3A_262 = arith.constant 0 : i32
      %lt3A_263 = arith.cmpi slt, %select_n3A_258, %lt3A_262 : i32
      %ne3A_264 = arith.xori %lt3A_261, %lt3A_263 : i1
      %and3A = arith.andi %ne3A_264, %ne3A_259 : i1
      %add3A_265 = arith.addi %rem3A, %select_n3A_258 : i32
      %select_n3A_266 = arith.select %and3A, %add3A_265, %rem3A : i32
      %jit3A_267 = arith.constant 3 : i32
      %eq3A_268 = arith.constant 0 : i32
      %eq3A_269 = arith.cmpi eq, %jit3A_267, %eq3A_268 : i32
      %jit3A_270 = arith.constant 1 : i32
      %select_n3A_271 = arith.select %eq3A_269, %jit3A_270, %jit3A_267 : i32
      %rem3A_272 = arith.remsi %scan3A_253, %select_n3A_271 : i32
      %ne3A_273 = arith.constant 0 : i32
      %ne3A_274 = arith.cmpi ne, %rem3A_272, %ne3A_273 : i32
      %lt3A_275 = arith.constant 0 : i32
      %lt3A_276 = arith.cmpi slt, %rem3A_272, %lt3A_275 : i32
      %lt3A_277 = arith.constant 0 : i32
      %lt3A_278 = arith.cmpi slt, %select_n3A_271, %lt3A_277 : i32
      %ne3A_279 = arith.xori %lt3A_276, %lt3A_278 : i1
      %and3A_280 = arith.andi %ne3A_279, %ne3A_274 : i1
      %add3A_281 = arith.addi %rem3A_272, %select_n3A_271 : i32
      %select_n3A_282 = arith.select %and3A_280, %add3A_281, %rem3A_272 : i32
      %dma_wait3A_283 = arith.constant 0 : i32
      %dma_wait3A_284 = arith.constant 0 : i32
      %dma_wait3A_285 = tpu.memref_slice %arg11[%select_n3A_282, %dma_wait3A_283, %dma_wait3A_284] : memref<3x80x128xf32, #tpu.memory_space<vmem>> -> memref<1x80x128xf32, #tpu.memory_space<vmem>>
      %dma_wait3A_286 = tpu.memref_squeeze %dma_wait3A_285 : memref<1x80x128xf32, #tpu.memory_space<vmem>> -> memref<80x128xf32, #tpu.memory_space<vmem>>
      %dma_wait3A_287 = arith.constant 0 : i32
      %dma_wait3A_288 = tpu.memref_slice %arg8[%select_n3A_282, %dma_wait3A_287] : memref<3x80xi32, #tpu.memory_space<vmem>> -> memref<1x80xi32, #tpu.memory_space<vmem>>
      %dma_wait3A_289 = tpu.memref_squeeze %dma_wait3A_288 : memref<1x80xi32, #tpu.memory_space<vmem>> -> memref<80xi32, #tpu.memory_space<vmem>>
      %dma_wait3A_290 = arith.constant 0 : i32
      %dma_wait3A_291 = arith.constant 0 : i32
      %dma_wait3A_292 = tpu.memref_slice %arg2[%dma_wait3A_290, %dma_wait3A_291] : memref<10000x128xf32, #tpu.memory_space<hbm>> -> memref<10000x128xf32, #tpu.memory_space<hbm>>
      tpu.wait_indirect_dma semaphore(%arg13 : memref<!tpu.dma_semaphore, #tpu.memory_space<semaphore_mem>>) src(%dma_wait3A_292 : memref<10000x128xf32, #tpu.memory_space<hbm>>) dst(%dma_wait3A_286 : memref<80x128xf32, #tpu.memory_space<vmem>>)
      %add3A_293 = arith.constant 1 : i32
      %add3A_294 = arith.addi %scan3A_253, %add3A_293 : i32
      %lt3A_295 = arith.constant 125 : i32
      %lt3A_296 = arith.cmpi slt, %add3A_294, %lt3A_295 : i32
      %convert_element_type3A_297 = arith.extui %lt3A_296 : i1 to i32
      %cond3A_298 = arith.constant 0 : i32
      %cond3A_299 = arith.cmpi ne, %convert_element_type3A_297, %cond3A_298 : i32
      scf.if %cond3A_299 {
        %add3A_339 = arith.constant 1 : i32
        %add3A_340 = arith.addi %scan3A_253, %add3A_339 : i32
        %jit3A_341 = arith.constant 3 : i32
        %eq3A_342 = arith.constant 0 : i32
        %eq3A_343 = arith.cmpi eq, %jit3A_341, %eq3A_342 : i32
        %jit3A_344 = arith.constant 1 : i32
        %select_n3A_345 = arith.select %eq3A_343, %jit3A_344, %jit3A_341 : i32
        %rem3A_346 = arith.remsi %add3A_340, %select_n3A_345 : i32
        %ne3A_347 = arith.constant 0 : i32
        %ne3A_348 = arith.cmpi ne, %rem3A_346, %ne3A_347 : i32
        %lt3A_349 = arith.constant 0 : i32
        %lt3A_350 = arith.cmpi slt, %rem3A_346, %lt3A_349 : i32
        %lt3A_351 = arith.constant 0 : i32
        %lt3A_352 = arith.cmpi slt, %select_n3A_345, %lt3A_351 : i32
        %ne3A_353 = arith.xori %lt3A_350, %lt3A_352 : i1
        %and3A_354 = arith.andi %ne3A_353, %ne3A_348 : i1
        %add3A_355 = arith.addi %rem3A_346, %select_n3A_345 : i32
        %select_n3A_356 = arith.select %and3A_354, %add3A_355, %rem3A_346 : i32
        %mul3A_357 = arith.constant 40 : i32
        %mul3A_358 = arith.muli %add3A_340, %mul3A_357 : i32
        %add3A_359 = arith.addi %mul3A_2, %mul3A_358 : i32
        %multiple_of3A_360 = tpu.assume_multiple %add3A_359, 8 : i32
        %add3A_361 = arith.constant 160000 : i32
        %add3A_362 = arith.addi %add3A_361, %multiple_of3A_360 : i32
        %add3A_363 = arith.constant 160000 : i32
        %add3A_364 = arith.addi %add3A_363, %multiple_of3A_360 : i32
        %dma_wait3A_365 = arith.constant 0 : i32
        %dma_wait3A_366 = tpu.memref_slice %arg8[%select_n3A_356, %dma_wait3A_365] : memref<3x80xi32, #tpu.memory_space<vmem>> -> memref<1x40xi32, #tpu.memory_space<vmem>>
        %dma_wait3A_367 = tpu.memref_squeeze %dma_wait3A_366 : memref<1x40xi32, #tpu.memory_space<vmem>> -> memref<40xi32, #tpu.memory_space<vmem>>
        %dma_wait3A_368 = tpu.memref_slice %arg4[%multiple_of3A_360] : memref<320000xi32, #tpu.memory_space<hbm>> -> memref<40xi32, #tpu.memory_space<hbm>>
        %dma_wait3A_369 = arith.constant 0 : i32
        %dma_wait3A_370 = tpu.memref_slice %arg8[%select_n3A_356, %dma_wait3A_369] : memref<3x80xi32, #tpu.memory_space<vmem>> -> memref<1x40xi32, #tpu.memory_space<vmem>>
        %dma_wait3A_371 = tpu.memref_squeeze %dma_wait3A_370 : memref<1x40xi32, #tpu.memory_space<vmem>> -> memref<40xi32, #tpu.memory_space<vmem>>
        %dma_wait3A_372 = tpu.memref_slice %arg4[%multiple_of3A_360] : memref<320000xi32, #tpu.memory_space<hbm>> -> memref<40xi32, #tpu.memory_space<hbm>>
        tpu.wait_dma2 semaphore(%arg12 : memref<!tpu.dma_semaphore, #tpu.memory_space<semaphore_mem>>) src(%dma_wait3A_372 : memref<40xi32, #tpu.memory_space<hbm>>) dst(%dma_wait3A_371 : memref<40xi32, #tpu.memory_space<vmem>>)
        %dma_wait3A_373 = arith.constant 40 : i32
        %dma_wait3A_374 = tpu.memref_slice %arg8[%select_n3A_356, %dma_wait3A_373] : memref<3x80xi32, #tpu.memory_space<vmem>> -> memref<1x40xi32, #tpu.memory_space<vmem>>
        %dma_wait3A_375 = tpu.memref_squeeze %dma_wait3A_374 : memref<1x40xi32, #tpu.memory_space<vmem>> -> memref<40xi32, #tpu.memory_space<vmem>>
        %dma_wait3A_376 = tpu.memref_slice %arg4[%add3A_362] : memref<320000xi32, #tpu.memory_space<hbm>> -> memref<40xi32, #tpu.memory_space<hbm>>
        %dma_wait3A_377 = arith.constant 40 : i32
        %dma_wait3A_378 = tpu.memref_slice %arg8[%select_n3A_356, %dma_wait3A_377] : memref<3x80xi32, #tpu.memory_space<vmem>> -> memref<1x40xi32, #tpu.memory_space<vmem>>
        %dma_wait3A_379 = tpu.memref_squeeze %dma_wait3A_378 : memref<1x40xi32, #tpu.memory_space<vmem>> -> memref<40xi32, #tpu.memory_space<vmem>>
        %dma_wait3A_380 = tpu.memref_slice %arg4[%add3A_362] : memref<320000xi32, #tpu.memory_space<hbm>> -> memref<40xi32, #tpu.memory_space<hbm>>
        tpu.wait_dma2 semaphore(%arg12 : memref<!tpu.dma_semaphore, #tpu.memory_space<semaphore_mem>>) src(%dma_wait3A_380 : memref<40xi32, #tpu.memory_space<hbm>>) dst(%dma_wait3A_379 : memref<40xi32, #tpu.memory_space<vmem>>)
        %dma_wait3A_381 = arith.constant 0 : i32
        %dma_wait3A_382 = tpu.memref_slice %arg9[%select_n3A_356, %dma_wait3A_381] : memref<3x80xi32, #tpu.memory_space<vmem>> -> memref<1x40xi32, #tpu.memory_space<vmem>>
        %dma_wait3A_383 = tpu.memref_squeeze %dma_wait3A_382 : memref<1x40xi32, #tpu.memory_space<vmem>> -> memref<40xi32, #tpu.memory_space<vmem>>
        %dma_wait3A_384 = tpu.memref_slice %arg5[%multiple_of3A_360] : memref<320000xi32, #tpu.memory_space<hbm>> -> memref<40xi32, #tpu.memory_space<hbm>>
        %dma_wait3A_385 = arith.constant 0 : i32
        %dma_wait3A_386 = tpu.memref_slice %arg9[%select_n3A_356, %dma_wait3A_385] : memref<3x80xi32, #tpu.memory_space<vmem>> -> memref<1x40xi32, #tpu.memory_space<vmem>>
        %dma_wait3A_387 = tpu.memref_squeeze %dma_wait3A_386 : memref<1x40xi32, #tpu.memory_space<vmem>> -> memref<40xi32, #tpu.memory_space<vmem>>
        %dma_wait3A_388 = tpu.memref_slice %arg5[%multiple_of3A_360] : memref<320000xi32, #tpu.memory_space<hbm>> -> memref<40xi32, #tpu.memory_space<hbm>>
        tpu.wait_dma2 semaphore(%arg12 : memref<!tpu.dma_semaphore, #tpu.memory_space<semaphore_mem>>) src(%dma_wait3A_388 : memref<40xi32, #tpu.memory_space<hbm>>) dst(%dma_wait3A_387 : memref<40xi32, #tpu.memory_space<vmem>>)
        %dma_wait3A_389 = arith.constant 40 : i32
        %dma_wait3A_390 = tpu.memref_slice %arg9[%select_n3A_356, %dma_wait3A_389] : memref<3x80xi32, #tpu.memory_space<vmem>> -> memref<1x40xi32, #tpu.memory_space<vmem>>
        %dma_wait3A_391 = tpu.memref_squeeze %dma_wait3A_390 : memref<1x40xi32, #tpu.memory_space<vmem>> -> memref<40xi32, #tpu.memory_space<vmem>>
        %dma_wait3A_392 = tpu.memref_slice %arg5[%add3A_364] : memref<320000xi32, #tpu.memory_space<hbm>> -> memref<40xi32, #tpu.memory_space<hbm>>
        %dma_wait3A_393 = arith.constant 40 : i32
        %dma_wait3A_394 = tpu.memref_slice %arg9[%select_n3A_356, %dma_wait3A_393] : memref<3x80xi32, #tpu.memory_space<vmem>> -> memref<1x40xi32, #tpu.memory_space<vmem>>
        %dma_wait3A_395 = tpu.memref_squeeze %dma_wait3A_394 : memref<1x40xi32, #tpu.memory_space<vmem>> -> memref<40xi32, #tpu.memory_space<vmem>>
        %dma_wait3A_396 = tpu.memref_slice %arg5[%add3A_364] : memref<320000xi32, #tpu.memory_space<hbm>> -> memref<40xi32, #tpu.memory_space<hbm>>
        tpu.wait_dma2 semaphore(%arg12 : memref<!tpu.dma_semaphore, #tpu.memory_space<semaphore_mem>>) src(%dma_wait3A_396 : memref<40xi32, #tpu.memory_space<hbm>>) dst(%dma_wait3A_395 : memref<40xi32, #tpu.memory_space<vmem>>)
        %dma_wait3A_397 = arith.constant 0 : i32
        %dma_wait3A_398 = arith.constant 0 : i32
        %dma_wait3A_399 = tpu.memref_slice %arg10[%select_n3A_356, %dma_wait3A_397, %dma_wait3A_398] : memref<3x40x128xf32, #tpu.memory_space<vmem>> -> memref<1x40x128xf32, #tpu.memory_space<vmem>>
        %dma_wait3A_400 = tpu.memref_squeeze %dma_wait3A_399 : memref<1x40x128xf32, #tpu.memory_space<vmem>> -> memref<40x128xf32, #tpu.memory_space<vmem>>
        %dma_wait3A_401 = arith.constant 0 : i32
        %dma_wait3A_402 = tpu.memref_slice %arg3[%multiple_of3A_360, %dma_wait3A_401] : memref<160000x128xf32, #tpu.memory_space<hbm>> -> memref<40x128xf32, #tpu.memory_space<hbm>>
        %dma_wait3A_403 = arith.constant 0 : i32
        %dma_wait3A_404 = arith.constant 0 : i32
        %dma_wait3A_405 = tpu.memref_slice %arg10[%select_n3A_356, %dma_wait3A_403, %dma_wait3A_404] : memref<3x40x128xf32, #tpu.memory_space<vmem>> -> memref<1x40x128xf32, #tpu.memory_space<vmem>>
        %dma_wait3A_406 = tpu.memref_squeeze %dma_wait3A_405 : memref<1x40x128xf32, #tpu.memory_space<vmem>> -> memref<40x128xf32, #tpu.memory_space<vmem>>
        %dma_wait3A_407 = arith.constant 0 : i32
        %dma_wait3A_408 = tpu.memref_slice %arg3[%multiple_of3A_360, %dma_wait3A_407] : memref<160000x128xf32, #tpu.memory_space<hbm>> -> memref<40x128xf32, #tpu.memory_space<hbm>>
        tpu.wait_dma2 semaphore(%arg12 : memref<!tpu.dma_semaphore, #tpu.memory_space<semaphore_mem>>) src(%dma_wait3A_408 : memref<40x128xf32, #tpu.memory_space<hbm>>) dst(%dma_wait3A_406 : memref<40x128xf32, #tpu.memory_space<vmem>>)
        %ge3A = arith.constant 2 : i32
        %ge3A_409 = arith.cmpi sge, %scan3A_253, %ge3A : i32
        %convert_element_type3A_410 = arith.extui %ge3A_409 : i1 to i32
        %cond3A_411 = arith.constant 0 : i32
        %cond3A_412 = arith.cmpi ne, %convert_element_type3A_410, %cond3A_411 : i32
        scf.if %cond3A_412 {
          %sub3A = arith.constant 2 : i32
          %sub3A_441 = arith.subi %scan3A_253, %sub3A : i32
          %jit3A_442 = arith.constant 3 : i32
          %eq3A_443 = arith.constant 0 : i32
          %eq3A_444 = arith.cmpi eq, %jit3A_442, %eq3A_443 : i32
          %jit3A_445 = arith.constant 1 : i32
          %select_n3A_446 = arith.select %eq3A_444, %jit3A_445, %jit3A_442 : i32
          %rem3A_447 = arith.remsi %sub3A_441, %select_n3A_446 : i32
          %ne3A_448 = arith.constant 0 : i32
          %ne3A_449 = arith.cmpi ne, %rem3A_447, %ne3A_448 : i32
          %lt3A_450 = arith.constant 0 : i32
          %lt3A_451 = arith.cmpi slt, %rem3A_447, %lt3A_450 : i32
          %lt3A_452 = arith.constant 0 : i32
          %lt3A_453 = arith.cmpi slt, %select_n3A_446, %lt3A_452 : i32
          %ne3A_454 = arith.xori %lt3A_451, %lt3A_453 : i1
          %and3A_455 = arith.andi %ne3A_454, %ne3A_449 : i1
          %add3A_456 = arith.addi %rem3A_447, %select_n3A_446 : i32
          %select_n3A_457 = arith.select %and3A_455, %add3A_456, %rem3A_447 : i32
          %dma_wait3A_458 = arith.constant 0 : i32
          %dma_wait3A_459 = arith.constant 0 : i32
          %dma_wait3A_460 = tpu.memref_slice %arg11[%select_n3A_457, %dma_wait3A_458, %dma_wait3A_459] : memref<3x80x128xf32, #tpu.memory_space<vmem>> -> memref<1x80x128xf32, #tpu.memory_space<vmem>>
          %dma_wait3A_461 = tpu.memref_squeeze %dma_wait3A_460 : memref<1x80x128xf32, #tpu.memory_space<vmem>> -> memref<80x128xf32, #tpu.memory_space<vmem>>
          %dma_wait3A_462 = arith.constant 0 : i32
          %dma_wait3A_463 = tpu.memref_slice %arg9[%select_n3A_457, %dma_wait3A_462] : memref<3x80xi32, #tpu.memory_space<vmem>> -> memref<1x80xi32, #tpu.memory_space<vmem>>
          %dma_wait3A_464 = tpu.memref_squeeze %dma_wait3A_463 : memref<1x80xi32, #tpu.memory_space<vmem>> -> memref<80xi32, #tpu.memory_space<vmem>>
          %dma_wait3A_465 = arith.constant 0 : i32
          %dma_wait3A_466 = arith.constant 0 : i32
          %dma_wait3A_467 = tpu.memref_slice %arg7[%dma_wait3A_465, %dma_wait3A_466] : memref<10000x128xf32, #tpu.memory_space<vmem_shared>> -> memref<10000x128xf32, #tpu.memory_space<vmem_shared>>
          tpu.wait_indirect_dma semaphore(%arg14 : memref<!tpu.dma_semaphore, #tpu.memory_space<semaphore_mem>>) src(%dma_wait3A_461 : memref<80x128xf32, #tpu.memory_space<vmem>>) dst(%dma_wait3A_467 : memref<10000x128xf32, #tpu.memory_space<vmem_shared>>)
        } else {
        }
        %add3A_413 = arith.constant 1 : i32
        %add3A_414 = arith.addi %scan3A_253, %add3A_413 : i32
        %jit3A_415 = arith.constant 3 : i32
        %eq3A_416 = arith.constant 0 : i32
        %eq3A_417 = arith.cmpi eq, %jit3A_415, %eq3A_416 : i32
        %jit3A_418 = arith.constant 1 : i32
        %select_n3A_419 = arith.select %eq3A_417, %jit3A_418, %jit3A_415 : i32
        %rem3A_420 = arith.remsi %add3A_414, %select_n3A_419 : i32
        %ne3A_421 = arith.constant 0 : i32
        %ne3A_422 = arith.cmpi ne, %rem3A_420, %ne3A_421 : i32
        %lt3A_423 = arith.constant 0 : i32
        %lt3A_424 = arith.cmpi slt, %rem3A_420, %lt3A_423 : i32
        %lt3A_425 = arith.constant 0 : i32
        %lt3A_426 = arith.cmpi slt, %select_n3A_419, %lt3A_425 : i32
        %ne3A_427 = arith.xori %lt3A_424, %lt3A_426 : i1
        %and3A_428 = arith.andi %ne3A_427, %ne3A_422 : i1
        %add3A_429 = arith.addi %rem3A_420, %select_n3A_419 : i32
        %select_n3A_430 = arith.select %and3A_428, %add3A_429, %rem3A_420 : i32
        %dma_start3A_431 = arith.constant 0 : i32
        %dma_start3A_432 = arith.constant 0 : i32
        %dma_start3A_433 = tpu.memref_slice %arg11[%select_n3A_430, %dma_start3A_431, %dma_start3A_432] : memref<3x80x128xf32, #tpu.memory_space<vmem>> -> memref<1x80x128xf32, #tpu.memory_space<vmem>>
        %dma_start3A_434 = tpu.memref_squeeze %dma_start3A_433 : memref<1x80x128xf32, #tpu.memory_space<vmem>> -> memref<80x128xf32, #tpu.memory_space<vmem>>
        %dma_start3A_435 = arith.constant 0 : i32
        %dma_start3A_436 = tpu.memref_slice %arg8[%select_n3A_430, %dma_start3A_435] : memref<3x80xi32, #tpu.memory_space<vmem>> -> memref<1x80xi32, #tpu.memory_space<vmem>>
        %dma_start3A_437 = tpu.memref_squeeze %dma_start3A_436 : memref<1x80xi32, #tpu.memory_space<vmem>> -> memref<80xi32, #tpu.memory_space<vmem>>
        %dma_start3A_438 = arith.constant 0 : i32
        %dma_start3A_439 = arith.constant 0 : i32
        %dma_start3A_440 = tpu.memref_slice %arg2[%dma_start3A_438, %dma_start3A_439] : memref<10000x128xf32, #tpu.memory_space<hbm>> -> memref<10000x128xf32, #tpu.memory_space<hbm>>
        tpu.enqueue_indirect_dma source(%dma_start3A_440 : memref<10000x128xf32, #tpu.memory_space<hbm>>) target(%dma_start3A_434 : memref<80x128xf32, #tpu.memory_space<vmem>>) offsets(%dma_start3A_437 : memref<80xi32, #tpu.memory_space<vmem>>) semaphore(%arg13 : memref<!tpu.dma_semaphore, #tpu.memory_space<semaphore_mem>>)
      } else {
      }
      %add3A_300 = arith.constant 2 : i32
      %add3A_301 = arith.addi %scan3A_253, %add3A_300 : i32
      %lt3A_302 = arith.constant 125 : i32
      %lt3A_303 = arith.cmpi slt, %add3A_301, %lt3A_302 : i32
      %convert_element_type3A_304 = arith.extui %lt3A_303 : i1 to i32
      %cond3A_305 = arith.constant 0 : i32
      %cond3A_306 = arith.cmpi ne, %convert_element_type3A_304, %cond3A_305 : i32
      scf.if %cond3A_306 {
        %add3A_339 = arith.constant 2 : i32
        %add3A_340 = arith.addi %scan3A_253, %add3A_339 : i32
        %jit3A_341 = arith.constant 3 : i32
        %eq3A_342 = arith.constant 0 : i32
        %eq3A_343 = arith.cmpi eq, %jit3A_341, %eq3A_342 : i32
        %jit3A_344 = arith.constant 1 : i32
        %select_n3A_345 = arith.select %eq3A_343, %jit3A_344, %jit3A_341 : i32
        %rem3A_346 = arith.remsi %add3A_340, %select_n3A_345 : i32
        %ne3A_347 = arith.constant 0 : i32
        %ne3A_348 = arith.cmpi ne, %rem3A_346, %ne3A_347 : i32
        %lt3A_349 = arith.constant 0 : i32
        %lt3A_350 = arith.cmpi slt, %rem3A_346, %lt3A_349 : i32
        %lt3A_351 = arith.constant 0 : i32
        %lt3A_352 = arith.cmpi slt, %select_n3A_345, %lt3A_351 : i32
        %ne3A_353 = arith.xori %lt3A_350, %lt3A_352 : i1
        %and3A_354 = arith.andi %ne3A_353, %ne3A_348 : i1
        %add3A_355 = arith.addi %rem3A_346, %select_n3A_345 : i32
        %select_n3A_356 = arith.select %and3A_354, %add3A_355, %rem3A_346 : i32
        %mul3A_357 = arith.constant 40 : i32
        %mul3A_358 = arith.muli %add3A_340, %mul3A_357 : i32
        %add3A_359 = arith.addi %mul3A_2, %mul3A_358 : i32
        %multiple_of3A_360 = tpu.assume_multiple %add3A_359, 8 : i32
        %add3A_361 = arith.constant 160000 : i32
        %add3A_362 = arith.addi %add3A_361, %multiple_of3A_360 : i32
        %add3A_363 = arith.constant 160000 : i32
        %add3A_364 = arith.addi %add3A_363, %multiple_of3A_360 : i32
        %dma_start3A_365 = arith.constant 0 : i32
        %dma_start3A_366 = tpu.memref_slice %arg8[%select_n3A_356, %dma_start3A_365] : memref<3x80xi32, #tpu.memory_space<vmem>> -> memref<1x40xi32, #tpu.memory_space<vmem>>
        %dma_start3A_367 = tpu.memref_squeeze %dma_start3A_366 : memref<1x40xi32, #tpu.memory_space<vmem>> -> memref<40xi32, #tpu.memory_space<vmem>>
        %dma_start3A_368 = tpu.memref_slice %arg4[%multiple_of3A_360] : memref<320000xi32, #tpu.memory_space<hbm>> -> memref<40xi32, #tpu.memory_space<hbm>>
        %dma_start3A_369 = arith.constant 0 : i32
        %dma_start3A_370 = tpu.memref_slice %arg8[%select_n3A_356, %dma_start3A_369] : memref<3x80xi32, #tpu.memory_space<vmem>> -> memref<1x40xi32, #tpu.memory_space<vmem>>
        %dma_start3A_371 = tpu.memref_squeeze %dma_start3A_370 : memref<1x40xi32, #tpu.memory_space<vmem>> -> memref<40xi32, #tpu.memory_space<vmem>>
        %dma_start3A_372 = tpu.memref_slice %arg4[%multiple_of3A_360] : memref<320000xi32, #tpu.memory_space<hbm>> -> memref<40xi32, #tpu.memory_space<hbm>>
        tpu.enqueue_dma source(%dma_start3A_372 : memref<40xi32, #tpu.memory_space<hbm>>) target(%dma_start3A_371 : memref<40xi32, #tpu.memory_space<vmem>>) target_semaphore(%arg12 : memref<!tpu.dma_semaphore, #tpu.memory_space<semaphore_mem>>)
        %dma_start3A_373 = arith.constant 40 : i32
        %dma_start3A_374 = tpu.memref_slice %arg8[%select_n3A_356, %dma_start3A_373] : memref<3x80xi32, #tpu.memory_space<vmem>> -> memref<1x40xi32, #tpu.memory_space<vmem>>
        %dma_start3A_375 = tpu.memref_squeeze %dma_start3A_374 : memref<1x40xi32, #tpu.memory_space<vmem>> -> memref<40xi32, #tpu.memory_space<vmem>>
        %dma_start3A_376 = tpu.memref_slice %arg4[%add3A_362] : memref<320000xi32, #tpu.memory_space<hbm>> -> memref<40xi32, #tpu.memory_space<hbm>>
        %dma_start3A_377 = arith.constant 40 : i32
        %dma_start3A_378 = tpu.memref_slice %arg8[%select_n3A_356, %dma_start3A_377] : memref<3x80xi32, #tpu.memory_space<vmem>> -> memref<1x40xi32, #tpu.memory_space<vmem>>
        %dma_start3A_379 = tpu.memref_squeeze %dma_start3A_378 : memref<1x40xi32, #tpu.memory_space<vmem>> -> memref<40xi32, #tpu.memory_space<vmem>>
        %dma_start3A_380 = tpu.memref_slice %arg4[%add3A_362] : memref<320000xi32, #tpu.memory_space<hbm>> -> memref<40xi32, #tpu.memory_space<hbm>>
        tpu.enqueue_dma source(%dma_start3A_380 : memref<40xi32, #tpu.memory_space<hbm>>) target(%dma_start3A_379 : memref<40xi32, #tpu.memory_space<vmem>>) target_semaphore(%arg12 : memref<!tpu.dma_semaphore, #tpu.memory_space<semaphore_mem>>)
        %dma_start3A_381 = arith.constant 0 : i32
        %dma_start3A_382 = tpu.memref_slice %arg9[%select_n3A_356, %dma_start3A_381] : memref<3x80xi32, #tpu.memory_space<vmem>> -> memref<1x40xi32, #tpu.memory_space<vmem>>
        %dma_start3A_383 = tpu.memref_squeeze %dma_start3A_382 : memref<1x40xi32, #tpu.memory_space<vmem>> -> memref<40xi32, #tpu.memory_space<vmem>>
        %dma_start3A_384 = tpu.memref_slice %arg5[%multiple_of3A_360] : memref<320000xi32, #tpu.memory_space<hbm>> -> memref<40xi32, #tpu.memory_space<hbm>>
        %dma_start3A_385 = arith.constant 0 : i32
        %dma_start3A_386 = tpu.memref_slice %arg9[%select_n3A_356, %dma_start3A_385] : memref<3x80xi32, #tpu.memory_space<vmem>> -> memref<1x40xi32, #tpu.memory_space<vmem>>
        %dma_start3A_387 = tpu.memref_squeeze %dma_start3A_386 : memref<1x40xi32, #tpu.memory_space<vmem>> -> memref<40xi32, #tpu.memory_space<vmem>>
        %dma_start3A_388 = tpu.memref_slice %arg5[%multiple_of3A_360] : memref<320000xi32, #tpu.memory_space<hbm>> -> memref<40xi32, #tpu.memory_space<hbm>>
        tpu.enqueue_dma source(%dma_start3A_388 : memref<40xi32, #tpu.memory_space<hbm>>) target(%dma_start3A_387 : memref<40xi32, #tpu.memory_space<vmem>>) target_semaphore(%arg12 : memref<!tpu.dma_semaphore, #tpu.memory_space<semaphore_mem>>)
        %dma_start3A_389 = arith.constant 40 : i32
        %dma_start3A_390 = tpu.memref_slice %arg9[%select_n3A_356, %dma_start3A_389] : memref<3x80xi32, #tpu.memory_space<vmem>> -> memref<1x40xi32, #tpu.memory_space<vmem>>
        %dma_start3A_391 = tpu.memref_squeeze %dma_start3A_390 : memref<1x40xi32, #tpu.memory_space<vmem>> -> memref<40xi32, #tpu.memory_space<vmem>>
        %dma_start3A_392 = tpu.memref_slice %arg5[%add3A_364] : memref<320000xi32, #tpu.memory_space<hbm>> -> memref<40xi32, #tpu.memory_space<hbm>>
        %dma_start3A_393 = arith.constant 40 : i32
        %dma_start3A_394 = tpu.memref_slice %arg9[%select_n3A_356, %dma_start3A_393] : memref<3x80xi32, #tpu.memory_space<vmem>> -> memref<1x40xi32, #tpu.memory_space<vmem>>
        %dma_start3A_395 = tpu.memref_squeeze %dma_start3A_394 : memref<1x40xi32, #tpu.memory_space<vmem>> -> memref<40xi32, #tpu.memory_space<vmem>>
        %dma_start3A_396 = tpu.memref_slice %arg5[%add3A_364] : memref<320000xi32, #tpu.memory_space<hbm>> -> memref<40xi32, #tpu.memory_space<hbm>>
        tpu.enqueue_dma source(%dma_start3A_396 : memref<40xi32, #tpu.memory_space<hbm>>) target(%dma_start3A_395 : memref<40xi32, #tpu.memory_space<vmem>>) target_semaphore(%arg12 : memref<!tpu.dma_semaphore, #tpu.memory_space<semaphore_mem>>)
        %dma_start3A_397 = arith.constant 0 : i32
        %dma_start3A_398 = arith.constant 0 : i32
        %dma_start3A_399 = tpu.memref_slice %arg10[%select_n3A_356, %dma_start3A_397, %dma_start3A_398] : memref<3x40x128xf32, #tpu.memory_space<vmem>> -> memref<1x40x128xf32, #tpu.memory_space<vmem>>
        %dma_start3A_400 = tpu.memref_squeeze %dma_start3A_399 : memref<1x40x128xf32, #tpu.memory_space<vmem>> -> memref<40x128xf32, #tpu.memory_space<vmem>>
        %dma_start3A_401 = arith.constant 0 : i32
        %dma_start3A_402 = tpu.memref_slice %arg3[%multiple_of3A_360, %dma_start3A_401] : memref<160000x128xf32, #tpu.memory_space<hbm>> -> memref<40x128xf32, #tpu.memory_space<hbm>>
        %dma_start3A_403 = arith.constant 0 : i32
        %dma_start3A_404 = arith.constant 0 : i32
        %dma_start3A_405 = tpu.memref_slice %arg10[%select_n3A_356, %dma_start3A_403, %dma_start3A_404] : memref<3x40x128xf32, #tpu.memory_space<vmem>> -> memref<1x40x128xf32, #tpu.memory_space<vmem>>
        %dma_start3A_406 = tpu.memref_squeeze %dma_start3A_405 : memref<1x40x128xf32, #tpu.memory_space<vmem>> -> memref<40x128xf32, #tpu.memory_space<vmem>>
        %dma_start3A_407 = arith.constant 0 : i32
        %dma_start3A_408 = tpu.memref_slice %arg3[%multiple_of3A_360, %dma_start3A_407] : memref<160000x128xf32, #tpu.memory_space<hbm>> -> memref<40x128xf32, #tpu.memory_space<hbm>>
        tpu.enqueue_dma source(%dma_start3A_408 : memref<40x128xf32, #tpu.memory_space<hbm>>) target(%dma_start3A_406 : memref<40x128xf32, #tpu.memory_space<vmem>>) target_semaphore(%arg12 : memref<!tpu.dma_semaphore, #tpu.memory_space<semaphore_mem>>)
      } else {
      }
      %scan3A_307 = arith.constant 0 : i32
      %scan3A_308 = arith.constant 0 : i32
      %scan3A_309 = arith.constant 40 : i32
      %scan3A_310 = arith.addi %scan3A_308, %scan3A_309 : i32
      %scan3A_311 = arith.constant 4 : i32
      scf.for %scan3A_339 = %scan3A_308 to %scan3A_310 step %scan3A_311  : i32 {
        %get3A = arith.index_cast %select_n3A_266 : i32 to index
        %get3A_340 = arith.index_cast %scan3A_339 : i32 to index
        %get3A_341 = arith.constant 0 : index
        %get3A_342 = tpu.vector_load %arg11[%get3A, %get3A_340, %get3A_341] {strides = array<i32>} : memref<3x80x128xf32, #tpu.memory_space<vmem>>, vector<1x1x16xf32>,
        %get3A_343 = vector.shape_cast %get3A_342 : vector<1x1x16xf32> to vector<16xf32>
        %get3A_344 = arith.index_cast %select_n3A_266 : i32 to index
        %get3A_345 = arith.index_cast %scan3A_339 : i32 to index
        %get3A_346 = arith.constant 0 : index
        %get3A_347 = tpu.vector_load %arg10[%get3A_344, %get3A_345, %get3A_346] {strides = array<i32>} : memref<3x40x128xf32, #tpu.memory_space<vmem>>, vector<1x1x16xf32>,
        %get3A_348 = vector.shape_cast %get3A_347 : vector<1x1x16xf32> to vector<16xf32>
        %mul3A_349 = arith.mulf %get3A_343, %get3A_348 : vector<16xf32>
        %swap3A = arith.index_cast %select_n3A_266 : i32 to index
        %swap3A_350 = arith.index_cast %scan3A_339 : i32 to index
        %swap3A_351 = arith.constant 0 : index
        %swap3A_352 = tpu.vector_load %arg11[%swap3A, %swap3A_350, %swap3A_351] {strides = array<i32>} : memref<3x80x128xf32, #tpu.memory_space<vmem>>, vector<1x1x16xf32>,
        %swap3A_353 = vector.shape_cast %swap3A_352 : vector<1x1x16xf32> to vector<16xf32>
        %swap3A_354 = vector.shape_cast %mul3A_349 : vector<16xf32> to vector<1x1x16xf32>
        tpu.vector_store %arg11[%swap3A, %swap3A_350, %swap3A_351], %swap3A_354 {strides = array<i32>} : memref<3x80x128xf32, #tpu.memory_space<vmem>>, vector<1x1x16xf32>,
        %add3A_355 = arith.constant 40 : i32
        %add3A_356 = arith.addi %add3A_355, %scan3A_339 : i32
        %get3A_357 = arith.index_cast %select_n3A_266 : i32 to index
        %get3A_358 = arith.index_cast %add3A_356 : i32 to index
        %get3A_359 = arith.constant 0 : index
        %get3A_360 = tpu.vector_load %arg11[%get3A_357, %get3A_358, %get3A_359] {strides = array<i32>} : memref<3x80x128xf32, #tpu.memory_space<vmem>>, vector<1x1x16xf32>,
        %get3A_361 = vector.shape_cast %get3A_360 : vector<1x1x16xf32> to vector<16xf32>
        %get3A_362 = arith.index_cast %select_n3A_266 : i32 to index
        %get3A_363 = arith.index_cast %scan3A_339 : i32 to index
        %get3A_364 = arith.constant 64 : index
        %get3A_365 = tpu.vector_load %arg10[%get3A_362, %get3A_363, %get3A_364] {strides = array<i32>} : memref<3x40x128xf32, #tpu.memory_space<vmem>>, vector<1x1x16xf32>,
        %get3A_366 = vector.shape_cast %get3A_365 : vector<1x1x16xf32> to vector<16xf32>
        %mul3A_367 = arith.mulf %get3A_361, %get3A_366 : vector<16xf32>
        %add3A_368 = arith.constant 40 : i32
        %add3A_369 = arith.addi %add3A_368, %scan3A_339 : i32
        %swap3A_370 = arith.index_cast %select_n3A_266 : i32 to index
        %swap3A_371 = arith.index_cast %add3A_369 : i32 to index
        %swap3A_372 = arith.constant 0 : index
        %swap3A_373 = tpu.vector_load %arg11[%swap3A_370, %swap3A_371, %swap3A_372] {strides = array<i32>} : memref<3x80x128xf32, #tpu.memory_space<vmem>>, vector<1x1x16xf32>,
        %swap3A_374 = vector.shape_cast %swap3A_373 : vector<1x1x16xf32> to vector<16xf32>
        %swap3A_375 = vector.shape_cast %mul3A_367 : vector<16xf32> to vector<1x1x16xf32>
        tpu.vector_store %arg11[%swap3A_370, %swap3A_371, %swap3A_372], %swap3A_375 {strides = array<i32>} : memref<3x80x128xf32, #tpu.memory_space<vmem>>, vector<1x1x16xf32>,
        %get3A_376 = arith.index_cast %select_n3A_266 : i32 to index
        %get3A_377 = arith.index_cast %scan3A_339 : i32 to index
        %get3A_378 = arith.constant 16 : index
        %get3A_379 = tpu.vector_load %arg11[%get3A_376, %get3A_377, %get3A_378] {strides = array<i32>} : memref<3x80x128xf32, #tpu.memory_space<vmem>>, vector<1x1x16xf32>,
        %get3A_380 = vector.shape_cast %get3A_379 : vector<1x1x16xf32> to vector<16xf32>
        %get3A_381 = arith.index_cast %select_n3A_266 : i32 to index
        %get3A_382 = arith.index_cast %scan3A_339 : i32 to index
        %get3A_383 = arith.constant 16 : index
        %get3A_384 = tpu.vector_load %arg10[%get3A_381, %get3A_382, %get3A_383] {strides = array<i32>} : memref<3x40x128xf32, #tpu.memory_space<vmem>>, vector<1x1x16xf32>,
        %get3A_385 = vector.shape_cast %get3A_384 : vector<1x1x16xf32> to vector<16xf32>
        %mul3A_386 = arith.mulf %get3A_380, %get3A_385 : vector<16xf32>
        %swap3A_387 = arith.index_cast %select_n3A_266 : i32 to index
        %swap3A_388 = arith.index_cast %scan3A_339 : i32 to index
        %swap3A_389 = arith.constant 16 : index
        %swap3A_390 = tpu.vector_load %arg11[%swap3A_387, %swap3A_388, %swap3A_389] {strides = array<i32>} : memref<3x80x128xf32, #tpu.memory_space<vmem>>, vector<1x1x16xf32>,
        %swap3A_391 = vector.shape_cast %swap3A_390 : vector<1x1x16xf32> to vector<16xf32>
        %swap3A_392 = vector.shape_cast %mul3A_386 : vector<16xf32> to vector<1x1x16xf32>
        tpu.vector_store %arg11[%swap3A_387, %swap3A_388, %swap3A_389], %swap3A_392 {strides = array<i32>} : memref<3x80x128xf32, #tpu.memory_space<vmem>>, vector<1x1x16xf32>,
        %add3A_393 = arith.constant 40 : i32
        %add3A_394 = arith.addi %add3A_393, %scan3A_339 : i32
        %get3A_395 = arith.index_cast %select_n3A_266 : i32 to index
        %get3A_396 = arith.index_cast %add3A_394 : i32 to index
        %get3A_397 = arith.constant 16 : index
        %get3A_398 = tpu.vector_load %arg11[%get3A_395, %get3A_396, %get3A_397] {strides = array<i32>} : memref<3x80x128xf32, #tpu.memory_space<vmem>>, vector<1x1x16xf32>,
        %get3A_399 = vector.shape_cast %get3A_398 : vector<1x1x16xf32> to vector<16xf32>
        %get3A_400 = arith.index_cast %select_n3A_266 : i32 to index
        %get3A_401 = arith.index_cast %scan3A_339 : i32 to index
        %get3A_402 = arith.constant 80 : index
        %get3A_403 = tpu.vector_load %arg10[%get3A_400, %get3A_401, %get3A_402] {strides = array<i32>} : memref<3x40x128xf32, #tpu.memory_space<vmem>>, vector<1x1x16xf32>,
        %get3A_404 = vector.shape_cast %get3A_403 : vector<1x1x16xf32> to vector<16xf32>
        %mul3A_405 = arith.mulf %get3A_399, %get3A_404 : vector<16xf32>
        %add3A_406 = arith.constant 40 : i32
        %add3A_407 = arith.addi %add3A_406, %scan3A_339 : i32
        %swap3A_408 = arith.index_cast %select_n3A_266 : i32 to index
        %swap3A_409 = arith.index_cast %add3A_407 : i32 to index
        %swap3A_410 = arith.constant 16 : index
        %swap3A_411 = tpu.vector_load %arg11[%swap3A_408, %swap3A_409, %swap3A_410] {strides = array<i32>} : memref<3x80x128xf32, #tpu.memory_space<vmem>>, vector<1x1x16xf32>,
        %swap3A_412 = vector.shape_cast %swap3A_411 : vector<1x1x16xf32> to vector<16xf32>
        %swap3A_413 = vector.shape_cast %mul3A_405 : vector<16xf32> to vector<1x1x16xf32>
        tpu.vector_store %arg11[%swap3A_408, %swap3A_409, %swap3A_410], %swap3A_413 {strides = array<i32>} : memref<3x80x128xf32, #tpu.memory_space<vmem>>, vector<1x1x16xf32>,
        %get3A_414 = arith.index_cast %select_n3A_266 : i32 to index
        %get3A_415 = arith.index_cast %scan3A_339 : i32 to index
        %get3A_416 = arith.constant 32 : index
        %get3A_417 = tpu.vector_load %arg11[%get3A_414, %get3A_415, %get3A_416] {strides = array<i32>} : memref<3x80x128xf32, #tpu.memory_space<vmem>>, vector<1x1x16xf32>,
        %get3A_418 = vector.shape_cast %get3A_417 : vector<1x1x16xf32> to vector<16xf32>
        %get3A_419 = arith.index_cast %select_n3A_266 : i32 to index
        %get3A_420 = arith.index_cast %scan3A_339 : i32 to index
        %get3A_421 = arith.constant 32 : index
        %get3A_422 = tpu.vector_load %arg10[%get3A_419, %get3A_420, %get3A_421] {strides = array<i32>} : memref<3x40x128xf32, #tpu.memory_space<vmem>>, vector<1x1x16xf32>,
        %get3A_423 = vector.shape_cast %get3A_422 : vector<1x1x16xf32> to vector<16xf32>
        %mul3A_424 = arith.mulf %get3A_418, %get3A_423 : vector<16xf32>
        %swap3A_425 = arith.index_cast %select_n3A_266 : i32 to index
        %swap3A_426 = arith.index_cast %scan3A_339 : i32 to index
        %swap3A_427 = arith.constant 32 : index
        %swap3A_428 = tpu.vector_load %arg11[%swap3A_425, %swap3A_426, %swap3A_427] {strides = array<i32>} : memref<3x80x128xf32, #tpu.memory_space<vmem>>, vector<1x1x16xf32>,
        %swap3A_429 = vector.shape_cast %swap3A_428 : vector<1x1x16xf32> to vector<16xf32>
        %swap3A_430 = vector.shape_cast %mul3A_424 : vector<16xf32> to vector<1x1x16xf32>
        tpu.vector_store %arg11[%swap3A_425, %swap3A_426, %swap3A_427], %swap3A_430 {strides = array<i32>} : memref<3x80x128xf32, #tpu.memory_space<vmem>>, vector<1x1x16xf32>,
        %add3A_431 = arith.constant 40 : i32
        %add3A_432 = arith.addi %add3A_431, %scan3A_339 : i32
        %get3A_433 = arith.index_cast %select_n3A_266 : i32 to index
        %get3A_434 = arith.index_cast %add3A_432 : i32 to index
        %get3A_435 = arith.constant 32 : index
        %get3A_436 = tpu.vector_load %arg11[%get3A_433, %get3A_434, %get3A_435] {strides = array<i32>} : memref<3x80x128xf32, #tpu.memory_space<vmem>>, vector<1x1x16xf32>,
        %get3A_437 = vector.shape_cast %get3A_436 : vector<1x1x16xf32> to vector<16xf32>
        %get3A_438 = arith.index_cast %select_n3A_266 : i32 to index
        %get3A_439 = arith.index_cast %scan3A_339 : i32 to index
        %get3A_440 = arith.constant 96 : index
        %get3A_441 = tpu.vector_load %arg10[%get3A_438, %get3A_439, %get3A_440] {strides = array<i32>} : memref<3x40x128xf32, #tpu.memory_space<vmem>>, vector<1x1x16xf32>,
        %get3A_442 = vector.shape_cast %get3A_441 : vector<1x1x16xf32> to vector<16xf32>
        %mul3A_443 = arith.mulf %get3A_437, %get3A_442 : vector<16xf32>
        %add3A_444 = arith.constant 40 : i32
        %add3A_445 = arith.addi %add3A_444, %scan3A_339 : i32
        %swap3A_446 = arith.index_cast %select_n3A_266 : i32 to index
        %swap3A_447 = arith.index_cast %add3A_445 : i32 to index
        %swap3A_448 = arith.constant 32 : index
        %swap3A_449 = tpu.vector_load %arg11[%swap3A_446, %swap3A_447, %swap3A_448] {strides = array<i32>} : memref<3x80x128xf32, #tpu.memory_space<vmem>>, vector<1x1x16xf32>,
        %swap3A_450 = vector.shape_cast %swap3A_449 : vector<1x1x16xf32> to vector<16xf32>
        %swap3A_451 = vector.shape_cast %mul3A_443 : vector<16xf32> to vector<1x1x16xf32>
        tpu.vector_store %arg11[%swap3A_446, %swap3A_447, %swap3A_448], %swap3A_451 {strides = array<i32>} : memref<3x80x128xf32, #tpu.memory_space<vmem>>, vector<1x1x16xf32>,
        %get3A_452 = arith.index_cast %select_n3A_266 : i32 to index
        %get3A_453 = arith.index_cast %scan3A_339 : i32 to index
        %get3A_454 = arith.constant 48 : index
        %get3A_455 = tpu.vector_load %arg11[%get3A_452, %get3A_453, %get3A_454] {strides = array<i32>} : memref<3x80x128xf32, #tpu.memory_space<vmem>>, vector<1x1x16xf32>,
        %get3A_456 = vector.shape_cast %get3A_455 : vector<1x1x16xf32> to vector<16xf32>
        %get3A_457 = arith.index_cast %select_n3A_266 : i32 to index
        %get3A_458 = arith.index_cast %scan3A_339 : i32 to index
        %get3A_459 = arith.constant 48 : index
        %get3A_460 = tpu.vector_load %arg10[%get3A_457, %get3A_458, %get3A_459] {strides = array<i32>} : memref<3x40x128xf32, #tpu.memory_space<vmem>>, vector<1x1x16xf32>,
        %get3A_461 = vector.shape_cast %get3A_460 : vector<1x1x16xf32> to vector<16xf32>
        %mul3A_462 = arith.mulf %get3A_456, %get3A_461 : vector<16xf32>
        %swap3A_463 = arith.index_cast %select_n3A_266 : i32 to index
        %swap3A_464 = arith.index_cast %scan3A_339 : i32 to index
        %swap3A_465 = arith.constant 48 : index
        %swap3A_466 = tpu.vector_load %arg11[%swap3A_463, %swap3A_464, %swap3A_465] {strides = array<i32>} : memref<3x80x128xf32, #tpu.memory_space<vmem>>, vector<1x1x16xf32>,
        %swap3A_467 = vector.shape_cast %swap3A_466 : vector<1x1x16xf32> to vector<16xf32>
        %swap3A_468 = vector.shape_cast %mul3A_462 : vector<16xf32> to vector<1x1x16xf32>
        tpu.vector_store %arg11[%swap3A_463, %swap3A_464, %swap3A_465], %swap3A_468 {strides = array<i32>} : memref<3x80x128xf32, #tpu.memory_space<vmem>>, vector<1x1x16xf32>,
        %add3A_469 = arith.constant 40 : i32
        %add3A_470 = arith.addi %add3A_469, %scan3A_339 : i32
        %get3A_471 = arith.index_cast %select_n3A_266 : i32 to index
        %get3A_472 = arith.index_cast %add3A_470 : i32 to index
        %get3A_473 = arith.constant 48 : index
        %get3A_474 = tpu.vector_load %arg11[%get3A_471, %get3A_472, %get3A_473] {strides = array<i32>} : memref<3x80x128xf32, #tpu.memory_space<vmem>>, vector<1x1x16xf32>,
        %get3A_475 = vector.shape_cast %get3A_474 : vector<1x1x16xf32> to vector<16xf32>
        %get3A_476 = arith.index_cast %select_n3A_266 : i32 to index
        %get3A_477 = arith.index_cast %scan3A_339 : i32 to index
        %get3A_478 = arith.constant 112 : index
        %get3A_479 = tpu.vector_load %arg10[%get3A_476, %get3A_477, %get3A_478] {strides = array<i32>} : memref<3x40x128xf32, #tpu.memory_space<vmem>>, vector<1x1x16xf32>,
        %get3A_480 = vector.shape_cast %get3A_479 : vector<1x1x16xf32> to vector<16xf32>
        %mul3A_481 = arith.mulf %get3A_475, %get3A_480 : vector<16xf32>
        %add3A_482 = arith.constant 40 : i32
        %add3A_483 = arith.addi %add3A_482, %scan3A_339 : i32
        %swap3A_484 = arith.index_cast %select_n3A_266 : i32 to index
        %swap3A_485 = arith.index_cast %add3A_483 : i32 to index
        %swap3A_486 = arith.constant 48 : index
        %swap3A_487 = tpu.vector_load %arg11[%swap3A_484, %swap3A_485, %swap3A_486] {strides = array<i32>} : memref<3x80x128xf32, #tpu.memory_space<vmem>>, vector<1x1x16xf32>,
        %swap3A_488 = vector.shape_cast %swap3A_487 : vector<1x1x16xf32> to vector<16xf32>
        %swap3A_489 = vector.shape_cast %mul3A_481 : vector<16xf32> to vector<1x1x16xf32>
        tpu.vector_store %arg11[%swap3A_484, %swap3A_485, %swap3A_486], %swap3A_489 {strides = array<i32>} : memref<3x80x128xf32, #tpu.memory_space<vmem>>, vector<1x1x16xf32>,
        %scan3A_490 = arith.constant 1 : i32
        %scan3A_491 = arith.addi %scan3A_339, %scan3A_490 : i32
        %get3A_492 = arith.index_cast %select_n3A_266 : i32 to index
        %get3A_493 = arith.index_cast %scan3A_491 : i32 to index
        %get3A_494 = arith.constant 0 : index
        %get3A_495 = tpu.vector_load %arg11[%get3A_492, %get3A_493, %get3A_494] {strides = array<i32>} : memref<3x80x128xf32, #tpu.memory_space<vmem>>, vector<1x1x16xf32>,
        %get3A_496 = vector.shape_cast %get3A_495 : vector<1x1x16xf32> to vector<16xf32>
        %get3A_497 = arith.index_cast %select_n3A_266 : i32 to index
        %get3A_498 = arith.index_cast %scan3A_491 : i32 to index
        %get3A_499 = arith.constant 0 : index
        %get3A_500 = tpu.vector_load %arg10[%get3A_497, %get3A_498, %get3A_499] {strides = array<i32>} : memref<3x40x128xf32, #tpu.memory_space<vmem>>, vector<1x1x16xf32>,
        %get3A_501 = vector.shape_cast %get3A_500 : vector<1x1x16xf32> to vector<16xf32>
        %mul3A_502 = arith.mulf %get3A_496, %get3A_501 : vector<16xf32>
        %swap3A_503 = arith.index_cast %select_n3A_266 : i32 to index
        %swap3A_504 = arith.index_cast %scan3A_491 : i32 to index
        %swap3A_505 = arith.constant 0 : index
        %swap3A_506 = tpu.vector_load %arg11[%swap3A_503, %swap3A_504, %swap3A_505] {strides = array<i32>} : memref<3x80x128xf32, #tpu.memory_space<vmem>>, vector<1x1x16xf32>,
        %swap3A_507 = vector.shape_cast %swap3A_506 : vector<1x1x16xf32> to vector<16xf32>
        %swap3A_508 = vector.shape_cast %mul3A_502 : vector<16xf32> to vector<1x1x16xf32>
        tpu.vector_store %arg11[%swap3A_503, %swap3A_504, %swap3A_505], %swap3A_508 {strides = array<i32>} : memref<3x80x128xf32, #tpu.memory_space<vmem>>, vector<1x1x16xf32>,
        %add3A_509 = arith.constant 40 : i32
        %add3A_510 = arith.addi %add3A_509, %scan3A_491 : i32
        %get3A_511 = arith.index_cast %select_n3A_266 : i32 to index
        %get3A_512 = arith.index_cast %add3A_510 : i32 to index
        %get3A_513 = arith.constant 0 : index
        %get3A_514 = tpu.vector_load %arg11[%get3A_511, %get3A_512, %get3A_513] {strides = array<i32>} : memref<3x80x128xf32, #tpu.memory_space<vmem>>, vector<1x1x16xf32>,
        %get3A_515 = vector.shape_cast %get3A_514 : vector<1x1x16xf32> to vector<16xf32>
        %get3A_516 = arith.index_cast %select_n3A_266 : i32 to index
        %get3A_517 = arith.index_cast %scan3A_491 : i32 to index
        %get3A_518 = arith.constant 64 : index
        %get3A_519 = tpu.vector_load %arg10[%get3A_516, %get3A_517, %get3A_518] {strides = array<i32>} : memref<3x40x128xf32, #tpu.memory_space<vmem>>, vector<1x1x16xf32>,
        %get3A_520 = vector.shape_cast %get3A_519 : vector<1x1x16xf32> to vector<16xf32>
        %mul3A_521 = arith.mulf %get3A_515, %get3A_520 : vector<16xf32>
        %add3A_522 = arith.constant 40 : i32
        %add3A_523 = arith.addi %add3A_522, %scan3A_491 : i32
        %swap3A_524 = arith.index_cast %select_n3A_266 : i32 to index
        %swap3A_525 = arith.index_cast %add3A_523 : i32 to index
        %swap3A_526 = arith.constant 0 : index
        %swap3A_527 = tpu.vector_load %arg11[%swap3A_524, %swap3A_525, %swap3A_526] {strides = array<i32>} : memref<3x80x128xf32, #tpu.memory_space<vmem>>, vector<1x1x16xf32>,
        %swap3A_528 = vector.shape_cast %swap3A_527 : vector<1x1x16xf32> to vector<16xf32>
        %swap3A_529 = vector.shape_cast %mul3A_521 : vector<16xf32> to vector<1x1x16xf32>
        tpu.vector_store %arg11[%swap3A_524, %swap3A_525, %swap3A_526], %swap3A_529 {strides = array<i32>} : memref<3x80x128xf32, #tpu.memory_space<vmem>>, vector<1x1x16xf32>,
        %get3A_530 = arith.index_cast %select_n3A_266 : i32 to index
        %get3A_531 = arith.index_cast %scan3A_491 : i32 to index
        %get3A_532 = arith.constant 16 : index
        %get3A_533 = tpu.vector_load %arg11[%get3A_530, %get3A_531, %get3A_532] {strides = array<i32>} : memref<3x80x128xf32, #tpu.memory_space<vmem>>, vector<1x1x16xf32>,
        %get3A_534 = vector.shape_cast %get3A_533 : vector<1x1x16xf32> to vector<16xf32>
        %get3A_535 = arith.index_cast %select_n3A_266 : i32 to index
        %get3A_536 = arith.index_cast %scan3A_491 : i32 to index
        %get3A_537 = arith.constant 16 : index
        %get3A_538 = tpu.vector_load %arg10[%get3A_535, %get3A_536, %get3A_537] {strides = array<i32>} : memref<3x40x128xf32, #tpu.memory_space<vmem>>, vector<1x1x16xf32>,
        %get3A_539 = vector.shape_cast %get3A_538 : vector<1x1x16xf32> to vector<16xf32>
        %mul3A_540 = arith.mulf %get3A_534, %get3A_539 : vector<16xf32>
        %swap3A_541 = arith.index_cast %select_n3A_266 : i32 to index
        %swap3A_542 = arith.index_cast %scan3A_491 : i32 to index
        %swap3A_543 = arith.constant 16 : index
        %swap3A_544 = tpu.vector_load %arg11[%swap3A_541, %swap3A_542, %swap3A_543] {strides = array<i32>} : memref<3x80x128xf32, #tpu.memory_space<vmem>>, vector<1x1x16xf32>,
        %swap3A_545 = vector.shape_cast %swap3A_544 : vector<1x1x16xf32> to vector<16xf32>
        %swap3A_546 = vector.shape_cast %mul3A_540 : vector<16xf32> to vector<1x1x16xf32>
        tpu.vector_store %arg11[%swap3A_541, %swap3A_542, %swap3A_543], %swap3A_546 {strides = array<i32>} : memref<3x80x128xf32, #tpu.memory_space<vmem>>, vector<1x1x16xf32>,
        %add3A_547 = arith.constant 40 : i32
        %add3A_548 = arith.addi %add3A_547, %scan3A_491 : i32
        %get3A_549 = arith.index_cast %select_n3A_266 : i32 to index
        %get3A_550 = arith.index_cast %add3A_548 : i32 to index
        %get3A_551 = arith.constant 16 : index
        %get3A_552 = tpu.vector_load %arg11[%get3A_549, %get3A_550, %get3A_551] {strides = array<i32>} : memref<3x80x128xf32, #tpu.memory_space<vmem>>, vector<1x1x16xf32>,
        %get3A_553 = vector.shape_cast %get3A_552 : vector<1x1x16xf32> to vector<16xf32>
        %get3A_554 = arith.index_cast %select_n3A_266 : i32 to index
        %get3A_555 = arith.index_cast %scan3A_491 : i32 to index
        %get3A_556 = arith.constant 80 : index
        %get3A_557 = tpu.vector_load %arg10[%get3A_554, %get3A_555, %get3A_556] {strides = array<i32>} : memref<3x40x128xf32, #tpu.memory_space<vmem>>, vector<1x1x16xf32>,
        %get3A_558 = vector.shape_cast %get3A_557 : vector<1x1x16xf32> to vector<16xf32>
        %mul3A_559 = arith.mulf %get3A_553, %get3A_558 : vector<16xf32>
        %add3A_560 = arith.constant 40 : i32
        %add3A_561 = arith.addi %add3A_560, %scan3A_491 : i32
        %swap3A_562 = arith.index_cast %select_n3A_266 : i32 to index
        %swap3A_563 = arith.index_cast %add3A_561 : i32 to index
        %swap3A_564 = arith.constant 16 : index
        %swap3A_565 = tpu.vector_load %arg11[%swap3A_562, %swap3A_563, %swap3A_564] {strides = array<i32>} : memref<3x80x128xf32, #tpu.memory_space<vmem>>, vector<1x1x16xf32>,
        %swap3A_566 = vector.shape_cast %swap3A_565 : vector<1x1x16xf32> to vector<16xf32>
        %swap3A_567 = vector.shape_cast %mul3A_559 : vector<16xf32> to vector<1x1x16xf32>
        tpu.vector_store %arg11[%swap3A_562, %swap3A_563, %swap3A_564], %swap3A_567 {strides = array<i32>} : memref<3x80x128xf32, #tpu.memory_space<vmem>>, vector<1x1x16xf32>,
        %get3A_568 = arith.index_cast %select_n3A_266 : i32 to index
        %get3A_569 = arith.index_cast %scan3A_491 : i32 to index
        %get3A_570 = arith.constant 32 : index
        %get3A_571 = tpu.vector_load %arg11[%get3A_568, %get3A_569, %get3A_570] {strides = array<i32>} : memref<3x80x128xf32, #tpu.memory_space<vmem>>, vector<1x1x16xf32>,
        %get3A_572 = vector.shape_cast %get3A_571 : vector<1x1x16xf32> to vector<16xf32>
        %get3A_573 = arith.index_cast %select_n3A_266 : i32 to index
        %get3A_574 = arith.index_cast %scan3A_491 : i32 to index
        %get3A_575 = arith.constant 32 : index
        %get3A_576 = tpu.vector_load %arg10[%get3A_573, %get3A_574, %get3A_575] {strides = array<i32>} : memref<3x40x128xf32, #tpu.memory_space<vmem>>, vector<1x1x16xf32>,
        %get3A_577 = vector.shape_cast %get3A_576 : vector<1x1x16xf32> to vector<16xf32>
        %mul3A_578 = arith.mulf %get3A_572, %get3A_577 : vector<16xf32>
        %swap3A_579 = arith.index_cast %select_n3A_266 : i32 to index
        %swap3A_580 = arith.index_cast %scan3A_491 : i32 to index
        %swap3A_581 = arith.constant 32 : index
        %swap3A_582 = tpu.vector_load %arg11[%swap3A_579, %swap3A_580, %swap3A_581] {strides = array<i32>} : memref<3x80x128xf32, #tpu.memory_space<vmem>>, vector<1x1x16xf32>,
        %swap3A_583 = vector.shape_cast %swap3A_582 : vector<1x1x16xf32> to vector<16xf32>
        %swap3A_584 = vector.shape_cast %mul3A_578 : vector<16xf32> to vector<1x1x16xf32>
        tpu.vector_store %arg11[%swap3A_579, %swap3A_580, %swap3A_581], %swap3A_584 {strides = array<i32>} : memref<3x80x128xf32, #tpu.memory_space<vmem>>, vector<1x1x16xf32>,
        %add3A_585 = arith.constant 40 : i32
        %add3A_586 = arith.addi %add3A_585, %scan3A_491 : i32
        %get3A_587 = arith.index_cast %select_n3A_266 : i32 to index
        %get3A_588 = arith.index_cast %add3A_586 : i32 to index
        %get3A_589 = arith.constant 32 : index
        %get3A_590 = tpu.vector_load %arg11[%get3A_587, %get3A_588, %get3A_589] {strides = array<i32>} : memref<3x80x128xf32, #tpu.memory_space<vmem>>, vector<1x1x16xf32>,
        %get3A_591 = vector.shape_cast %get3A_590 : vector<1x1x16xf32> to vector<16xf32>
        %get3A_592 = arith.index_cast %select_n3A_266 : i32 to index
        %get3A_593 = arith.index_cast %scan3A_491 : i32 to index
        %get3A_594 = arith.constant 96 : index
        %get3A_595 = tpu.vector_load %arg10[%get3A_592, %get3A_593, %get3A_594] {strides = array<i32>} : memref<3x40x128xf32, #tpu.memory_space<vmem>>, vector<1x1x16xf32>,
        %get3A_596 = vector.shape_cast %get3A_595 : vector<1x1x16xf32> to vector<16xf32>
        %mul3A_597 = arith.mulf %get3A_591, %get3A_596 : vector<16xf32>
        %add3A_598 = arith.constant 40 : i32
        %add3A_599 = arith.addi %add3A_598, %scan3A_491 : i32
        %swap3A_600 = arith.index_cast %select_n3A_266 : i32 to index
        %swap3A_601 = arith.index_cast %add3A_599 : i32 to index
        %swap3A_602 = arith.constant 32 : index
        %swap3A_603 = tpu.vector_load %arg11[%swap3A_600, %swap3A_601, %swap3A_602] {strides = array<i32>} : memref<3x80x128xf32, #tpu.memory_space<vmem>>, vector<1x1x16xf32>,
        %swap3A_604 = vector.shape_cast %swap3A_603 : vector<1x1x16xf32> to vector<16xf32>
        %swap3A_605 = vector.shape_cast %mul3A_597 : vector<16xf32> to vector<1x1x16xf32>
        tpu.vector_store %arg11[%swap3A_600, %swap3A_601, %swap3A_602], %swap3A_605 {strides = array<i32>} : memref<3x80x128xf32, #tpu.memory_space<vmem>>, vector<1x1x16xf32>,
        %get3A_606 = arith.index_cast %select_n3A_266 : i32 to index
        %get3A_607 = arith.index_cast %scan3A_491 : i32 to index
        %get3A_608 = arith.constant 48 : index
        %get3A_609 = tpu.vector_load %arg11[%get3A_606, %get3A_607, %get3A_608] {strides = array<i32>} : memref<3x80x128xf32, #tpu.memory_space<vmem>>, vector<1x1x16xf32>,
        %get3A_610 = vector.shape_cast %get3A_609 : vector<1x1x16xf32> to vector<16xf32>
        %get3A_611 = arith.index_cast %select_n3A_266 : i32 to index
        %get3A_612 = arith.index_cast %scan3A_491 : i32 to index
        %get3A_613 = arith.constant 48 : index
        %get3A_614 = tpu.vector_load %arg10[%get3A_611, %get3A_612, %get3A_613] {strides = array<i32>} : memref<3x40x128xf32, #tpu.memory_space<vmem>>, vector<1x1x16xf32>,
        %get3A_615 = vector.shape_cast %get3A_614 : vector<1x1x16xf32> to vector<16xf32>
        %mul3A_616 = arith.mulf %get3A_610, %get3A_615 : vector<16xf32>
        %swap3A_617 = arith.index_cast %select_n3A_266 : i32 to index
        %swap3A_618 = arith.index_cast %scan3A_491 : i32 to index
        %swap3A_619 = arith.constant 48 : index
        %swap3A_620 = tpu.vector_load %arg11[%swap3A_617, %swap3A_618, %swap3A_619] {strides = array<i32>} : memref<3x80x128xf32, #tpu.memory_space<vmem>>, vector<1x1x16xf32>,
        %swap3A_621 = vector.shape_cast %swap3A_620 : vector<1x1x16xf32> to vector<16xf32>
        %swap3A_622 = vector.shape_cast %mul3A_616 : vector<16xf32> to vector<1x1x16xf32>
        tpu.vector_store %arg11[%swap3A_617, %swap3A_618, %swap3A_619], %swap3A_622 {strides = array<i32>} : memref<3x80x128xf32, #tpu.memory_space<vmem>>, vector<1x1x16xf32>,
        %add3A_623 = arith.constant 40 : i32
        %add3A_624 = arith.addi %add3A_623, %scan3A_491 : i32
        %get3A_625 = arith.index_cast %select_n3A_266 : i32 to index
        %get3A_626 = arith.index_cast %add3A_624 : i32 to index
        %get3A_627 = arith.constant 48 : index
        %get3A_628 = tpu.vector_load %arg11[%get3A_625, %get3A_626, %get3A_627] {strides = array<i32>} : memref<3x80x128xf32, #tpu.memory_space<vmem>>, vector<1x1x16xf32>,
        %get3A_629 = vector.shape_cast %get3A_628 : vector<1x1x16xf32> to vector<16xf32>
        %get3A_630 = arith.index_cast %select_n3A_266 : i32 to index
        %get3A_631 = arith.index_cast %scan3A_491 : i32 to index
        %get3A_632 = arith.constant 112 : index
        %get3A_633 = tpu.vector_load %arg10[%get3A_630, %get3A_631, %get3A_632] {strides = array<i32>} : memref<3x40x128xf32, #tpu.memory_space<vmem>>, vector<1x1x16xf32>,
        %get3A_634 = vector.shape_cast %get3A_633 : vector<1x1x16xf32> to vector<16xf32>
        %mul3A_635 = arith.mulf %get3A_629, %get3A_634 : vector<16xf32>
        %add3A_636 = arith.constant 40 : i32
        %add3A_637 = arith.addi %add3A_636, %scan3A_491 : i32
        %swap3A_638 = arith.index_cast %select_n3A_266 : i32 to index
        %swap3A_639 = arith.index_cast %add3A_637 : i32 to index
        %swap3A_640 = arith.constant 48 : index
        %swap3A_641 = tpu.vector_load %arg11[%swap3A_638, %swap3A_639, %swap3A_640] {strides = array<i32>} : memref<3x80x128xf32, #tpu.memory_space<vmem>>, vector<1x1x16xf32>,
        %swap3A_642 = vector.shape_cast %swap3A_641 : vector<1x1x16xf32> to vector<16xf32>
        %swap3A_643 = vector.shape_cast %mul3A_635 : vector<16xf32> to vector<1x1x16xf32>
        tpu.vector_store %arg11[%swap3A_638, %swap3A_639, %swap3A_640], %swap3A_643 {strides = array<i32>} : memref<3x80x128xf32, #tpu.memory_space<vmem>>, vector<1x1x16xf32>,
        %scan3A_644 = arith.constant 2 : i32
        %scan3A_645 = arith.addi %scan3A_339, %scan3A_644 : i32
        %get3A_646 = arith.index_cast %select_n3A_266 : i32 to index
        %get3A_647 = arith.index_cast %scan3A_645 : i32 to index
        %get3A_648 = arith.constant 0 : index
        %get3A_649 = tpu.vector_load %arg11[%get3A_646, %get3A_647, %get3A_648] {strides = array<i32>} : memref<3x80x128xf32, #tpu.memory_space<vmem>>, vector<1x1x16xf32>,
        %get3A_650 = vector.shape_cast %get3A_649 : vector<1x1x16xf32> to vector<16xf32>
        %get3A_651 = arith.index_cast %select_n3A_266 : i32 to index
        %get3A_652 = arith.index_cast %scan3A_645 : i32 to index
        %get3A_653 = arith.constant 0 : index
        %get3A_654 = tpu.vector_load %arg10[%get3A_651, %get3A_652, %get3A_653] {strides = array<i32>} : memref<3x40x128xf32, #tpu.memory_space<vmem>>, vector<1x1x16xf32>,
        %get3A_655 = vector.shape_cast %get3A_654 : vector<1x1x16xf32> to vector<16xf32>
        %mul3A_656 = arith.mulf %get3A_650, %get3A_655 : vector<16xf32>
        %swap3A_657 = arith.index_cast %select_n3A_266 : i32 to index
        %swap3A_658 = arith.index_cast %scan3A_645 : i32 to index
        %swap3A_659 = arith.constant 0 : index
        %swap3A_660 = tpu.vector_load %arg11[%swap3A_657, %swap3A_658, %swap3A_659] {strides = array<i32>} : memref<3x80x128xf32, #tpu.memory_space<vmem>>, vector<1x1x16xf32>,
        %swap3A_661 = vector.shape_cast %swap3A_660 : vector<1x1x16xf32> to vector<16xf32>
        %swap3A_662 = vector.shape_cast %mul3A_656 : vector<16xf32> to vector<1x1x16xf32>
        tpu.vector_store %arg11[%swap3A_657, %swap3A_658, %swap3A_659], %swap3A_662 {strides = array<i32>} : memref<3x80x128xf32, #tpu.memory_space<vmem>>, vector<1x1x16xf32>,
        %add3A_663 = arith.constant 40 : i32
        %add3A_664 = arith.addi %add3A_663, %scan3A_645 : i32
        %get3A_665 = arith.index_cast %select_n3A_266 : i32 to index
        %get3A_666 = arith.index_cast %add3A_664 : i32 to index
        %get3A_667 = arith.constant 0 : index
        %get3A_668 = tpu.vector_load %arg11[%get3A_665, %get3A_666, %get3A_667] {strides = array<i32>} : memref<3x80x128xf32, #tpu.memory_space<vmem>>, vector<1x1x16xf32>,
        %get3A_669 = vector.shape_cast %get3A_668 : vector<1x1x16xf32> to vector<16xf32>
        %get3A_670 = arith.index_cast %select_n3A_266 : i32 to index
        %get3A_671 = arith.index_cast %scan3A_645 : i32 to index
        %get3A_672 = arith.constant 64 : index
        %get3A_673 = tpu.vector_load %arg10[%get3A_670, %get3A_671, %get3A_672] {strides = array<i32>} : memref<3x40x128xf32, #tpu.memory_space<vmem>>, vector<1x1x16xf32>,
        %get3A_674 = vector.shape_cast %get3A_673 : vector<1x1x16xf32> to vector<16xf32>
        %mul3A_675 = arith.mulf %get3A_669, %get3A_674 : vector<16xf32>
        %add3A_676 = arith.constant 40 : i32
        %add3A_677 = arith.addi %add3A_676, %scan3A_645 : i32
        %swap3A_678 = arith.index_cast %select_n3A_266 : i32 to index
        %swap3A_679 = arith.index_cast %add3A_677 : i32 to index
        %swap3A_680 = arith.constant 0 : index
        %swap3A_681 = tpu.vector_load %arg11[%swap3A_678, %swap3A_679, %swap3A_680] {strides = array<i32>} : memref<3x80x128xf32, #tpu.memory_space<vmem>>, vector<1x1x16xf32>,
        %swap3A_682 = vector.shape_cast %swap3A_681 : vector<1x1x16xf32> to vector<16xf32>
        %swap3A_683 = vector.shape_cast %mul3A_675 : vector<16xf32> to vector<1x1x16xf32>
        tpu.vector_store %arg11[%swap3A_678, %swap3A_679, %swap3A_680], %swap3A_683 {strides = array<i32>} : memref<3x80x128xf32, #tpu.memory_space<vmem>>, vector<1x1x16xf32>,
        %get3A_684 = arith.index_cast %select_n3A_266 : i32 to index
        %get3A_685 = arith.index_cast %scan3A_645 : i32 to index
        %get3A_686 = arith.constant 16 : index
        %get3A_687 = tpu.vector_load %arg11[%get3A_684, %get3A_685, %get3A_686] {strides = array<i32>} : memref<3x80x128xf32, #tpu.memory_space<vmem>>, vector<1x1x16xf32>,
        %get3A_688 = vector.shape_cast %get3A_687 : vector<1x1x16xf32> to vector<16xf32>
        %get3A_689 = arith.index_cast %select_n3A_266 : i32 to index
        %get3A_690 = arith.index_cast %scan3A_645 : i32 to index
        %get3A_691 = arith.constant 16 : index
        %get3A_692 = tpu.vector_load %arg10[%get3A_689, %get3A_690, %get3A_691] {strides = array<i32>} : memref<3x40x128xf32, #tpu.memory_space<vmem>>, vector<1x1x16xf32>,
        %get3A_693 = vector.shape_cast %get3A_692 : vector<1x1x16xf32> to vector<16xf32>
        %mul3A_694 = arith.mulf %get3A_688, %get3A_693 : vector<16xf32>
        %swap3A_695 = arith.index_cast %select_n3A_266 : i32 to index
        %swap3A_696 = arith.index_cast %scan3A_645 : i32 to index
        %swap3A_697 = arith.constant 16 : index
        %swap3A_698 = tpu.vector_load %arg11[%swap3A_695, %swap3A_696, %swap3A_697] {strides = array<i32>} : memref<3x80x128xf32, #tpu.memory_space<vmem>>, vector<1x1x16xf32>,
        %swap3A_699 = vector.shape_cast %swap3A_698 : vector<1x1x16xf32> to vector<16xf32>
        %swap3A_700 = vector.shape_cast %mul3A_694 : vector<16xf32> to vector<1x1x16xf32>
        tpu.vector_store %arg11[%swap3A_695, %swap3A_696, %swap3A_697], %swap3A_700 {strides = array<i32>} : memref<3x80x128xf32, #tpu.memory_space<vmem>>, vector<1x1x16xf32>,
        %add3A_701 = arith.constant 40 : i32
        %add3A_702 = arith.addi %add3A_701, %scan3A_645 : i32
        %get3A_703 = arith.index_cast %select_n3A_266 : i32 to index
        %get3A_704 = arith.index_cast %add3A_702 : i32 to index
        %get3A_705 = arith.constant 16 : index
        %get3A_706 = tpu.vector_load %arg11[%get3A_703, %get3A_704, %get3A_705] {strides = array<i32>} : memref<3x80x128xf32, #tpu.memory_space<vmem>>, vector<1x1x16xf32>,
        %get3A_707 = vector.shape_cast %get3A_706 : vector<1x1x16xf32> to vector<16xf32>
        %get3A_708 = arith.index_cast %select_n3A_266 : i32 to index
        %get3A_709 = arith.index_cast %scan3A_645 : i32 to index
        %get3A_710 = arith.constant 80 : index
        %get3A_711 = tpu.vector_load %arg10[%get3A_708, %get3A_709, %get3A_710] {strides = array<i32>} : memref<3x40x128xf32, #tpu.memory_space<vmem>>, vector<1x1x16xf32>,
        %get3A_712 = vector.shape_cast %get3A_711 : vector<1x1x16xf32> to vector<16xf32>
        %mul3A_713 = arith.mulf %get3A_707, %get3A_712 : vector<16xf32>
        %add3A_714 = arith.constant 40 : i32
        %add3A_715 = arith.addi %add3A_714, %scan3A_645 : i32
        %swap3A_716 = arith.index_cast %select_n3A_266 : i32 to index
        %swap3A_717 = arith.index_cast %add3A_715 : i32 to index
        %swap3A_718 = arith.constant 16 : index
        %swap3A_719 = tpu.vector_load %arg11[%swap3A_716, %swap3A_717, %swap3A_718] {strides = array<i32>} : memref<3x80x128xf32, #tpu.memory_space<vmem>>, vector<1x1x16xf32>,
        %swap3A_720 = vector.shape_cast %swap3A_719 : vector<1x1x16xf32> to vector<16xf32>
        %swap3A_721 = vector.shape_cast %mul3A_713 : vector<16xf32> to vector<1x1x16xf32>
        tpu.vector_store %arg11[%swap3A_716, %swap3A_717, %swap3A_718], %swap3A_721 {strides = array<i32>} : memref<3x80x128xf32, #tpu.memory_space<vmem>>, vector<1x1x16xf32>,
        %get3A_722 = arith.index_cast %select_n3A_266 : i32 to index
        %get3A_723 = arith.index_cast %scan3A_645 : i32 to index
        %get3A_724 = arith.constant 32 : index
        %get3A_725 = tpu.vector_load %arg11[%get3A_722, %get3A_723, %get3A_724] {strides = array<i32>} : memref<3x80x128xf32, #tpu.memory_space<vmem>>, vector<1x1x16xf32>,
        %get3A_726 = vector.shape_cast %get3A_725 : vector<1x1x16xf32> to vector<16xf32>
        %get3A_727 = arith.index_cast %select_n3A_266 : i32 to index
        %get3A_728 = arith.index_cast %scan3A_645 : i32 to index
        %get3A_729 = arith.constant 32 : index
        %get3A_730 = tpu.vector_load %arg10[%get3A_727, %get3A_728, %get3A_729] {strides = array<i32>} : memref<3x40x128xf32, #tpu.memory_space<vmem>>, vector<1x1x16xf32>,
        %get3A_731 = vector.shape_cast %get3A_730 : vector<1x1x16xf32> to vector<16xf32>
        %mul3A_732 = arith.mulf %get3A_726, %get3A_731 : vector<16xf32>
        %swap3A_733 = arith.index_cast %select_n3A_266 : i32 to index
        %swap3A_734 = arith.index_cast %scan3A_645 : i32 to index
        %swap3A_735 = arith.constant 32 : index
        %swap3A_736 = tpu.vector_load %arg11[%swap3A_733, %swap3A_734, %swap3A_735] {strides = array<i32>} : memref<3x80x128xf32, #tpu.memory_space<vmem>>, vector<1x1x16xf32>,
        %swap3A_737 = vector.shape_cast %swap3A_736 : vector<1x1x16xf32> to vector<16xf32>
        %swap3A_738 = vector.shape_cast %mul3A_732 : vector<16xf32> to vector<1x1x16xf32>
        tpu.vector_store %arg11[%swap3A_733, %swap3A_734, %swap3A_735], %swap3A_738 {strides = array<i32>} : memref<3x80x128xf32, #tpu.memory_space<vmem>>, vector<1x1x16xf32>,
        %add3A_739 = arith.constant 40 : i32
        %add3A_740 = arith.addi %add3A_739, %scan3A_645 : i32
        %get3A_741 = arith.index_cast %select_n3A_266 : i32 to index
        %get3A_742 = arith.index_cast %add3A_740 : i32 to index
        %get3A_743 = arith.constant 32 : index
        %get3A_744 = tpu.vector_load %arg11[%get3A_741, %get3A_742, %get3A_743] {strides = array<i32>} : memref<3x80x128xf32, #tpu.memory_space<vmem>>, vector<1x1x16xf32>,
        %get3A_745 = vector.shape_cast %get3A_744 : vector<1x1x16xf32> to vector<16xf32>
        %get3A_746 = arith.index_cast %select_n3A_266 : i32 to index
        %get3A_747 = arith.index_cast %scan3A_645 : i32 to index
        %get3A_748 = arith.constant 96 : index
        %get3A_749 = tpu.vector_load %arg10[%get3A_746, %get3A_747, %get3A_748] {strides = array<i32>} : memref<3x40x128xf32, #tpu.memory_space<vmem>>, vector<1x1x16xf32>,
        %get3A_750 = vector.shape_cast %get3A_749 : vector<1x1x16xf32> to vector<16xf32>
        %mul3A_751 = arith.mulf %get3A_745, %get3A_750 : vector<16xf32>
        %add3A_752 = arith.constant 40 : i32
        %add3A_753 = arith.addi %add3A_752, %scan3A_645 : i32
        %swap3A_754 = arith.index_cast %select_n3A_266 : i32 to index
        %swap3A_755 = arith.index_cast %add3A_753 : i32 to index
        %swap3A_756 = arith.constant 32 : index
        %swap3A_757 = tpu.vector_load %arg11[%swap3A_754, %swap3A_755, %swap3A_756] {strides = array<i32>} : memref<3x80x128xf32, #tpu.memory_space<vmem>>, vector<1x1x16xf32>,
        %swap3A_758 = vector.shape_cast %swap3A_757 : vector<1x1x16xf32> to vector<16xf32>
        %swap3A_759 = vector.shape_cast %mul3A_751 : vector<16xf32> to vector<1x1x16xf32>
        tpu.vector_store %arg11[%swap3A_754, %swap3A_755, %swap3A_756], %swap3A_759 {strides = array<i32>} : memref<3x80x128xf32, #tpu.memory_space<vmem>>, vector<1x1x16xf32>,
        %get3A_760 = arith.index_cast %select_n3A_266 : i32 to index
        %get3A_761 = arith.index_cast %scan3A_645 : i32 to index
        %get3A_762 = arith.constant 48 : index
        %get3A_763 = tpu.vector_load %arg11[%get3A_760, %get3A_761, %get3A_762] {strides = array<i32>} : memref<3x80x128xf32, #tpu.memory_space<vmem>>, vector<1x1x16xf32>,
        %get3A_764 = vector.shape_cast %get3A_763 : vector<1x1x16xf32> to vector<16xf32>
        %get3A_765 = arith.index_cast %select_n3A_266 : i32 to index
        %get3A_766 = arith.index_cast %scan3A_645 : i32 to index
        %get3A_767 = arith.constant 48 : index
        %get3A_768 = tpu.vector_load %arg10[%get3A_765, %get3A_766, %get3A_767] {strides = array<i32>} : memref<3x40x128xf32, #tpu.memory_space<vmem>>, vector<1x1x16xf32>,
        %get3A_769 = vector.shape_cast %get3A_768 : vector<1x1x16xf32> to vector<16xf32>
        %mul3A_770 = arith.mulf %get3A_764, %get3A_769 : vector<16xf32>
        %swap3A_771 = arith.index_cast %select_n3A_266 : i32 to index
        %swap3A_772 = arith.index_cast %scan3A_645 : i32 to index
        %swap3A_773 = arith.constant 48 : index
        %swap3A_774 = tpu.vector_load %arg11[%swap3A_771, %swap3A_772, %swap3A_773] {strides = array<i32>} : memref<3x80x128xf32, #tpu.memory_space<vmem>>, vector<1x1x16xf32>,
        %swap3A_775 = vector.shape_cast %swap3A_774 : vector<1x1x16xf32> to vector<16xf32>
        %swap3A_776 = vector.shape_cast %mul3A_770 : vector<16xf32> to vector<1x1x16xf32>
        tpu.vector_store %arg11[%swap3A_771, %swap3A_772, %swap3A_773], %swap3A_776 {strides = array<i32>} : memref<3x80x128xf32, #tpu.memory_space<vmem>>, vector<1x1x16xf32>,
        %add3A_777 = arith.constant 40 : i32
        %add3A_778 = arith.addi %add3A_777, %scan3A_645 : i32
        %get3A_779 = arith.index_cast %select_n3A_266 : i32 to index
        %get3A_780 = arith.index_cast %add3A_778 : i32 to index
        %get3A_781 = arith.constant 48 : index
        %get3A_782 = tpu.vector_load %arg11[%get3A_779, %get3A_780, %get3A_781] {strides = array<i32>} : memref<3x80x128xf32, #tpu.memory_space<vmem>>, vector<1x1x16xf32>,
        %get3A_783 = vector.shape_cast %get3A_782 : vector<1x1x16xf32> to vector<16xf32>
        %get3A_784 = arith.index_cast %select_n3A_266 : i32 to index
        %get3A_785 = arith.index_cast %scan3A_645 : i32 to index
        %get3A_786 = arith.constant 112 : index
        %get3A_787 = tpu.vector_load %arg10[%get3A_784, %get3A_785, %get3A_786] {strides = array<i32>} : memref<3x40x128xf32, #tpu.memory_space<vmem>>, vector<1x1x16xf32>,
        %get3A_788 = vector.shape_cast %get3A_787 : vector<1x1x16xf32> to vector<16xf32>
        %mul3A_789 = arith.mulf %get3A_783, %get3A_788 : vector<16xf32>
        %add3A_790 = arith.constant 40 : i32
        %add3A_791 = arith.addi %add3A_790, %scan3A_645 : i32
        %swap3A_792 = arith.index_cast %select_n3A_266 : i32 to index
        %swap3A_793 = arith.index_cast %add3A_791 : i32 to index
        %swap3A_794 = arith.constant 48 : index
        %swap3A_795 = tpu.vector_load %arg11[%swap3A_792, %swap3A_793, %swap3A_794] {strides = array<i32>} : memref<3x80x128xf32, #tpu.memory_space<vmem>>, vector<1x1x16xf32>,
        %swap3A_796 = vector.shape_cast %swap3A_795 : vector<1x1x16xf32> to vector<16xf32>
        %swap3A_797 = vector.shape_cast %mul3A_789 : vector<16xf32> to vector<1x1x16xf32>
        tpu.vector_store %arg11[%swap3A_792, %swap3A_793, %swap3A_794], %swap3A_797 {strides = array<i32>} : memref<3x80x128xf32, #tpu.memory_space<vmem>>, vector<1x1x16xf32>,
        %scan3A_798 = arith.constant 3 : i32
        %scan3A_799 = arith.addi %scan3A_339, %scan3A_798 : i32
        %get3A_800 = arith.index_cast %select_n3A_266 : i32 to index
        %get3A_801 = arith.index_cast %scan3A_799 : i32 to index
        %get3A_802 = arith.constant 0 : index
        %get3A_803 = tpu.vector_load %arg11[%get3A_800, %get3A_801, %get3A_802] {strides = array<i32>} : memref<3x80x128xf32, #tpu.memory_space<vmem>>, vector<1x1x16xf32>,
        %get3A_804 = vector.shape_cast %get3A_803 : vector<1x1x16xf32> to vector<16xf32>
        %get3A_805 = arith.index_cast %select_n3A_266 : i32 to index
        %get3A_806 = arith.index_cast %scan3A_799 : i32 to index
        %get3A_807 = arith.constant 0 : index
        %get3A_808 = tpu.vector_load %arg10[%get3A_805, %get3A_806, %get3A_807] {strides = array<i32>} : memref<3x40x128xf32, #tpu.memory_space<vmem>>, vector<1x1x16xf32>,
        %get3A_809 = vector.shape_cast %get3A_808 : vector<1x1x16xf32> to vector<16xf32>
        %mul3A_810 = arith.mulf %get3A_804, %get3A_809 : vector<16xf32>
        %swap3A_811 = arith.index_cast %select_n3A_266 : i32 to index
        %swap3A_812 = arith.index_cast %scan3A_799 : i32 to index
        %swap3A_813 = arith.constant 0 : index
        %swap3A_814 = tpu.vector_load %arg11[%swap3A_811, %swap3A_812, %swap3A_813] {strides = array<i32>} : memref<3x80x128xf32, #tpu.memory_space<vmem>>, vector<1x1x16xf32>,
        %swap3A_815 = vector.shape_cast %swap3A_814 : vector<1x1x16xf32> to vector<16xf32>
        %swap3A_816 = vector.shape_cast %mul3A_810 : vector<16xf32> to vector<1x1x16xf32>
        tpu.vector_store %arg11[%swap3A_811, %swap3A_812, %swap3A_813], %swap3A_816 {strides = array<i32>} : memref<3x80x128xf32, #tpu.memory_space<vmem>>, vector<1x1x16xf32>,
        %add3A_817 = arith.constant 40 : i32
        %add3A_818 = arith.addi %add3A_817, %scan3A_799 : i32
        %get3A_819 = arith.index_cast %select_n3A_266 : i32 to index
        %get3A_820 = arith.index_cast %add3A_818 : i32 to index
        %get3A_821 = arith.constant 0 : index
        %get3A_822 = tpu.vector_load %arg11[%get3A_819, %get3A_820, %get3A_821] {strides = array<i32>} : memref<3x80x128xf32, #tpu.memory_space<vmem>>, vector<1x1x16xf32>,
        %get3A_823 = vector.shape_cast %get3A_822 : vector<1x1x16xf32> to vector<16xf32>
        %get3A_824 = arith.index_cast %select_n3A_266 : i32 to index
        %get3A_825 = arith.index_cast %scan3A_799 : i32 to index
        %get3A_826 = arith.constant 64 : index
        %get3A_827 = tpu.vector_load %arg10[%get3A_824, %get3A_825, %get3A_826] {strides = array<i32>} : memref<3x40x128xf32, #tpu.memory_space<vmem>>, vector<1x1x16xf32>,
        %get3A_828 = vector.shape_cast %get3A_827 : vector<1x1x16xf32> to vector<16xf32>
        %mul3A_829 = arith.mulf %get3A_823, %get3A_828 : vector<16xf32>
        %add3A_830 = arith.constant 40 : i32
        %add3A_831 = arith.addi %add3A_830, %scan3A_799 : i32
        %swap3A_832 = arith.index_cast %select_n3A_266 : i32 to index
        %swap3A_833 = arith.index_cast %add3A_831 : i32 to index
        %swap3A_834 = arith.constant 0 : index
        %swap3A_835 = tpu.vector_load %arg11[%swap3A_832, %swap3A_833, %swap3A_834] {strides = array<i32>} : memref<3x80x128xf32, #tpu.memory_space<vmem>>, vector<1x1x16xf32>,
        %swap3A_836 = vector.shape_cast %swap3A_835 : vector<1x1x16xf32> to vector<16xf32>
        %swap3A_837 = vector.shape_cast %mul3A_829 : vector<16xf32> to vector<1x1x16xf32>
        tpu.vector_store %arg11[%swap3A_832, %swap3A_833, %swap3A_834], %swap3A_837 {strides = array<i32>} : memref<3x80x128xf32, #tpu.memory_space<vmem>>, vector<1x1x16xf32>,
        %get3A_838 = arith.index_cast %select_n3A_266 : i32 to index
        %get3A_839 = arith.index_cast %scan3A_799 : i32 to index
        %get3A_840 = arith.constant 16 : index
        %get3A_841 = tpu.vector_load %arg11[%get3A_838, %get3A_839, %get3A_840] {strides = array<i32>} : memref<3x80x128xf32, #tpu.memory_space<vmem>>, vector<1x1x16xf32>,
        %get3A_842 = vector.shape_cast %get3A_841 : vector<1x1x16xf32> to vector<16xf32>
        %get3A_843 = arith.index_cast %select_n3A_266 : i32 to index
        %get3A_844 = arith.index_cast %scan3A_799 : i32 to index
        %get3A_845 = arith.constant 16 : index
        %get3A_846 = tpu.vector_load %arg10[%get3A_843, %get3A_844, %get3A_845] {strides = array<i32>} : memref<3x40x128xf32, #tpu.memory_space<vmem>>, vector<1x1x16xf32>,
        %get3A_847 = vector.shape_cast %get3A_846 : vector<1x1x16xf32> to vector<16xf32>
        %mul3A_848 = arith.mulf %get3A_842, %get3A_847 : vector<16xf32>
        %swap3A_849 = arith.index_cast %select_n3A_266 : i32 to index
        %swap3A_850 = arith.index_cast %scan3A_799 : i32 to index
        %swap3A_851 = arith.constant 16 : index
        %swap3A_852 = tpu.vector_load %arg11[%swap3A_849, %swap3A_850, %swap3A_851] {strides = array<i32>} : memref<3x80x128xf32, #tpu.memory_space<vmem>>, vector<1x1x16xf32>,
        %swap3A_853 = vector.shape_cast %swap3A_852 : vector<1x1x16xf32> to vector<16xf32>
        %swap3A_854 = vector.shape_cast %mul3A_848 : vector<16xf32> to vector<1x1x16xf32>
        tpu.vector_store %arg11[%swap3A_849, %swap3A_850, %swap3A_851], %swap3A_854 {strides = array<i32>} : memref<3x80x128xf32, #tpu.memory_space<vmem>>, vector<1x1x16xf32>,
        %add3A_855 = arith.constant 40 : i32
        %add3A_856 = arith.addi %add3A_855, %scan3A_799 : i32
        %get3A_857 = arith.index_cast %select_n3A_266 : i32 to index
        %get3A_858 = arith.index_cast %add3A_856 : i32 to index
        %get3A_859 = arith.constant 16 : index
        %get3A_860 = tpu.vector_load %arg11[%get3A_857, %get3A_858, %get3A_859] {strides = array<i32>} : memref<3x80x128xf32, #tpu.memory_space<vmem>>, vector<1x1x16xf32>,
        %get3A_861 = vector.shape_cast %get3A_860 : vector<1x1x16xf32> to vector<16xf32>
        %get3A_862 = arith.index_cast %select_n3A_266 : i32 to index
        %get3A_863 = arith.index_cast %scan3A_799 : i32 to index
        %get3A_864 = arith.constant 80 : index
        %get3A_865 = tpu.vector_load %arg10[%get3A_862, %get3A_863, %get3A_864] {strides = array<i32>} : memref<3x40x128xf32, #tpu.memory_space<vmem>>, vector<1x1x16xf32>,
        %get3A_866 = vector.shape_cast %get3A_865 : vector<1x1x16xf32> to vector<16xf32>
        %mul3A_867 = arith.mulf %get3A_861, %get3A_866 : vector<16xf32>
        %add3A_868 = arith.constant 40 : i32
        %add3A_869 = arith.addi %add3A_868, %scan3A_799 : i32
        %swap3A_870 = arith.index_cast %select_n3A_266 : i32 to index
        %swap3A_871 = arith.index_cast %add3A_869 : i32 to index
        %swap3A_872 = arith.constant 16 : index
        %swap3A_873 = tpu.vector_load %arg11[%swap3A_870, %swap3A_871, %swap3A_872] {strides = array<i32>} : memref<3x80x128xf32, #tpu.memory_space<vmem>>, vector<1x1x16xf32>,
        %swap3A_874 = vector.shape_cast %swap3A_873 : vector<1x1x16xf32> to vector<16xf32>
        %swap3A_875 = vector.shape_cast %mul3A_867 : vector<16xf32> to vector<1x1x16xf32>
        tpu.vector_store %arg11[%swap3A_870, %swap3A_871, %swap3A_872], %swap3A_875 {strides = array<i32>} : memref<3x80x128xf32, #tpu.memory_space<vmem>>, vector<1x1x16xf32>,
        %get3A_876 = arith.index_cast %select_n3A_266 : i32 to index
        %get3A_877 = arith.index_cast %scan3A_799 : i32 to index
        %get3A_878 = arith.constant 32 : index
        %get3A_879 = tpu.vector_load %arg11[%get3A_876, %get3A_877, %get3A_878] {strides = array<i32>} : memref<3x80x128xf32, #tpu.memory_space<vmem>>, vector<1x1x16xf32>,
        %get3A_880 = vector.shape_cast %get3A_879 : vector<1x1x16xf32> to vector<16xf32>
        %get3A_881 = arith.index_cast %select_n3A_266 : i32 to index
        %get3A_882 = arith.index_cast %scan3A_799 : i32 to index
        %get3A_883 = arith.constant 32 : index
        %get3A_884 = tpu.vector_load %arg10[%get3A_881, %get3A_882, %get3A_883] {strides = array<i32>} : memref<3x40x128xf32, #tpu.memory_space<vmem>>, vector<1x1x16xf32>,
        %get3A_885 = vector.shape_cast %get3A_884 : vector<1x1x16xf32> to vector<16xf32>
        %mul3A_886 = arith.mulf %get3A_880, %get3A_885 : vector<16xf32>
        %swap3A_887 = arith.index_cast %select_n3A_266 : i32 to index
        %swap3A_888 = arith.index_cast %scan3A_799 : i32 to index
        %swap3A_889 = arith.constant 32 : index
        %swap3A_890 = tpu.vector_load %arg11[%swap3A_887, %swap3A_888, %swap3A_889] {strides = array<i32>} : memref<3x80x128xf32, #tpu.memory_space<vmem>>, vector<1x1x16xf32>,
        %swap3A_891 = vector.shape_cast %swap3A_890 : vector<1x1x16xf32> to vector<16xf32>
        %swap3A_892 = vector.shape_cast %mul3A_886 : vector<16xf32> to vector<1x1x16xf32>
        tpu.vector_store %arg11[%swap3A_887, %swap3A_888, %swap3A_889], %swap3A_892 {strides = array<i32>} : memref<3x80x128xf32, #tpu.memory_space<vmem>>, vector<1x1x16xf32>,
        %add3A_893 = arith.constant 40 : i32
        %add3A_894 = arith.addi %add3A_893, %scan3A_799 : i32
        %get3A_895 = arith.index_cast %select_n3A_266 : i32 to index
        %get3A_896 = arith.index_cast %add3A_894 : i32 to index
        %get3A_897 = arith.constant 32 : index
        %get3A_898 = tpu.vector_load %arg11[%get3A_895, %get3A_896, %get3A_897] {strides = array<i32>} : memref<3x80x128xf32, #tpu.memory_space<vmem>>, vector<1x1x16xf32>,
        %get3A_899 = vector.shape_cast %get3A_898 : vector<1x1x16xf32> to vector<16xf32>
        %get3A_900 = arith.index_cast %select_n3A_266 : i32 to index
        %get3A_901 = arith.index_cast %scan3A_799 : i32 to index
        %get3A_902 = arith.constant 96 : index
        %get3A_903 = tpu.vector_load %arg10[%get3A_900, %get3A_901, %get3A_902] {strides = array<i32>} : memref<3x40x128xf32, #tpu.memory_space<vmem>>, vector<1x1x16xf32>,
        %get3A_904 = vector.shape_cast %get3A_903 : vector<1x1x16xf32> to vector<16xf32>
        %mul3A_905 = arith.mulf %get3A_899, %get3A_904 : vector<16xf32>
        %add3A_906 = arith.constant 40 : i32
        %add3A_907 = arith.addi %add3A_906, %scan3A_799 : i32
        %swap3A_908 = arith.index_cast %select_n3A_266 : i32 to index
        %swap3A_909 = arith.index_cast %add3A_907 : i32 to index
        %swap3A_910 = arith.constant 32 : index
        %swap3A_911 = tpu.vector_load %arg11[%swap3A_908, %swap3A_909, %swap3A_910] {strides = array<i32>} : memref<3x80x128xf32, #tpu.memory_space<vmem>>, vector<1x1x16xf32>,
        %swap3A_912 = vector.shape_cast %swap3A_911 : vector<1x1x16xf32> to vector<16xf32>
        %swap3A_913 = vector.shape_cast %mul3A_905 : vector<16xf32> to vector<1x1x16xf32>
        tpu.vector_store %arg11[%swap3A_908, %swap3A_909, %swap3A_910], %swap3A_913 {strides = array<i32>} : memref<3x80x128xf32, #tpu.memory_space<vmem>>, vector<1x1x16xf32>,
        %get3A_914 = arith.index_cast %select_n3A_266 : i32 to index
        %get3A_915 = arith.index_cast %scan3A_799 : i32 to index
        %get3A_916 = arith.constant 48 : index
        %get3A_917 = tpu.vector_load %arg11[%get3A_914, %get3A_915, %get3A_916] {strides = array<i32>} : memref<3x80x128xf32, #tpu.memory_space<vmem>>, vector<1x1x16xf32>,
        %get3A_918 = vector.shape_cast %get3A_917 : vector<1x1x16xf32> to vector<16xf32>
        %get3A_919 = arith.index_cast %select_n3A_266 : i32 to index
        %get3A_920 = arith.index_cast %scan3A_799 : i32 to index
        %get3A_921 = arith.constant 48 : index
        %get3A_922 = tpu.vector_load %arg10[%get3A_919, %get3A_920, %get3A_921] {strides = array<i32>} : memref<3x40x128xf32, #tpu.memory_space<vmem>>, vector<1x1x16xf32>,
        %get3A_923 = vector.shape_cast %get3A_922 : vector<1x1x16xf32> to vector<16xf32>
        %mul3A_924 = arith.mulf %get3A_918, %get3A_923 : vector<16xf32>
        %swap3A_925 = arith.index_cast %select_n3A_266 : i32 to index
        %swap3A_926 = arith.index_cast %scan3A_799 : i32 to index
        %swap3A_927 = arith.constant 48 : index
        %swap3A_928 = tpu.vector_load %arg11[%swap3A_925, %swap3A_926, %swap3A_927] {strides = array<i32>} : memref<3x80x128xf32, #tpu.memory_space<vmem>>, vector<1x1x16xf32>,
        %swap3A_929 = vector.shape_cast %swap3A_928 : vector<1x1x16xf32> to vector<16xf32>
        %swap3A_930 = vector.shape_cast %mul3A_924 : vector<16xf32> to vector<1x1x16xf32>
        tpu.vector_store %arg11[%swap3A_925, %swap3A_926, %swap3A_927], %swap3A_930 {strides = array<i32>} : memref<3x80x128xf32, #tpu.memory_space<vmem>>, vector<1x1x16xf32>,
        %add3A_931 = arith.constant 40 : i32
        %add3A_932 = arith.addi %add3A_931, %scan3A_799 : i32
        %get3A_933 = arith.index_cast %select_n3A_266 : i32 to index
        %get3A_934 = arith.index_cast %add3A_932 : i32 to index
        %get3A_935 = arith.constant 48 : index
        %get3A_936 = tpu.vector_load %arg11[%get3A_933, %get3A_934, %get3A_935] {strides = array<i32>} : memref<3x80x128xf32, #tpu.memory_space<vmem>>, vector<1x1x16xf32>,
        %get3A_937 = vector.shape_cast %get3A_936 : vector<1x1x16xf32> to vector<16xf32>
        %get3A_938 = arith.index_cast %select_n3A_266 : i32 to index
        %get3A_939 = arith.index_cast %scan3A_799 : i32 to index
        %get3A_940 = arith.constant 112 : index
        %get3A_941 = tpu.vector_load %arg10[%get3A_938, %get3A_939, %get3A_940] {strides = array<i32>} : memref<3x40x128xf32, #tpu.memory_space<vmem>>, vector<1x1x16xf32>,
        %get3A_942 = vector.shape_cast %get3A_941 : vector<1x1x16xf32> to vector<16xf32>
        %mul3A_943 = arith.mulf %get3A_937, %get3A_942 : vector<16xf32>
        %add3A_944 = arith.constant 40 : i32
        %add3A_945 = arith.addi %add3A_944, %scan3A_799 : i32
        %swap3A_946 = arith.index_cast %select_n3A_266 : i32 to index
        %swap3A_947 = arith.index_cast %add3A_945 : i32 to index
        %swap3A_948 = arith.constant 48 : index
        %swap3A_949 = tpu.vector_load %arg11[%swap3A_946, %swap3A_947, %swap3A_948] {strides = array<i32>} : memref<3x80x128xf32, #tpu.memory_space<vmem>>, vector<1x1x16xf32>,
        %swap3A_950 = vector.shape_cast %swap3A_949 : vector<1x1x16xf32> to vector<16xf32>
        %swap3A_951 = vector.shape_cast %mul3A_943 : vector<16xf32> to vector<1x1x16xf32>
        tpu.vector_store %arg11[%swap3A_946, %swap3A_947, %swap3A_948], %swap3A_951 {strides = array<i32>} : memref<3x80x128xf32, #tpu.memory_space<vmem>>, vector<1x1x16xf32>,
      }
      %scan3A_312 = arith.constant 40 : i32
      %jit3A_313 = arith.constant 3 : i32
      %eq3A_314 = arith.constant 0 : i32
      %eq3A_315 = arith.cmpi eq, %jit3A_313, %eq3A_314 : i32
      %jit3A_316 = arith.constant 1 : i32
      %select_n3A_317 = arith.select %eq3A_315, %jit3A_316, %jit3A_313 : i32
      %rem3A_318 = arith.remsi %scan3A_253, %select_n3A_317 : i32
      %ne3A_319 = arith.constant 0 : i32
      %ne3A_320 = arith.cmpi ne, %rem3A_318, %ne3A_319 : i32
      %lt3A_321 = arith.constant 0 : i32
      %lt3A_322 = arith.cmpi slt, %rem3A_318, %lt3A_321 : i32
      %lt3A_323 = arith.constant 0 : i32
      %lt3A_324 = arith.cmpi slt, %select_n3A_317, %lt3A_323 : i32
      %ne3A_325 = arith.xori %lt3A_322, %lt3A_324 : i1
      %and3A_326 = arith.andi %ne3A_325, %ne3A_320 : i1
      %add3A_327 = arith.addi %rem3A_318, %select_n3A_317 : i32
      %select_n3A_328 = arith.select %and3A_326, %add3A_327, %rem3A_318 : i32
      %dma_start3A_329 = arith.constant 0 : i32
      %dma_start3A_330 = arith.constant 0 : i32
      %dma_start3A_331 = tpu.memref_slice %arg11[%select_n3A_328, %dma_start3A_329, %dma_start3A_330] : memref<3x80x128xf32, #tpu.memory_space<vmem>> -> memref<1x80x128xf32, #tpu.memory_space<vmem>>
      %dma_start3A_332 = tpu.memref_squeeze %dma_start3A_331 : memref<1x80x128xf32, #tpu.memory_space<vmem>> -> memref<80x128xf32, #tpu.memory_space<vmem>>
      %dma_start3A_333 = arith.constant 0 : i32
      %dma_start3A_334 = tpu.memref_slice %arg9[%select_n3A_328, %dma_start3A_333] : memref<3x80xi32, #tpu.memory_space<vmem>> -> memref<1x80xi32, #tpu.memory_space<vmem>>
      %dma_start3A_335 = tpu.memref_squeeze %dma_start3A_334 : memref<1x80xi32, #tpu.memory_space<vmem>> -> memref<80xi32, #tpu.memory_space<vmem>>
      %dma_start3A_336 = arith.constant 0 : i32
      %dma_start3A_337 = arith.constant 0 : i32
      %dma_start3A_338 = tpu.memref_slice %arg7[%dma_start3A_336, %dma_start3A_337] : memref<10000x128xf32, #tpu.memory_space<vmem_shared>> -> memref<10000x128xf32, #tpu.memory_space<vmem_shared>>
      tpu.enqueue_indirect_dma source(%dma_start3A_332 : memref<80x128xf32, #tpu.memory_space<vmem>>) target(%dma_start3A_338 : memref<10000x128xf32, #tpu.memory_space<vmem_shared>>) offsets(%dma_start3A_335 : memref<80xi32, #tpu.memory_space<vmem>>) semaphore(%arg14 : memref<!tpu.dma_semaphore, #tpu.memory_space<semaphore_mem>>) {add = true}
    }
    %scan3A_211 = arith.constant 125 : i32
    %dma_wait3A_212 = arith.constant 0 : i32
    %dma_wait3A_213 = arith.constant 0 : i32
    %dma_wait3A_214 = arith.constant 0 : i32
    %dma_wait3A_215 = arith.constant 0 : i32
    %dma_wait3A_216 = tpu.memref_slice %arg11[%dma_wait3A_212, %dma_wait3A_214, %dma_wait3A_215] : memref<3x80x128xf32, #tpu.memory_space<vmem>> -> memref<1x80x128xf32, #tpu.memory_space<vmem>>
    %dma_wait3A_217 = tpu.memref_squeeze %dma_wait3A_216 : memref<1x80x128xf32, #tpu.memory_space<vmem>> -> memref<80x128xf32, #tpu.memory_space<vmem>>
    %dma_wait3A_218 = arith.constant 0 : i32
    %dma_wait3A_219 = tpu.memref_slice %arg9[%dma_wait3A_213, %dma_wait3A_218] : memref<3x80xi32, #tpu.memory_space<vmem>> -> memref<1x80xi32, #tpu.memory_space<vmem>>
    %dma_wait3A_220 = tpu.memref_squeeze %dma_wait3A_219 : memref<1x80xi32, #tpu.memory_space<vmem>> -> memref<80xi32, #tpu.memory_space<vmem>>
    %dma_wait3A_221 = arith.constant 0 : i32
    %dma_wait3A_222 = arith.constant 0 : i32
    %dma_wait3A_223 = tpu.memref_slice %arg7[%dma_wait3A_221, %dma_wait3A_222] : memref<10000x128xf32, #tpu.memory_space<vmem_shared>> -> memref<10000x128xf32, #tpu.memory_space<vmem_shared>>
    tpu.wait_indirect_dma semaphore(%arg14 : memref<!tpu.dma_semaphore, #tpu.memory_space<semaphore_mem>>) src(%dma_wait3A_217 : memref<80x128xf32, #tpu.memory_space<vmem>>) dst(%dma_wait3A_223 : memref<10000x128xf32, #tpu.memory_space<vmem_shared>>)
    %dma_wait3A_224 = arith.constant 1 : i32
    %dma_wait3A_225 = arith.constant 1 : i32
    %dma_wait3A_226 = arith.constant 0 : i32
    %dma_wait3A_227 = arith.constant 0 : i32
    %dma_wait3A_228 = tpu.memref_slice %arg11[%dma_wait3A_224, %dma_wait3A_226, %dma_wait3A_227] : memref<3x80x128xf32, #tpu.memory_space<vmem>> -> memref<1x80x128xf32, #tpu.memory_space<vmem>>
    %dma_wait3A_229 = tpu.memref_squeeze %dma_wait3A_228 : memref<1x80x128xf32, #tpu.memory_space<vmem>> -> memref<80x128xf32, #tpu.memory_space<vmem>>
    %dma_wait3A_230 = arith.constant 0 : i32
    %dma_wait3A_231 = tpu.memref_slice %arg9[%dma_wait3A_225, %dma_wait3A_230] : memref<3x80xi32, #tpu.memory_space<vmem>> -> memref<1x80xi32, #tpu.memory_space<vmem>>
    %dma_wait3A_232 = tpu.memref_squeeze %dma_wait3A_231 : memref<1x80xi32, #tpu.memory_space<vmem>> -> memref<80xi32, #tpu.memory_space<vmem>>
    %dma_wait3A_233 = arith.constant 0 : i32
    %dma_wait3A_234 = arith.constant 0 : i32
    %dma_wait3A_235 = tpu.memref_slice %arg7[%dma_wait3A_233, %dma_wait3A_234] : memref<10000x128xf32, #tpu.memory_space<vmem_shared>> -> memref<10000x128xf32, #tpu.memory_space<vmem_shared>>
    tpu.wait_indirect_dma semaphore(%arg14 : memref<!tpu.dma_semaphore, #tpu.memory_space<semaphore_mem>>) src(%dma_wait3A_229 : memref<80x128xf32, #tpu.memory_space<vmem>>) dst(%dma_wait3A_235 : memref<10000x128xf32, #tpu.memory_space<vmem_shared>>)
    %barrier3A_236 = arith.constant 0 : index
    tpu.barrier barrier_id(%barrier3A_236)
    %mul3A_237 = arith.constant 640 : i32
    %mul3A_238 = arith.muli %arg1, %mul3A_237 : i32
    %multiple_of3A_239 = tpu.assume_multiple %mul3A_238, 8 : i32
    %mul3A_240 = arith.constant 10000 : i32
    %mul3A_241 = arith.muli %arg0, %mul3A_240 : i32
    %mul3A_242 = arith.constant 640 : i32
    %mul3A_243 = arith.muli %arg1, %mul3A_242 : i32
    %add3A_244 = arith.addi %mul3A_241, %mul3A_243 : i32
    %multiple_of3A_245 = tpu.assume_multiple %add3A_244, 8 : i32
    %lt3A_246 = arith.constant 15 : i32
    %lt3A_247 = arith.cmpi slt, %arg1, %lt3A_246 : i32
    %convert_element_type3A = arith.extui %lt3A_247 : i1 to i32
    %cond3A = arith.constant 0 : i32
    %cond3A_248 = arith.cmpi ne, %convert_element_type3A, %cond3A : i32
    scf.if %cond3A_248 {
      "tpu.region"() ({
        %run_scoped3A = tpu.sem_alloc : memref<!tpu.dma_semaphore, #tpu.memory_space<semaphore_mem>>
        %dma_start3A_253 = arith.constant 0 : i32
        %dma_start3A_254 = tpu.memref_slice %arg6[%multiple_of3A_245, %dma_start3A_253] : memref<20000x128xf32, #tpu.memory_space<hbm>> -> memref<640x128xf32, #tpu.memory_space<hbm>>
        %dma_start3A_255 = arith.constant 0 : i32
        %dma_start3A_256 = tpu.memref_slice %arg7[%multiple_of3A_239, %dma_start3A_255] : memref<10000x128xf32, #tpu.memory_space<vmem_shared>> -> memref<640x128xf32, #tpu.memory_space<vmem_shared>>
        tpu.enqueue_dma source(%dma_start3A_256 : memref<640x128xf32, #tpu.memory_space<vmem_shared>>) target(%dma_start3A_254 : memref<640x128xf32, #tpu.memory_space<hbm>>) target_semaphore(%run_scoped3A : memref<!tpu.dma_semaphore, #tpu.memory_space<semaphore_mem>>)
        %dma_wait3A_257 = arith.constant 0 : i32
        %dma_wait3A_258 = tpu.memref_slice %arg6[%multiple_of3A_245, %dma_wait3A_257] : memref<20000x128xf32, #tpu.memory_space<hbm>> -> memref<640x128xf32, #tpu.memory_space<hbm>>
        %dma_wait3A_259 = arith.constant 0 : i32
        %dma_wait3A_260 = tpu.memref_slice %arg7[%multiple_of3A_239, %dma_wait3A_259] : memref<10000x128xf32, #tpu.memory_space<vmem_shared>> -> memref<640x128xf32, #tpu.memory_space<vmem_shared>>
        tpu.wait_dma2 semaphore(%run_scoped3A : memref<!tpu.dma_semaphore, #tpu.memory_space<semaphore_mem>>) src(%dma_wait3A_260 : memref<640x128xf32, #tpu.memory_space<vmem_shared>>) dst(%dma_wait3A_258 : memref<640x128xf32, #tpu.memory_space<hbm>>)
        tpu.yield
      }) : () -> ()
    } else {
    }
    %eq3A = arith.constant 15 : i32
    %eq3A_249 = arith.cmpi eq, %arg1, %eq3A : i32
    %convert_element_type3A_250 = arith.extui %eq3A_249 : i1 to i32
    %cond3A_251 = arith.constant 0 : i32
    %cond3A_252 = arith.cmpi ne, %convert_element_type3A_250, %cond3A_251 : i32
    scf.if %cond3A_252 {
      "tpu.region"() ({
        %run_scoped3A = tpu.sem_alloc : memref<!tpu.dma_semaphore, #tpu.memory_space<semaphore_mem>>
        %dma_start3A_253 = arith.constant 0 : i32
        %dma_start3A_254 = tpu.memref_slice %arg6[%multiple_of3A_245, %dma_start3A_253] : memref<20000x128xf32, #tpu.memory_space<hbm>> -> memref<400x128xf32, #tpu.memory_space<hbm>>
        %dma_start3A_255 = arith.constant 0 : i32
        %dma_start3A_256 = tpu.memref_slice %arg7[%multiple_of3A_239, %dma_start3A_255] : memref<10000x128xf32, #tpu.memory_space<vmem_shared>> -> memref<400x128xf32, #tpu.memory_space<vmem_shared>>
        tpu.enqueue_dma source(%dma_start3A_256 : memref<400x128xf32, #tpu.memory_space<vmem_shared>>) target(%dma_start3A_254 : memref<400x128xf32, #tpu.memory_space<hbm>>) target_semaphore(%run_scoped3A : memref<!tpu.dma_semaphore, #tpu.memory_space<semaphore_mem>>)
        %dma_wait3A_257 = arith.constant 0 : i32
        %dma_wait3A_258 = tpu.memref_slice %arg6[%multiple_of3A_245, %dma_wait3A_257] : memref<20000x128xf32, #tpu.memory_space<hbm>> -> memref<400x128xf32, #tpu.memory_space<hbm>>
        %dma_wait3A_259 = arith.constant 0 : i32
        %dma_wait3A_260 = tpu.memref_slice %arg7[%multiple_of3A_239, %dma_wait3A_259] : memref<10000x128xf32, #tpu.memory_space<vmem_shared>> -> memref<400x128xf32, #tpu.memory_space<vmem_shared>>
        tpu.wait_dma2 semaphore(%run_scoped3A : memref<!tpu.dma_semaphore, #tpu.memory_space<semaphore_mem>>) src(%dma_wait3A_260 : memref<400x128xf32, #tpu.memory_space<vmem_shared>>) dst(%dma_wait3A_258 : memref<400x128xf32, #tpu.memory_space<hbm>>)
        tpu.yield
      }) : () -> ()
    } else {
    }
    return
  }
}

module attributes {stable_mosaic.version = 14 : i64} {
  func.func @_wfilt_body(%arg0: i32, %arg1: memref<1x1x16000xf32, #tpu.memory_space<vmem>>, %arg2: memref<1x1x16000xf32, #tpu.memory_space<vmem>>, %arg3: memref<1x1x16000xf32, #tpu.memory_space<vmem>>, %arg4: memref<1x1x16000xf32, #tpu.memory_space<vmem>>, %arg5: memref<64x56xf32, #tpu.memory_space<vmem>>, %arg6: memref<72x64xf32, #tpu.memory_space<vmem>>, %arg7: memref<10000x128xf32, #tpu.memory_space<vmem>>, %arg8: memref<128x128xf32, #tpu.memory_space<vmem>>, %arg9: memref<16000x128xf32, #tpu.memory_space<vmem>>, %arg10: memref<10000x128xf32, #tpu.memory_space<vmem>>) attributes {dimension_semantics = [#tpu.dimension_semantics<arbitrary>], iteration_bounds = array<i64: 10>, scalar_prefetch = 0 : i64, scratch_operands = 0 : i64, tpu.core_type = #tpu.core_type<tc>, window_params = [{transform_indices = @transform_0, window_bounds = array<i64: 1, 1, 16000>}, {transform_indices = @transform_1, window_bounds = array<i64: 1, 1, 16000>}, {transform_indices = @transform_2, window_bounds = array<i64: 1, 1, 16000>}, {transform_indices = @transform_3, window_bounds = array<i64: 1, 1, 16000>}, {pipeline_mode = #tpu.pipeline_mode<synchronous>, transform_indices = @transform_4, window_bounds = array<i64: 64, 56>}, {pipeline_mode = #tpu.pipeline_mode<synchronous>, transform_indices = @transform_5, window_bounds = array<i64: 72, 64>}, {pipeline_mode = #tpu.pipeline_mode<synchronous>, transform_indices = @transform_6, window_bounds = array<i64: 10000, 128>}, {pipeline_mode = #tpu.pipeline_mode<synchronous>, transform_indices = @transform_7, window_bounds = array<i64: 128, 128>}, {transform_indices = @transform_8, window_bounds = array<i64: 16000, 128>}, {pipeline_mode = #tpu.pipeline_mode<synchronous>, transform_indices = @transform_9, window_bounds = array<i64: 10000, 128>}]} {
    %iota3A = tpu.iota {dimensions = array<i32: 0>} : vector<56x1xi32>
    %convert_element_type3A = arith.sitofp %iota3A : vector<56x1xi32> to vector<56x1xf32>
    %mul3A = arith.constant 0.10204082 : f32
    %mul3A_0 = vector.broadcast %mul3A : f32 to vector<56x1xf32>
    %mul3A_1 = arith.mulf %convert_element_type3A, %mul3A_0 : vector<56x1xf32>
    %get3A = arith.constant 0 : index
    %get3A_2 = arith.constant 0 : index
    %get3A_3 = arith.constant 0 : index
    %get3A_4 = vector.load %arg1[%get3A, %get3A_2, %get3A_3] : memref<1x1x16000xf32, #tpu.memory_space<vmem>>, vector<1x1x16000xf32>
    %get3A_5 = arith.constant 0 : index
    %get3A_6 = arith.constant 0 : index
    %get3A_7 = arith.constant 0 : index
    %get3A_8 = vector.load %arg3[%get3A_5, %get3A_6, %get3A_7] : memref<1x1x16000xf32, #tpu.memory_space<vmem>>, vector<1x1x16000xf32>
    %reshape3A = vector.shape_cast %get3A_4 : vector<1x1x16000xf32> to vector<1x16000xf32>
    %reshape3A_9 = vector.shape_cast %get3A_8 : vector<1x1x16000xf32> to vector<1x16000xf32>
    %mul3A_10 = arith.constant 0.628318548 : f32
    %mul3A_11 = vector.broadcast %mul3A_10 : f32 to vector<1x16000xf32>
    %mul3A_12 = arith.mulf %reshape3A_9, %mul3A_11 : vector<1x16000xf32>
    %cos3A = math.cos %mul3A_12 : vector<1x16000xf32>
    %add3A = arith.constant 1.000000e+00 : f32
    %add3A_13 = vector.broadcast %add3A : f32 to vector<1x16000xf32>
    %add3A_14 = arith.addf %cos3A, %add3A_13 : vector<1x16000xf32>
    %mul3A_15 = arith.constant 5.000000e-01 : f32
    %mul3A_16 = vector.broadcast %mul3A_15 : f32 to vector<1x16000xf32>
    %mul3A_17 = arith.mulf %mul3A_16, %add3A_14 : vector<1x16000xf32>
    %sub3A = vector.broadcast %reshape3A : vector<1x16000xf32> to vector<56x16000xf32>
    %sub3A_18 = vector.broadcast %mul3A_1 : vector<56x1xf32> to vector<56x16000xf32>
    %sub3A_19 = arith.subf %sub3A, %sub3A_18 : vector<56x16000xf32>
    %mul3A_20 = arith.constant -4.802000e+01 : f32
    %mul3A_21 = vector.broadcast %mul3A_20 : f32 to vector<56x16000xf32>
    %mul3A_22 = arith.mulf %mul3A_21, %sub3A_19 : vector<56x16000xf32>
    %mul3A_23 = arith.mulf %mul3A_22, %sub3A_19 : vector<56x16000xf32>
    %exp3A = math.exp %mul3A_23 : vector<56x16000xf32>
    %iota3A_24 = tpu.iota {dimensions = array<i32: 0>} : vector<56x16000xi32>
    %eq3A = arith.constant 50 : i32
    %eq3A_25 = vector.broadcast %eq3A : i32 to vector<56x16000xi32>
    %eq3A_26 = arith.cmpi eq, %iota3A_24, %eq3A_25 : vector<56x16000xi32>
    %jit3A = arith.constant 1.000000e+00 : f32
    %broadcast_in_dim3A = vector.broadcast %jit3A : f32 to vector<56x16000xf32>
    %select_n3A = arith.select %eq3A_26, %broadcast_in_dim3A, %exp3A : vector<56x16000xi1>, vector<56x16000xf32>
    %gt3A = arith.constant 50 : i32
    %gt3A_27 = vector.broadcast %gt3A : i32 to vector<56x16000xi32>
    %gt3A_28 = arith.cmpi sgt, %iota3A_24, %gt3A_27 : vector<56x16000xi32>
    %jit3A_29 = arith.constant 0.000000e+00 : f32
    %broadcast_in_dim3A_30 = vector.broadcast %jit3A_29 : f32 to vector<56x16000xf32>
    %select_n3A_31 = arith.select %gt3A_28, %broadcast_in_dim3A_30, %select_n3A : vector<56x16000xi1>, vector<56x16000xf32>
    %mul3A_32 = vector.broadcast %mul3A_17 : vector<1x16000xf32> to vector<56x16000xf32>
    %mul3A_33 = arith.mulf %select_n3A_31, %mul3A_32 : vector<56x16000xf32>
    %get3A_34 = arith.constant 0 : index
    %get3A_35 = arith.constant 0 : index
    %get3A_36 = vector.load %arg5[%get3A_34, %get3A_35] : memref<64x56xf32, #tpu.memory_space<vmem>>, vector<64x56xf32>
    %dot_general3A = arith.constant dense<0.000000e+00> : vector<64x16000xf32>
    %dot_general3A_37 = tpu.matmul %get3A_36, %mul3A_33, %dot_general3A {dimension_numbers = #tpu.dot_dimension_numbers<[1], [0], [0], [1], [0, 0, 1, 1], [], []>, transpose_lhs_hint = false} : vector<64x56xf32>, vector<56x16000xf32>, vector<64x16000xf32> -> vector<64x16000xf32>
    %max3A = arith.constant 0.000000e+00 : f32
    %max3A_38 = vector.broadcast %max3A : f32 to vector<64x16000xf32>
    %max3A_39 = arith.maximumf %dot_general3A_37, %max3A_38 : vector<64x16000xf32>
    %iota3A_40 = tpu.iota {dimensions = array<i32: 0>} : vector<8x16000xi32>
    %eq3A_41 = arith.constant 0 : i32
    %eq3A_42 = vector.broadcast %eq3A_41 : i32 to vector<8x16000xi32>
    %eq3A_43 = arith.cmpi eq, %iota3A_40, %eq3A_42 : vector<8x16000xi32>
    %jit3A_44 = arith.constant 0.000000e+00 : f32
    %broadcast_in_dim3A_45 = vector.shape_cast %mul3A_17 : vector<1x16000xf32> to vector<1x16000xf32>
    %broadcast_in_dim3A_46 = vector.broadcast %broadcast_in_dim3A_45 : vector<1x16000xf32> to vector<8x16000xf32>
    %broadcast_in_dim3A_47 = vector.broadcast %jit3A_44 : f32 to vector<8x16000xf32>
    %select_n3A_48 = arith.select %eq3A_43, %broadcast_in_dim3A_46, %broadcast_in_dim3A_47 : vector<8x16000xi1>, vector<8x16000xf32>
    %concatenate3A = tpu.concatenate %max3A_39, %select_n3A_48 in 0 : vector<64x16000xf32>, vector<8x16000xf32> -> vector<72x16000xf32>
    %get3A_49 = arith.constant 0 : index
    %get3A_50 = arith.constant 0 : index
    %get3A_51 = vector.load %arg6[%get3A_49, %get3A_50] : memref<72x64xf32, #tpu.memory_space<vmem>>, vector<72x64xf32>
    %dot_general3A_52 = arith.constant dense<0.000000e+00> : vector<16000x64xf32>
    %dot_general3A_53 = tpu.matmul %concatenate3A, %get3A_51, %dot_general3A_52 {dimension_numbers = #tpu.dot_dimension_numbers<[0], [0], [1], [1], [0, 1, 1, 1], [], []>, transpose_lhs_hint = true} : vector<72x16000xf32>, vector<72x64xf32>, vector<16000x64xf32> -> vector<16000x64xf32>
    %get3A_54 = arith.constant 0 : index
    %get3A_55 = arith.constant 0 : index
    %get3A_56 = arith.constant 0 : index
    %get3A_57 = vector.load %arg2[%get3A_54, %get3A_55, %get3A_56] : memref<1x1x16000xf32, #tpu.memory_space<vmem>>, vector<1x1x16000xf32>
    %get3A_58 = arith.constant 0 : index
    %get3A_59 = arith.constant 0 : index
    %get3A_60 = arith.constant 0 : index
    %get3A_61 = vector.load %arg4[%get3A_58, %get3A_59, %get3A_60] : memref<1x1x16000xf32, #tpu.memory_space<vmem>>, vector<1x1x16000xf32>
    %reshape3A_62 = vector.shape_cast %get3A_57 : vector<1x1x16000xf32> to vector<1x16000xf32>
    %reshape3A_63 = vector.shape_cast %get3A_61 : vector<1x1x16000xf32> to vector<1x16000xf32>
    %mul3A_64 = arith.constant 0.628318548 : f32
    %mul3A_65 = vector.broadcast %mul3A_64 : f32 to vector<1x16000xf32>
    %mul3A_66 = arith.mulf %reshape3A_63, %mul3A_65 : vector<1x16000xf32>
    %cos3A_67 = math.cos %mul3A_66 : vector<1x16000xf32>
    %add3A_68 = arith.constant 1.000000e+00 : f32
    %add3A_69 = vector.broadcast %add3A_68 : f32 to vector<1x16000xf32>
    %add3A_70 = arith.addf %cos3A_67, %add3A_69 : vector<1x16000xf32>
    %mul3A_71 = arith.constant 5.000000e-01 : f32
    %mul3A_72 = vector.broadcast %mul3A_71 : f32 to vector<1x16000xf32>
    %mul3A_73 = arith.mulf %mul3A_72, %add3A_70 : vector<1x16000xf32>
    %sub3A_74 = vector.broadcast %reshape3A_62 : vector<1x16000xf32> to vector<56x16000xf32>
    %sub3A_75 = vector.broadcast %mul3A_1 : vector<56x1xf32> to vector<56x16000xf32>
    %sub3A_76 = arith.subf %sub3A_74, %sub3A_75 : vector<56x16000xf32>
    %mul3A_77 = arith.constant -4.802000e+01 : f32
    %mul3A_78 = vector.broadcast %mul3A_77 : f32 to vector<56x16000xf32>
    %mul3A_79 = arith.mulf %mul3A_78, %sub3A_76 : vector<56x16000xf32>
    %mul3A_80 = arith.mulf %mul3A_79, %sub3A_76 : vector<56x16000xf32>
    %exp3A_81 = math.exp %mul3A_80 : vector<56x16000xf32>
    %iota3A_82 = tpu.iota {dimensions = array<i32: 0>} : vector<56x16000xi32>
    %eq3A_83 = arith.constant 50 : i32
    %eq3A_84 = vector.broadcast %eq3A_83 : i32 to vector<56x16000xi32>
    %eq3A_85 = arith.cmpi eq, %iota3A_82, %eq3A_84 : vector<56x16000xi32>
    %jit3A_86 = arith.constant 1.000000e+00 : f32
    %broadcast_in_dim3A_87 = vector.broadcast %jit3A_86 : f32 to vector<56x16000xf32>
    %select_n3A_88 = arith.select %eq3A_85, %broadcast_in_dim3A_87, %exp3A_81 : vector<56x16000xi1>, vector<56x16000xf32>
    %gt3A_89 = arith.constant 50 : i32
    %gt3A_90 = vector.broadcast %gt3A_89 : i32 to vector<56x16000xi32>
    %gt3A_91 = arith.cmpi sgt, %iota3A_82, %gt3A_90 : vector<56x16000xi32>
    %jit3A_92 = arith.constant 0.000000e+00 : f32
    %broadcast_in_dim3A_93 = vector.broadcast %jit3A_92 : f32 to vector<56x16000xf32>
    %select_n3A_94 = arith.select %gt3A_91, %broadcast_in_dim3A_93, %select_n3A_88 : vector<56x16000xi1>, vector<56x16000xf32>
    %mul3A_95 = vector.broadcast %mul3A_73 : vector<1x16000xf32> to vector<56x16000xf32>
    %mul3A_96 = arith.mulf %select_n3A_94, %mul3A_95 : vector<56x16000xf32>
    %get3A_97 = arith.constant 0 : index
    %get3A_98 = arith.constant 0 : index
    %get3A_99 = vector.load %arg5[%get3A_97, %get3A_98] : memref<64x56xf32, #tpu.memory_space<vmem>>, vector<64x56xf32>
    %dot_general3A_100 = arith.constant dense<0.000000e+00> : vector<64x16000xf32>
    %dot_general3A_101 = tpu.matmul %get3A_99, %mul3A_96, %dot_general3A_100 {dimension_numbers = #tpu.dot_dimension_numbers<[1], [0], [0], [1], [0, 0, 1, 1], [], []>, transpose_lhs_hint = false} : vector<64x56xf32>, vector<56x16000xf32>, vector<64x16000xf32> -> vector<64x16000xf32>
    %max3A_102 = arith.constant 0.000000e+00 : f32
    %max3A_103 = vector.broadcast %max3A_102 : f32 to vector<64x16000xf32>
    %max3A_104 = arith.maximumf %dot_general3A_101, %max3A_103 : vector<64x16000xf32>
    %iota3A_105 = tpu.iota {dimensions = array<i32: 0>} : vector<8x16000xi32>
    %eq3A_106 = arith.constant 0 : i32
    %eq3A_107 = vector.broadcast %eq3A_106 : i32 to vector<8x16000xi32>
    %eq3A_108 = arith.cmpi eq, %iota3A_105, %eq3A_107 : vector<8x16000xi32>
    %jit3A_109 = arith.constant 0.000000e+00 : f32
    %broadcast_in_dim3A_110 = vector.shape_cast %mul3A_73 : vector<1x16000xf32> to vector<1x16000xf32>
    %broadcast_in_dim3A_111 = vector.broadcast %broadcast_in_dim3A_110 : vector<1x16000xf32> to vector<8x16000xf32>
    %broadcast_in_dim3A_112 = vector.broadcast %jit3A_109 : f32 to vector<8x16000xf32>
    %select_n3A_113 = arith.select %eq3A_108, %broadcast_in_dim3A_111, %broadcast_in_dim3A_112 : vector<8x16000xi1>, vector<8x16000xf32>
    %concatenate3A_114 = tpu.concatenate %max3A_104, %select_n3A_113 in 0 : vector<64x16000xf32>, vector<8x16000xf32> -> vector<72x16000xf32>
    %get3A_115 = arith.constant 0 : index
    %get3A_116 = arith.constant 0 : index
    %get3A_117 = vector.load %arg6[%get3A_115, %get3A_116] : memref<72x64xf32, #tpu.memory_space<vmem>>, vector<72x64xf32>
    %dot_general3A_118 = arith.constant dense<0.000000e+00> : vector<16000x64xf32>
    %dot_general3A_119 = tpu.matmul %concatenate3A_114, %get3A_117, %dot_general3A_118 {dimension_numbers = #tpu.dot_dimension_numbers<[0], [0], [1], [1], [0, 1, 1, 1], [], []>, transpose_lhs_hint = true} : vector<72x16000xf32>, vector<72x64xf32>, vector<16000x64xf32> -> vector<16000x64xf32>
    %concatenate3A_120 = tpu.concatenate %dot_general3A_53, %dot_general3A_119 in 1 : vector<16000x64xf32>, vector<16000x64xf32> -> vector<16000x128xf32>
    %swap3A = arith.constant 0 : index
    %swap3A_121 = arith.constant 0 : index
    %swap3A_122 = vector.load %arg9[%swap3A, %swap3A_121] : memref<16000x128xf32, #tpu.memory_space<vmem>>, vector<16000x128xf32>
    tpu.vector_store %arg9[%swap3A, %swap3A_121], %concatenate3A_120 {strides = array<i32>} : memref<16000x128xf32, #tpu.memory_space<vmem>>, vector<16000x128xf32>,
    %eq3A_123 = arith.constant 0 : i32
    %eq3A_124 = arith.cmpi eq, %arg0, %eq3A_123 : i32
    %convert_element_type3A_125 = arith.extui %eq3A_124 : i1 to i32
    %cond3A = arith.constant 0 : i32
    %cond3A_126 = arith.cmpi ne, %convert_element_type3A_125, %cond3A : i32
    scf.if %cond3A_126 {
      %get3A_127 = arith.constant 0 : index
      %get3A_128 = arith.constant 0 : index
      %get3A_129 = vector.load %arg7[%get3A_127, %get3A_128] : memref<10000x128xf32, #tpu.memory_space<vmem>>, vector<10000x128xf32>
      %get3A_130 = arith.constant 0 : index
      %get3A_131 = arith.constant 0 : index
      %get3A_132 = vector.load %arg8[%get3A_130, %get3A_131] : memref<128x128xf32, #tpu.memory_space<vmem>>, vector<128x128xf32>
      %dot_general3A_133 = arith.constant dense<0.000000e+00> : vector<10000x128xf32>
      %dot_general3A_134 = tpu.matmul %get3A_129, %get3A_132, %dot_general3A_133 {dimension_numbers = #tpu.dot_dimension_numbers<[1], [0], [0], [1], [0, 0, 1, 1], [], []>, transpose_lhs_hint = false} : vector<10000x128xf32>, vector<128x128xf32>, vector<10000x128xf32> -> vector<10000x128xf32>
      %swap3A_135 = arith.constant 0 : index
      %swap3A_136 = arith.constant 0 : index
      %swap3A_137 = vector.load %arg10[%swap3A_135, %swap3A_136] : memref<10000x128xf32, #tpu.memory_space<vmem>>, vector<10000x128xf32>
      tpu.vector_store %arg10[%swap3A_135, %swap3A_136], %dot_general3A_134 {strides = array<i32>} : memref<10000x128xf32, #tpu.memory_space<vmem>>, vector<10000x128xf32>,
    } else {
    }
    return
  }
  func.func @transform_0(%arg0: i32) -> (i32, i32, i32) {
    %c0_i32 = arith.constant 0 : i32
    %c0_i32_0 = arith.constant 0 : i32
    %c0_i32_1 = arith.constant 0 : i32
    return %arg0, %c0_i32, %c0_i32_0 : i32, i32, i32
  }
  func.func @transform_1(%arg0: i32) -> (i32, i32, i32) {
    %add3A = arith.constant 10 : i32
    %add3A_0 = arith.addi %arg0, %add3A : i32
    %c0_i32 = arith.constant 0 : i32
    %c0_i32_1 = arith.constant 0 : i32
    %c0_i32_2 = arith.constant 0 : i32
    return %add3A_0, %c0_i32, %c0_i32_1 : i32, i32, i32
  }
  func.func @transform_2(%arg0: i32) -> (i32, i32, i32) {
    %c0_i32 = arith.constant 0 : i32
    %c0_i32_0 = arith.constant 0 : i32
    %c0_i32_1 = arith.constant 0 : i32
    return %arg0, %c0_i32, %c0_i32_0 : i32, i32, i32
  }
  func.func @transform_3(%arg0: i32) -> (i32, i32, i32) {
    %add3A = arith.constant 10 : i32
    %add3A_0 = arith.addi %arg0, %add3A : i32
    %c0_i32 = arith.constant 0 : i32
    %c0_i32_1 = arith.constant 0 : i32
    %c0_i32_2 = arith.constant 0 : i32
    return %add3A_0, %c0_i32, %c0_i32_1 : i32, i32, i32
  }
  func.func @transform_4(%arg0: i32) -> (i32, i32) {
    %c0_i32 = arith.constant 0 : i32
    %c0_i32_0 = arith.constant 0 : i32
    %c0_i32_1 = arith.constant 0 : i32
    return %c0_i32, %c0_i32_0 : i32, i32
  }
  func.func @transform_5(%arg0: i32) -> (i32, i32) {
    %c0_i32 = arith.constant 0 : i32
    %c0_i32_0 = arith.constant 0 : i32
    %c0_i32_1 = arith.constant 0 : i32
    return %c0_i32, %c0_i32_0 : i32, i32
  }
  func.func @transform_6(%arg0: i32) -> (i32, i32) {
    %c0_i32 = arith.constant 0 : i32
    %c0_i32_0 = arith.constant 0 : i32
    %c0_i32_1 = arith.constant 0 : i32
    return %c0_i32, %c0_i32_0 : i32, i32
  }
  func.func @transform_7(%arg0: i32) -> (i32, i32) {
    %c0_i32 = arith.constant 0 : i32
    %c0_i32_0 = arith.constant 0 : i32
    %c0_i32_1 = arith.constant 0 : i32
    return %c0_i32, %c0_i32_0 : i32, i32
  }
  func.func @transform_8(%arg0: i32) -> (i32, i32) {
    %c0_i32 = arith.constant 0 : i32
    %c0_i32_0 = arith.constant 0 : i32
    return %arg0, %c0_i32 : i32, i32
  }
  func.func @transform_9(%arg0: i32) -> (i32, i32) {
    %c0_i32 = arith.constant 0 : i32
    %c0_i32_0 = arith.constant 0 : i32
    %c0_i32_1 = arith.constant 0 : i32
    return %c0_i32, %c0_i32_0 : i32, i32
  }
}

module attributes {stable_mosaic.version = 14 : i64} {
  func.func @_final_body(%arg0: memref<20000x128xf32, #tpu.memory_space<vmem>>, %arg1: memref<10000x128xf32, #tpu.memory_space<vmem>>, %arg2: memref<64x128xf32, #tpu.memory_space<vmem>>, %arg3: memref<1x128xf32, #tpu.memory_space<vmem>>, %arg4: memref<10000x128xf32, #tpu.memory_space<vmem>>) attributes {dimension_semantics = [], scalar_prefetch = 0 : i64, scratch_operands = 0 : i64, tpu.core_type = #tpu.core_type<tc>} {
    %get3A = arith.constant 0 : index
    %get3A_0 = arith.constant 0 : index
    %get3A_1 = vector.load %arg0[%get3A, %get3A_0] : memref<20000x128xf32, #tpu.memory_space<vmem>>, vector<10000x64xf32>
    %get3A_2 = arith.constant 10000 : index
    %get3A_3 = arith.constant 0 : index
    %get3A_4 = vector.load %arg0[%get3A_2, %get3A_3] : memref<20000x128xf32, #tpu.memory_space<vmem>>, vector<10000x64xf32>
    %add3A = arith.addf %get3A_1, %get3A_4 : vector<10000x64xf32>
    %get3A_5 = arith.constant 0 : index
    %get3A_6 = arith.constant 0 : index
    %get3A_7 = vector.load %arg2[%get3A_5, %get3A_6] : memref<64x128xf32, #tpu.memory_space<vmem>>, vector<64x128xf32>
    %dot_general3A = arith.constant dense<0.000000e+00> : vector<10000x128xf32>
    %dot_general3A_8 = tpu.matmul %add3A, %get3A_7, %dot_general3A {dimension_numbers = #tpu.dot_dimension_numbers<[1], [0], [0], [1], [0, 0, 1, 1], [], []>, transpose_lhs_hint = false} : vector<10000x64xf32>, vector<64x128xf32>, vector<10000x128xf32> -> vector<10000x128xf32>
    %get3A_9 = arith.constant 0 : index
    %get3A_10 = arith.constant 0 : index
    %get3A_11 = vector.load %arg3[%get3A_9, %get3A_10] : memref<1x128xf32, #tpu.memory_space<vmem>>, vector<1x128xf32>
    %add3A_12 = vector.broadcast %get3A_11 : vector<1x128xf32> to vector<10000x128xf32>
    %add3A_13 = arith.addf %dot_general3A_8, %add3A_12 : vector<10000x128xf32>
    %max3A = arith.constant 0.000000e+00 : f32
    %max3A_14 = vector.broadcast %max3A : f32 to vector<10000x128xf32>
    %max3A_15 = arith.maximumf %add3A_13, %max3A_14 : vector<10000x128xf32>
    %get3A_16 = arith.constant 0 : index
    %get3A_17 = arith.constant 0 : index
    %get3A_18 = vector.load %arg1[%get3A_16, %get3A_17] : memref<10000x128xf32, #tpu.memory_space<vmem>>, vector<10000x128xf32>
    %add3A_19 = arith.addf %get3A_18, %max3A_15 : vector<10000x128xf32>
    %swap3A = arith.constant 0 : index
    %swap3A_20 = arith.constant 0 : index
    %swap3A_21 = vector.load %arg4[%swap3A, %swap3A_20] : memref<10000x128xf32, #tpu.memory_space<vmem>>, vector<10000x128xf32>
    tpu.vector_store %arg4[%swap3A, %swap3A_20], %add3A_19 {strides = array<i32>} : memref<10000x128xf32, #tpu.memory_space<vmem>>, vector<10000x128xf32>,
    return
  }
}

</mosaic_0001>

<sc_bundles>
// kernel: kernel.5.cloned.1.call-start
scs
__scs_entry_jumppad:
0x0: {  	(pc) =	sbr.rel $0x88, $3  }
0x1: {  	(tag) =	ssettag $0x0;
	lr =	simm.s32 $0x1  }
0x2: {  	[smem:$0x3F96] =	sst lr;
	_ =	strace $0xD0000000  }
0x3: {  	_ = 	snop  }
0x4: {  	_ = 	snop  }
0x5: {  	_ = 	snop  }
0x6: {  	_ = 	snop  }
0x7: {  	_ = 	snop  }
__scs_overlays_trampoline_lowered:
0x8: {  	[smem:$0x3FA5] =	sst s0  }
0x9: {  	[smem:$0x3FA6] =	sst s1  }
0xa: {  	[smem:$0x3FA7] =	sst s2  }
0xb: {  	[smem:$0x3FA8] =	sst s3  }
0xc: {  	[smem:$0x3FA9] =	sst s4  }
0xd: {  	[smem:$0x3FAA] =	sst s5  }
0xe: {  	[smem:$0x3FAB] =	sst s6  }
0xf: {  	[smem:$0x3FAC] =	sst s7  }
0x10: {  	[smem:$0x3FAD] =	sst s8  }
0x11: {  	[smem:$0x3FAE] =	sst s9;
	s0 =	simm.s32 @!p0 $0x0  }
0x12: {  	s1 =	sld [smem:$0x3F94];
	s0 =	simm.s32 @p0 $0x1  }
0x13: {  	[smem:$0x3FAF] =	sst s0;
	s0 =	simm.s32 @!p1 $0x0  }
0x14: {  	s2 =	sld [smem:$0x3F93];
	s0 =	simm.s32 @p1 $0x1  }
0x15: {  	[smem:$0x3FB0] =	sst s0;
	s0 =	simm.s32 @!p2 $0x0  }
0x16: {  	s3 =	sld [smem:$0x3FDB];
	s0 =	simm.s32 @p2 $0x1  }
0x17: {  	s4 =	simm.s32 $0x1BF5;
	[smem:$0x3FB2] =	sst s0  }
0x18: {  	s0 =	sld [smem:$0x3F95];
	_ =	swait.ge [sflag:s4], $0x0  }
0x19: {  	s7 =	sld [smem:$0x3F96]  }
0x1a: {  	s8 =	sadd.s32 $0xFFFFE003, lr  }
0x1b: {  	s9 =	sadd.s32 $0xFFFFFEF7, lr;
	s5 =	simm.s32 $0xFFFFFFFF;
	p2 =	slt.u32 s8, $0xFFFFF086  }
0x1c: {  	p1 =	slt.u32 s9, $0xF7A;
	s5 =	simm.s32 @!p2 $0x0  }
0x1d: {  	s5 =	simm.s32 @p1 $0x1;
	p0 =	seq.s32 s7, s2  }
0x1e: {  	s7 =	smul.u32 @!p0 $0xF7A, s2;
	p2 =	seq.s32 @!p0 s5, $0x0  }
0x1f: {  	s9 =	smul.u32 $0xF7A, s1;
	s8 =	simm.s32 @!p0 $0x1BF5;
	p2 =	por !p2, p0  }
0x20: {  	[sflag:s8] =	ssyncset.s32 @!p0 $0xFFFFF086;
	s6 =	sadd.s32 @!p0 s3, s7;
	s7 =	simm.s32 @!p0 $0x108  }
0x21: {  	s3 =	sadd.s32 s3, s9;
	s6 =	sadd.s32 @!p0 $0x88, s6;
	s7 =	simm.s32 @p2 $0x1082  }
0x22: {  	[simem:s7], [sflag:s8] =	dma.local @!p0 [hbm:s6], $0xF7A  }
0x23: {  	s9 =	sor.u32 $0xD0000000, s2;
	s6 =	simm.s32 $0x108;
	_ =	swait.ge @!p0 [sflag:s8], $0x0  }
0x24: {  	s3 =	sadd.s32 $0x88, s3;
	s6 =	simm.s32 @!p1 $0x1082;
	[sflag:s4] =	ssyncset.s32 $0xFFFFF086  }
0x25: {  	[simem:s6], [sflag:s4] =	dma.local [hbm:s3], $0xF7A  }
0x26: {  	[smem:$0x3F96] =	sst s1;
	(tag) =	ssettag s2;
	_ =	strace s9  }
0x27: {  	s1 =	sld [smem:$0x3FA6]  }
0x28: {  	s2 =	sld [smem:$0x3FA7]  }
0x29: {  	s4 =	sld [smem:$0x3FA9]  }
0x2a: {  	p0 =	seq.s32 s5, $0x0;
	s5 =	sld [smem:$0x3FAA]  }
0x2b: {  	s6 =	sld [smem:$0x3FAB]  }
0x2c: {  	s7 =	sld [smem:$0x3FAC]  }
0x2d: {  	s3 =	simm.s32 $0x108;
	s8 =	sld [smem:$0x3FAD]  }
0x2e: {  	s3 =	simm.s32 @!p0 $0x1082;
	s9 =	sld [smem:$0x3FAE]  }
0x2f: {  	lr =	sadd.s32 s0, s3;
	s0 =	sld [smem:$0x3FA5]  }
0x30: {  	s3 =	sld [smem:$0x3FA8]  }
0x31: {  	[smem:$0x3FB1] =	sst s10  }
0x32: {  	s10 =	sld [smem:$0x3FAF];
	_ =	sdelay $0x3  }
0x33: {  	p0 =	seq.s32 s10, $0x1;
	s10 =	sld [smem:$0x3FB1];
	_ =	sdelay $0x3  }
0x34: {  	[smem:$0x3FB1] =	sst s10  }
0x35: {  	s10 =	sld [smem:$0x3FB0];
	_ =	sdelay $0x3  }
0x36: {  	p1 =	seq.s32 s10, $0x1;
	s10 =	sld [smem:$0x3FB1];
	_ =	sdelay $0x3  }
0x37: {  	[smem:$0x3FB1] =	sst s10  }
0x38: {  	s10 =	sld [smem:$0x3FB2]  }
0x39: {  	_ = 	snop;
	(pc) =	sbr.ind lr, $3  }
0x3a: {  	_ = 	snop  }
0x3b: {  	_ = 	snop  }
0x3c: {  	p2 =	seq.s32 s10, $0x1;
	s10 =	sld [smem:$0x3FB1]  }
0x3d: {  	_ =	shalt  }
0x3e: {  	_ =	shalt  }
0x3f: {  	_ =	shalt  }
0x40: {  	_ =	shalt  }
0x41: {  	_ =	shalt  }
0x42: {  	_ =	shalt  }
0x43: {  	_ =	shalt  }
0x44: {  	_ =	shalt  }
0x45: {  	_ =	shalt  }
0x46: {  	_ =	shalt  }
0x47: {  	_ =	shalt  }
0x48: {  	_ =	shalt  }
0x49: {  	_ =	shalt  }
0x4a: {  	_ =	shalt  }
0x4b: {  	_ =	shalt  }
0x4c: {  	_ =	shalt  }
0x4d: {  	_ =	shalt  }
0x4e: {  	_ =	shalt  }
0x4f: {  	_ =	shalt  }
0x50: {  	_ =	shalt  }
0x51: {  	_ =	shalt  }
0x52: {  	_ =	shalt  }
0x53: {  	_ =	shalt  }
0x54: {  	_ =	shalt  }
0x55: {  	_ =	shalt  }
0x56: {  	_ =	shalt  }
0x57: {  	_ =	shalt  }
0x58: {  	_ =	shalt  }
0x59: {  	_ =	shalt  }
0x5a: {  	_ =	shalt  }
0x5b: {  	_ =	shalt  }
0x5c: {  	_ =	shalt  }
0x5d: {  	_ =	shalt  }
0x5e: {  	_ =	shalt  }
0x5f: {  	_ =	shalt  }
0x60: {  	_ =	shalt  }
0x61: {  	_ =	shalt  }
0x62: {  	_ =	shalt  }
0x63: {  	_ =	shalt  }
0x64: {  	_ =	shalt  }
0x65: {  	_ =	shalt  }
0x66: {  	_ =	shalt  }
0x67: {  	_ =	shalt  }
0x68: {  	_ =	shalt  }
0x69: {  	_ =	shalt  }
0x6a: {  	_ =	shalt  }
0x6b: {  	_ =	shalt  }
0x6c: {  	_ =	shalt  }
0x6d: {  	_ =	shalt  }
0x6e: {  	_ =	shalt  }
0x6f: {  	_ =	shalt  }
0x70: {  	_ =	shalt  }
0x71: {  	_ =	shalt  }
0x72: {  	_ =	shalt  }
0x73: {  	_ =	shalt  }
0x74: {  	_ =	shalt  }
0x75: {  	_ =	shalt  }
0x76: {  	_ =	shalt  }
0x77: {  	_ =	shalt  }
0x78: {  	_ =	shalt  }
0x79: {  	_ =	shalt  }
0x7a: {  	_ =	shalt  }
0x7b: {  	_ =	shalt  }
0x7c: {  	_ =	shalt  }
0x7d: {  	_ =	shalt  }
0x7e: {  	_ =	shalt  }
0x7f: {  	_ =	shalt  }
0x80: {  	_ =	shalt  }
0x81: {  	_ =	shalt  }
0x82: {  	_ =	shalt  }
0x83: {  	_ =	shalt  }
0x84: {  	_ =	shalt  }
0x85: {  	_ =	shalt  }
0x86: {  	_ =	shalt  }
0x87: {  	_ =	shalt  }
.Lfunc_end0:
.L_simem_size_0:
called_computation_lowered:
.L_overlay_start_0:
0x88: {  	s2 =	sld [smem:$0x3FD9]  }
0x89: {  	s3 =	sld [smem:$0x3FFE];
	_ =	sdelay $0x1  }
0x8a: {  	s1 =	srdreg.scid  }
0x8b: {  	s0 =	sand.u32 $0x1, s1  }
0x8c: {  	s17 =	sshll.u32 s0, $0xA;
	s2 =	sadd.s32 s3, s2  }
0x8d: {  	s2 =	sadd.s32 s2, s17  }
0x8e: {  	[smem:$0x3FBD] =	sst s2  }
0x8f: {  	_ = 	snop  }
0x90: {  	s2 =	sld [smem:$0x3FD0];
	(tm) =	ssettm $0x1  }
0x91: {  	s18 =	sld [smem:$0x3FFB];
	_ =	sdelay $0x3  }
0x92: {  	_ =	strace s18  }
0x93: {  	s3 =	sld [smem:$0x3FFC];
	_ =	sdelay $0x3  }
0x94: {  	_ =	strace s3  }
0x95: {  	s3 =	sld [smem:$0x3FFD];
	_ =	sdelay $0x3  }
0x96: {  	_ =	strace s3  }
0x97: {  	_ =	strace $0x8FFFFFFF  }
0x98: {  	s19 =	sld [smem:$0x3FDB];
	_ =	sdelay $0x1  }
0x99: {  	s4 =	simm.s32 $_scs_section_size  }
0x9a: {  	s5 =	simm.s32 $_size__tile_overlayer_lowered;
	s6 =	simm.s32 $_tile_overlayer_lowered  }
0x9b: {  	s22 =	simm.s32 $0x1BFF;
	s21 =	sshll.u32 s6, $0x1;
	s3 =	sadd.s32 s4, s19  }
0x9c: {  	s7 =	simm.s32 $0x0;
	s20 =	sshll.u32 s5, $0x1;
	s5 =	sadd.s32 s21, s3  }
0x9d: {  	[timem:s7], [sflag:s22] =	dma.local [hbm:s5], s20  }
0x9e: {  	_ =	swait.ge [sflag:s22], s20  }
0x9f: {  	s4 =	ssub.s32 $0x0, s20;
	[sflag:s22] =	ssyncset.done $0x0  }
0xa0: {  	[sflag:s22] =	ssyncadd.s32 s4;
	_ =	sdelay $0x1  }
0xa1: {  	s23 =	simm.s32 $0x1B8B  }
0xa2: {  	_ =	swait.ge [sflag:s23], $0x1  }
0xa3: {  	[sflag:s23] =	ssyncset.done $0x0  }
0xa4: {  	s25 =	simm.s32 $0x1B8E;
	s24 =	sld [smem:$0x3FFE];
	[sflag:s23] =	ssyncadd.s32 $0xFFFFFFFF  }
0xa5: {  	s26 =	simm.s32 $execute0_lowered;
	[smem:$0x3FD2] =	sst s25  }
0xa6: {  	s5 =	sshll.u32 s26, $0x1;
	_ =	strace $0x80000046;
	[dreg:$0x1] =	wrdreg $0xFFFFFFFF  }
0xa7: {  	s28 =	simm.s32 $_size_execute0_lowered;
	s3 =	sadd.s32 s3, s5;
	[dreg:$0x0] =	wrdreg $0x0  }
0xa8: {  	s5 =	sshll.u32 s28, $0x1;
	[dreg:$0x2] =	wrdreg s3  }
0xa9: {  	[dreg:$0x3] =	wrdreg s5  }
0xaa: {  	[dreg:$0x4] =	wrdreg $0xC0  }
0xab: {  	_ =	task [dreg:s7], $0x5FFFF  }
0xac: {  	[dreg:$0x1] =	wrdreg $0xFFFFFFFF  }
0xad: {  	[dreg:$0x0] =	wrdreg $0x60  }
0xae: {  	[dreg:$0x2] =	wrdreg s2  }
0xaf: {  	[dreg:$0x3] =	wrdreg s24  }
0xb0: {  	[dreg:$0x4] =	wrdreg $0x0  }
0xb1: {  	[dreg:$0x5] =	wrdreg $0x9  }
0xb2: {  	_ =	task.clear_ibuf [dreg:s7], $0x6FFFF;
	_ =	strace $0x90000046  }
0xb3: {  	s29 =	simm.s32 $0x9;
	_ =	strace $0x80000048  }
0xb4: {  	_ =	swait.ge [sflag:s29], $0x1  }
0xb5: {  	[sflag:s29] =	ssyncadd.s32 $0xFFFFFFFF  }
0xb6: {  	_ =	strace $0x90000048  }
0xb7: {  	_ =	sfence  }
0xb8: {  	s30 =	sld [smem:$0x0];
	_ =	sdelay $0x2  }
0xb9: {  	s31 =	sshll.u32 s1, $0xD;
	s1 =	sshrl.u32 s1, $0x2  }
0xba: {  	s3 =	sand.u32 $0x4000, s31;
	s1 =	sadd.s32 s1, s30  }
0xbb: {  	s0 =	sor.u32 s3, s0;
	s1 =	sshll.u32 s1, $0x11  }
0xbc: {  	s0 =	sor.u32 s1, s0  }
0xbd: {  	s0 =	sadd.s32 $0x8F2B, s0  }
0xbe: {  	[sflag:s0] =	ssyncadd.remote.s32 $0x1  }
0xbf: {  	_ =	sfence.sel $0xFFFF  }
0xc0: {  	[dreg:$0x0] =	wrdreg $0xFFFFFFFF;
	(pc) =	sbr.abs _section_cstart, $3  }
0xc1: {  	[dreg:$0x1] =	wrdreg $0xFFFFFFFF  }
0xc2: {  	_ =	task.clear_ibuf [dreg:s7], $0x2FFFF;
	_ =	strace $0x9FFFFFFF  }
0xc3: {  	(tm) =	ssettm $0x7FFFFFFF  }
tec
execute0_lowered:
.L_overlay_start_1:
0x0: {  	(tag) =	ssettag $0x1  }
0x1: {  	s1 =	rddreg [dreg:$0x0]  }
0x2: {  	s0 =	rddreg [dreg:$0x1]  }
0x3: {  	s3 =	rddreg [dreg:$0x2]  }
0x4: {  	s2 =	srdreg.scid;
	s13 =	stileid.u32  }
0x5: {  	s4 =	simm.s32 $0x0;
	s31 =	simm.s32 $0x50;
	s28 =	simm.s32 $0x3  }
0x6: {  	s29 =	simm.s32 $0x0;
	s2 =	sand.u32 $0x1, s2;
	s7 =	smul.u32 $0x280, s13  }
0x7: {  	[smem:$0x7FF] =	sst s4;
	s5 =	sadd.s32 $0x15000, s0;
	s8 =	smul.u32 $0x2710, s2  }
0x8: {  	s6 =	sadd.s32 $0xB200, s0;
	s9 =	sshll.u32 s13, $0x1;
	p0 =	seq.s32 s13, $0xF  }
0x9: {  	s13 =	smul.u32 $0x50000, s13;
	_ =	strace $0x80000047;
	s8 =	sadd.s32 s7, s8  }
0xa: {  	s10 =	sor.u32 s2, s9;
	s2 =	ssub.s32 $0x2, s2;
	s8 =	sshll.u32 s8, $0x4  }
0xb: {  	s7 =	sadd.s32 $0x1400, s0;
	s0 =	sadd.s32 s8, s0;
	s8 =	smul.u32 $0x1388, s10  }
0xc: {  	s9 =	simm.s32 $0x5;
	s11 =	sshrl.u32 s2, $0x1;
	s10 =	smul.u32 $0x13880, s10  }
0xd: {  	s9 =	simm.s32 @!p0 $0x8;
	s30 =	sshrl.u32 s13, $0x2;
	s2 =	ssub.s32 s2, s11  }
0xe: {  	s19 =	sshrl.u32 s8, $0x3;
	s10 =	sadd.s32 s5, s10;
	s22 =	sadd.s32 $0x28, s8  }
0xf: {  	s23 =	sadd.s32 $0x27128, s8;
	s12 =	sadd.s32 s6, s19;
	s20 =	sadd.s32 $0x4E20, s19  }
0x10: {  	s11 =	sadd.s32 s7, s19;
	[dreg:$0x8] =	wrdreg s10;
	s24 =	sshrl.u32 s22, $0x3  }
0x11: {  	s10 =	sshll.u32 s22, $0x4;
	s22 =	smax.u32 s2, $0x1;
	[dreg:$0x4] =	wrdreg s12  }
0x12: {  	s14 =	sadd.s32 s6, s20;
	[dreg:$0x6] =	wrdreg s11;
	s21 =	sadd.s32 s7, s20  }
0x13: {  	s11 =	sshrl.u32 s23, $0x3;
	s25 =	sadd.s32 s6, s24;
	[dreg:$0x5] =	wrdreg s14  }
0x14: {  	s12 =	sadd.s32 s7, s24;
	s19 =	sadd.s32 s5, s10;
	[dreg:$0x7] =	wrdreg s21  }
0x15: {  	s20 =	sadd.s32 s30, s3;
	s23 =	simm.s32 $0x17880;
	[dreg:$0x9] =	wrdreg s25  }
0x16: {  	s24 =	simm.s32 $0x1;
	s26 =	sadd.s32 s6, s11;
	[dreg:$0xb] =	wrdreg s12  }
0x17: {  	s18 =	sadd.s32 s7, s11;
	s21 =	sadd.s32 $0x286000, s0;
	s0 =	sadd.s32 $0x12C000, s3  }
0x18: {  	v0 =	vimm.f32 $0.0e+00;
	[dreg:$0xa] =	wrdreg s26;
	s25 =	sshrl.u32 @p0 s0, $0x3;
	s0 =	simm.s32 $0x2  }
.LBB2_1:
0x19: {  	s2 =	simm.s32 $0x0;
	s10 =	simm.s32 $0x200  }
.LBB2_2:
0x1a: {  	p1 =	sne.s32 s10, $0x9E00;
	[tilespmem:s2+$0x178F0] =	vst v0  }
0x1b: {  	[tilespmem:s2+$0x17880] =	vst v0  }
0x1c: {  	[tilespmem:s2+$0x17890] =	vst v0  }
.Ltmp0:
0x1d: {  	[tilespmem:s2+$0x178A0] =	vst v0;
	(pc) =	sbr.rel @p1 .LBB2_2-.Ltmp0, $4  }
0x1e: {  	[tilespmem:s2+$0x178B0] =	vst v0  }
0x1f: {  	[tilespmem:s2+$0x178C0] =	vst v0  }
0x20: {  	[tilespmem:s2+$0x178D0] =	vst v0  }
0x21: {  	[tilespmem:s2+$0x178E0] =	vst v0;
	s2 =	sshra.s32 s10, $0x2;
	s10 =	sadd.s32 $0x200, s10  }
0x22: {  	[tilespmem:s2+$0x178F0] =	vst v0  }
0x23: {  	[tilespmem:s2+$0x17880] =	vst v0  }
0x24: {  	[tilespmem:s2+$0x17890] =	vst v0  }
0x25: {  	[tilespmem:s2+$0x178A0] =	vst v0;
	p1 =	sne.s32 s9, $0x1  }
.Ltmp1:
0x26: {  	[tilespmem:s2+$0x178B0] =	vst v0;
	(pc) =	sbr.rel @!p1 .LBB2_5-.Ltmp1, $4  }
0x27: {  	[tilespmem:s2+$0x178C0] =	vst v0  }
0x28: {  	[tilespmem:s2+$0x178D0] =	vst v0  }
0x29: {  	[tilespmem:s2+$0x178E0] =	vst v0;
	s2 =	sadd.s32 $0xFFFFFFFF, s9;
	s10 =	smov.u32 s20  }
0x2a: {  	[spmem:s20] =	stream.linear.scatter [tilespmem:s23], [sflag:$0x1], $0x2800, $0x38;
	[tilespmem:$0x1F080] =	vst v63  }
.LBB2_4:
0x2b: {  	p2 =	sne.s32 s2, $0x1  }
.Ltmp2:
0x2c: {  	_ = 	snop;
	(pc) =	sbr.rel @p2 .LBB2_4-.Ltmp2, $3  }
0x2d: {  	_ = 	snop  }
0x2e: {  	s2 =	sadd.s32 $0xFFFFFFFF, s2;
	s10 =	sadd.s32 $0x2800, s10;
	_ =	sdelay $0x1  }
0x2f: {  	[spmem:s10] =	stream.linear.scatter [tilespmem:s23], [sflag:$0x1], $0x2800, $0x38;
	[tilespmem:$0x1F080] =	vst v63  }
.LBB2_5:
.Ltmp3:
0x30: {  	(pc) =	sbr.rel @!p1 .LBB2_7-.Ltmp3, $3  }
0x31: {  	_ =	sdelay $0x1  }
0x32: {  	_ =	swait.ge [sflag:s24], $0x2800  }
0x33: {  	s2 =	sadd.s32 $0xFFFFFFFF, s9;
	[sflag:s24] =	ssyncset.done $0x0  }
.LBB2_6:
0x34: {  	p1 =	sne.s32 s2, $0x1;
	s2 =	sadd.s32 $0xFFFFFFFF, s2;
	[sflag:s24] =	ssyncadd.s32 $0xFFFFD800  }
.Ltmp4:
0x35: {  	(pc) =	sbr.rel @p1 .LBB2_6-.Ltmp4, $3  }
0x36: {  	_ =	sdelay $0x1  }
0x37: {  	_ =	swait.ge [sflag:s24], $0x2800  }
0x38: {  	[sflag:s24] =	ssyncset.done $0x0  }
.LBB2_7:
0x39: {  	[sflag:s24] =	ssyncadd.s32 $0xFFFFD800  }
0x3a: {  	[bflag:$0x0] =	sbarrier.arrive $0xFFFF  }
0x3b: {  	s12 =	simm.s32 $0x0;
	s10 =	simm.s32 $0x13880;
	s2 =	rddreg [dreg:$0x4]  }
0x3c: {  	[tilespmem:s10], [sflag:$0x1] =	stream.linear.gather [hbm4b:s2+s12], $0x28, $0x38;
	[tilespmem:$0x1F080] =	vst v63  }
0x3d: {  	s11 =	simm.s32 $0x138A8;
	s26 =	rddreg [dreg:$0x5]  }
0x3e: {  	[tilespmem:s11], [sflag:$0x1] =	stream.linear.gather [hbm4b:s26+s12], $0x28, $0x38;
	[tilespmem:$0x1F080] =	vst v63  }
0x3f: {  	s13 =	simm.s32 $0x13A80;
	s11 =	rddreg [dreg:$0x6]  }
0x40: {  	[tilespmem:s13], [sflag:$0x1] =	stream.linear.gather [hbm4b:s11+s12], $0x28, $0x38;
	[tilespmem:$0x1F080] =	vst v63  }
0x41: {  	s15 =	simm.s32 $0x13AA8;
	s14 =	rddreg [dreg:$0x7]  }
0x42: {  	[tilespmem:s15], [sflag:$0x1] =	stream.linear.gather [hbm4b:s14+s12], $0x28, $0x38;
	[tilespmem:$0x1F080] =	vst v63  }
0x43: {  	s30 =	simm.s32 $0x13C80;
	s16 =	rddreg [dreg:$0x8]  }
0x44: {  	[tilespmem:s30], [sflag:$0x1] =	stream.linear.gather [hbm4b:s16+s12], $0x1400, $0x38;
	[tilespmem:$0x1F080] =	vst v63  }
0x45: {  	s17 =	rddreg [dreg:$0x9];
	s26 =	simm.s32 $0x13900  }
0x46: {  	[tilespmem:s26], [sflag:$0x1] =	stream.linear.gather [hbm4b:s17+s12], $0x28, $0x38;
	[tilespmem:$0x1F080] =	vst v63  }
0x47: {  	s13 =	rddreg [dreg:$0xa];
	s14 =	simm.s32 $0x13928  }
0x48: {  	[tilespmem:s14], [sflag:$0x1] =	stream.linear.gather [hbm4b:s13+s12], $0x28, $0x38;
	[tilespmem:$0x1F080] =	vst v63  }
0x49: {  	s15 =	rddreg [dreg:$0xb];
	s16 =	simm.s32 $0x13B00  }
0x4a: {  	[tilespmem:s16], [sflag:$0x1] =	stream.linear.gather [hbm4b:s15+s12], $0x28, $0x38;
	[tilespmem:$0x1F080] =	vst v63  }
0x4b: {  	s17 =	simm.s32 $0x13B28  }
0x4c: {  	[tilespmem:s17], [sflag:$0x1] =	stream.linear.gather [hbm4b:s18+s12], $0x28, $0x38;
	[tilespmem:$0x1F080] =	vst v63  }
0x4d: {  	s26 =	simm.s32 $0x15080  }
0x4e: {  	[tilespmem:s26], [sflag:$0x1] =	stream.linear.gather [hbm4b:s19+s12], $0x1400, $0x38;
	[tilespmem:$0x1F080] =	vst v63  }
0x4f: {  	_ =	swait.ge [sflag:s24], $0x28  }
0x50: {  	[sflag:s24] =	ssyncset.done $0x0  }
0x51: {  	[sflag:s24] =	ssyncadd.s32 $0xFFFFFFD8  }
0x52: {  	_ =	swait.ge [sflag:s24], $0x28  }
0x53: {  	[sflag:s24] =	ssyncset.done $0x0  }
0x54: {  	[sflag:s24] =	ssyncadd.s32 $0xFFFFFFD8  }
0x55: {  	_ =	swait.ge [sflag:s24], $0x28  }
0x56: {  	[sflag:s24] =	ssyncset.done $0x0  }
0x57: {  	[sflag:s24] =	ssyncadd.s32 $0xFFFFFFD8  }
0x58: {  	_ =	swait.ge [sflag:s24], $0x28  }
0x59: {  	[sflag:s24] =	ssyncset.done $0x0  }
0x5a: {  	[sflag:s24] =	ssyncadd.s32 $0xFFFFFFD8  }
0x5b: {  	_ =	swait.ge [sflag:s24], $0x1400  }
0x5c: {  	[sflag:s24] =	ssyncset.done $0x0  }
0x5d: {  	s2 =	simm.s32 $0x17880;
	[sflag:s24] =	ssyncadd.s32 $0xFFFFEC00  }
0x5e: {  	[tilespmem:s2], [sflag:$0x2] =	stream.indirect.gather [hbm4b:s1+s31], $0x80, s10, s31, $0xb8;
	[tilespmem:$0x1F080] =	vst v63  }
.LBB2_8:
0x5f: {  	p1 =	seq.s32 s12, $0x7C  }
.Ltmp5:
0x60: {  	_ = 	snop;
	(pc) =	sbr.rel @p1 .LBB2_13-.Ltmp5, $4  }
0x61: {  	_ = 	snop  }
0x62: {  	_ =	swait.ge [sflag:s0], $0x2800  }
0x63: {  	[sflag:s0] =	ssyncset.done $0x0  }
0x64: {  	s10 =	sadd.s32 $0x1, s12;
	[sflag:s0] =	ssyncadd.s32 $0xFFFFD800  }
0x65: {  	_ =	swait.ge [sflag:s24], $0x28  }
0x66: {  	[sflag:s24] =	ssyncset.done $0x0  }
0x67: {  	[sflag:s24] =	ssyncadd.s32 $0xFFFFFFD8  }
0x68: {  	_ =	swait.ge [sflag:s24], $0x28  }
0x69: {  	s11 =	smul.u32 $0xAB, s10;
	[sflag:s24] =	ssyncset.done $0x0  }
0x6a: {  	[sflag:s24] =	ssyncadd.s32 $0xFFFFFFD8  }
0x6b: {  	s11 =	sshrl.u32 s11, $0x9;
	_ =	swait.ge [sflag:s24], $0x28  }
0x6c: {  	s11 =	sand.u32 $0x7F, s11;
	[sflag:s24] =	ssyncset.done $0x0  }
0x6d: {  	s11 =	smul.u32 $0x3, s11;
	[sflag:s24] =	ssyncadd.s32 $0xFFFFFFD8  }
0x6e: {  	p1 =	sgt.u32 s12, $0x1;
	_ =	swait.ge [sflag:s24], $0x28  }
.Ltmp6:
0x6f: {  	s11 =	ssub.s32 s10, s11;
	[sflag:s24] =	ssyncset.done $0x0;
	(pc) =	sbr.rel @!p1 .LBB2_10-.Ltmp6, $4  }
0x70: {  	s11 =	sand.u32 $0xFF, s11;
	[sflag:s24] =	ssyncadd.s32 $0xFFFFFFD8  }
0x71: {  	s13 =	smul.u32 $0xA000, s11;
	_ =	swait.ge [sflag:s24], $0x1400  }
0x72: {  	[sflag:s24] =	ssyncset.done $0x0  }
0x73: {  	s13 =	sshrl.u32 s13, $0x2;
	[sflag:s24] =	ssyncadd.s32 $0xFFFFEC00  }
0x74: {  	p1 =	sgt.u32 s12, $0x7A  }
.Ltmp7:
0x75: {  	_ = 	snop;
	(pc) =	sbr.rel @p1 .LBB2_13-.Ltmp7, $4  }
.Ltmp8:
0x76: {  	_ =	swait.ge [sflag:s28], $0x2800;
	(pc) =	sbr.rel @!p1 .LBB2_12-.Ltmp8, $4  }
0x77: {  	s11 =	sshll.u32 s11, $0x7;
	[sflag:s28] =	ssyncset.done $0x0  }
0x78: {  	s13 =	sadd.s32 $0x17880, s13;
	s11 =	sadd.s32 $0x13880, s11;
	[sflag:s28] =	ssyncadd.s32 $0xFFFFD800  }
0x79: {  	[tilespmem:s13], [sflag:$0x2] =	stream.indirect.gather [hbm4b:s1+s31], $0x80, s11, s31, $0xb8;
	[tilespmem:$0x1F080] =	vst v63  }
0x7a: {  	_ = 	snop  }
.LBB2_10:
0x7b: {  	s11 =	sshll.u32 s11, $0x7  }
0x7c: {  	s13 =	sadd.s32 $0x17880, s13;
	s11 =	sadd.s32 $0x13880, s11  }
0x7d: {  	[tilespmem:s13], [sflag:$0x2] =	stream.indirect.gather [hbm4b:s1+s31], $0x80, s11, s31, $0xb8;
	[tilespmem:$0x1F080] =	vst v63  }
.LBB2_12:
0x7e: {  	s11 =	sadd.s32 $0x2, s12  }
0x7f: {  	s13 =	smul.u32 $0xAB, s11;
	_ =	sdelay $0x1  }
0x80: {  	s13 =	sshrl.u32 s13, $0x9  }
0x81: {  	s13 =	sand.u32 $0x7F, s13  }
0x82: {  	s13 =	smul.u32 $0x3, s13  }
0x83: {  	s14 =	smul.u32 $0x28, s11  }
0x84: {  	s11 =	ssub.s32 s11, s13  }
0x85: {  	s13 =	sadd.s32 s8, s14;
	s11 =	sand.u32 $0xFF, s11  }
0x86: {  	s15 =	sshrl.u32 s13, $0x3;
	s14 =	sshll.u32 s11, $0x7  }
0x87: {  	s16 =	sadd.s32 s6, s15;
	s26 =	sadd.s32 $0x13880, s14  }
0x88: {  	[tilespmem:s26], [sflag:$0x1] =	stream.linear.gather [hbm4b:s16+s4], $0x28, $0x38;
	[tilespmem:$0x1F080] =	vst v63  }
0x89: {  	s16 =	sadd.s32 $0x4E20, s15  }
0x8a: {  	s13 =	sshll.u32 s13, $0x4;
	s26 =	sadd.s32 $0x138A8, s14;
	s17 =	sadd.s32 s6, s16  }
0x8b: {  	[tilespmem:s26], [sflag:$0x1] =	stream.linear.gather [hbm4b:s17+s4], $0x28, $0x38;
	[tilespmem:$0x1F080] =	vst v63  }
0x8c: {  	s11 =	smul.u32 $0x5000, s11;
	s15 =	sadd.s32 s7, s15;
	s26 =	sadd.s32 $0x13A80, s14  }
0x8d: {  	[tilespmem:s26], [sflag:$0x1] =	stream.linear.gather [hbm4b:s15+s4], $0x28, $0x38;
	[tilespmem:$0x1F080] =	vst v63  }
0x8e: {  	s11 =	sshrl.u32 s11, $0x2;
	s14 =	sadd.s32 $0x13AA8, s14;
	s26 =	sadd.s32 s7, s16  }
0x8f: {  	[tilespmem:s14], [sflag:$0x1] =	stream.linear.gather [hbm4b:s26+s4], $0x28, $0x38;
	[tilespmem:$0x1F080] =	vst v63  }
0x90: {  	s13 =	sadd.s32 s5, s13;
	s11 =	sadd.s32 $0x13C80, s11  }
0x91: {  	[tilespmem:s11], [sflag:$0x1] =	stream.linear.gather [hbm4b:s13+s4], $0x1400, $0x38;
	[tilespmem:$0x1F080] =	vst v63  }
.LBB2_13:
0x92: {  	s11 =	smulhi.u32 $0xAAAAAAAB, s12;
	_ =	sdelay $0x1  }
0x93: {  	s11 =	sshrl.u32 s11, $0x1  }
0x94: {  	s13 =	smul.u32 $0xFFFE2000, s11  }
0x95: {  	s11 =	smul.u32 $0xFFFF1000, s11  }
0x96: {  	s13 =	sshra.s32 s13, $0x2  }
0x97: {  	s11 =	sshra.s32 s11, $0x2;
	s13 =	sadd.s32 s13, s2  }
0x98: {  	s11 =	sadd.s32 s11, s30;
	v1 =	vmov s13  }
0x99: {  	v2 =	vmov s11;
	_ =	sdelay $0x2  }
0x9a: {  	s11 =	simm.s32 $0x0  }
0x9b: {  	v3 =	vld.idx.msk [tilespmem:v1+s11+$0x0 ss:$0x1], $0xffff  }
0x9c: {  	v4 =	vld.idx.msk [tilespmem:v2+s11+$0x0 ss:$0x1], $0xffff;
	_ =	sdelay $0x4  }
0x9d: {  	v3 =	vmul.f32 v4, v3;
	_ =	sdelay $0x1  }
0x9e: {  	[tilespmem:v1+s11+$0x0 ss:$0x1] =	vst.idx.msk $0xffff, v3  }
0x9f: {  	v3 =	vld.idx.msk [tilespmem:v1+s11+$0x1400 ss:$0x1], $0xffff  }
0xa0: {  	v36 =	vld.idx.msk [tilespmem:v2+s11+$0x40 ss:$0x1], $0xffff;
	_ =	sdelay $0x4  }
0xa1: {  	v3 =	vmul.f32 v36, v3;
	_ =	sdelay $0x1  }
0xa2: {  	[tilespmem:v1+s11+$0x1400 ss:$0x1] =	vst.idx.msk $0xffff, v3  }
0xa3: {  	v3 =	vld.idx.msk [tilespmem:v1+s11+$0x10 ss:$0x1], $0xffff  }
0xa4: {  	v37 =	vld.idx.msk [tilespmem:v2+s11+$0x10 ss:$0x1], $0xffff;
	_ =	sdelay $0x4  }
0xa5: {  	v3 =	vmul.f32 v37, v3;
	_ =	sdelay $0x1  }
0xa6: {  	[tilespmem:v1+s11+$0x10 ss:$0x1] =	vst.idx.msk $0xffff, v3  }
0xa7: {  	v3 =	vld.idx.msk [tilespmem:v1+s11+$0x1410 ss:$0x1], $0xffff  }
0xa8: {  	v38 =	vld.idx.msk [tilespmem:v2+s11+$0x50 ss:$0x1], $0xffff;
	_ =	sdelay $0x4  }
0xa9: {  	v3 =	vmul.f32 v38, v3;
	_ =	sdelay $0x1  }
0xaa: {  	[tilespmem:v1+s11+$0x1410 ss:$0x1] =	vst.idx.msk $0xffff, v3  }
0xab: {  	v3 =	vld.idx.msk [tilespmem:v1+s11+$0x20 ss:$0x1], $0xffff  }
0xac: {  	v39 =	vld.idx.msk [tilespmem:v2+s11+$0x20 ss:$0x1], $0xffff;
	_ =	sdelay $0x4  }
0xad: {  	v3 =	vmul.f32 v39, v3;
	_ =	sdelay $0x1  }
0xae: {  	[tilespmem:v1+s11+$0x20 ss:$0x1] =	vst.idx.msk $0xffff, v3  }
0xaf: {  	v3 =	vld.idx.msk [tilespmem:v1+s11+$0x1420 ss:$0x1], $0xffff  }
0xb0: {  	v40 =	vld.idx.msk [tilespmem:v2+s11+$0x60 ss:$0x1], $0xffff;
	_ =	sdelay $0x4  }
0xb1: {  	v3 =	vmul.f32 v40, v3;
	_ =	sdelay $0x1  }
0xb2: {  	[tilespmem:v1+s11+$0x1420 ss:$0x1] =	vst.idx.msk $0xffff, v3  }
0xb3: {  	v3 =	vld.idx.msk [tilespmem:v1+s11+$0x30 ss:$0x1], $0xffff  }
0xb4: {  	v41 =	vld.idx.msk [tilespmem:v2+s11+$0x30 ss:$0x1], $0xffff;
	_ =	sdelay $0x4  }
0xb5: {  	v3 =	vmul.f32 v41, v3;
	_ =	sdelay $0x1  }
0xb6: {  	[tilespmem:v1+s11+$0x30 ss:$0x1] =	vst.idx.msk $0xffff, v3  }
0xb7: {  	v3 =	vld.idx.msk [tilespmem:v1+s11+$0x1430 ss:$0x1], $0xffff  }
0xb8: {  	v42 =	vld.idx.msk [tilespmem:v2+s11+$0x70 ss:$0x1], $0xffff;
	_ =	sdelay $0x4  }
0xb9: {  	v3 =	vmul.f32 v42, v3;
	_ =	sdelay $0x1  }
0xba: {  	v43 =	vld.idx.msk [tilespmem:v1+s11+$0x80 ss:$0x1], $0xffff;
	[tilespmem:v1+s11+$0x1430 ss:$0x1] =	vst.idx.msk $0xffff, v3  }
0xbb: {  	v3 =	vld.idx.msk [tilespmem:v2+s11+$0x80 ss:$0x1], $0xffff;
	_ =	sdelay $0x4  }
0xbc: {  	v3 =	vmul.f32 v3, v43;
	_ =	sdelay $0x1  }
0xbd: {  	[tilespmem:v1+s11+$0x80 ss:$0x1] =	vst.idx.msk $0xffff, v3  }
0xbe: {  	v3 =	vld.idx.msk [tilespmem:v1+s11+$0x1480 ss:$0x1], $0xffff  }
0xbf: {  	v44 =	vld.idx.msk [tilespmem:v2+s11+$0xC0 ss:$0x1], $0xffff;
	_ =	sdelay $0x4  }
0xc0: {  	v3 =	vmul.f32 v44, v3;
	_ =	sdelay $0x1  }
0xc1: {  	[tilespmem:v1+s11+$0x1480 ss:$0x1] =	vst.idx.msk $0xffff, v3  }
0xc2: {  	v3 =	vld.idx.msk [tilespmem:v1+s11+$0x90 ss:$0x1], $0xffff  }
0xc3: {  	v45 =	vld.idx.msk [tilespmem:v2+s11+$0x90 ss:$0x1], $0xffff;
	_ =	sdelay $0x4  }
0xc4: {  	v3 =	vmul.f32 v45, v3;
	_ =	sdelay $0x1  }
0xc5: {  	[tilespmem:v1+s11+$0x90 ss:$0x1] =	vst.idx.msk $0xffff, v3  }
0xc6: {  	v3 =	vld.idx.msk [tilespmem:v1+s11+$0x1490 ss:$0x1], $0xffff  }
0xc7: {  	v46 =	vld.idx.msk [tilespmem:v2+s11+$0xD0 ss:$0x1], $0xffff;
	_ =	sdelay $0x4  }
0xc8: {  	v3 =	vmul.f32 v46, v3;
	_ =	sdelay $0x1  }
0xc9: {  	[tilespmem:v1+s11+$0x1490 ss:$0x1] =	vst.idx.msk $0xffff, v3  }
0xca: {  	v3 =	vld.idx.msk [tilespmem:v1+s11+$0xA0 ss:$0x1], $0xffff  }
0xcb: {  	v47 =	vld.idx.msk [tilespmem:v2+s11+$0xA0 ss:$0x1], $0xffff;
	_ =	sdelay $0x4  }
0xcc: {  	v3 =	vmul.f32 v47, v3;
	_ =	sdelay $0x1  }
0xcd: {  	[tilespmem:v1+s11+$0xA0 ss:$0x1] =	vst.idx.msk $0xffff, v3  }
0xce: {  	v3 =	vld.idx.msk [tilespmem:v1+s11+$0x14A0 ss:$0x1], $0xffff  }
0xcf: {  	v48 =	vld.idx.msk [tilespmem:v2+s11+$0xE0 ss:$0x1], $0xffff;
	_ =	sdelay $0x4  }
0xd0: {  	v3 =	vmul.f32 v48, v3;
	_ =	sdelay $0x1  }
0xd1: {  	[tilespmem:v1+s11+$0x14A0 ss:$0x1] =	vst.idx.msk $0xffff, v3  }
0xd2: {  	v3 =	vld.idx.msk [tilespmem:v1+s11+$0xB0 ss:$0x1], $0xffff  }
0xd3: {  	v49 =	vld.idx.msk [tilespmem:v2+s11+$0xB0 ss:$0x1], $0xffff;
	_ =	sdelay $0x4  }
0xd4: {  	v3 =	vmul.f32 v49, v3;
	_ =	sdelay $0x1  }
0xd5: {  	[tilespmem:v1+s11+$0xB0 ss:$0x1] =	vst.idx.msk $0xffff, v3  }
0xd6: {  	v3 =	vld.idx.msk [tilespmem:v1+s11+$0x14B0 ss:$0x1], $0xffff  }
0xd7: {  	v50 =	vld.idx.msk [tilespmem:v2+s11+$0xF0 ss:$0x1], $0xffff;
	_ =	sdelay $0x4  }
0xd8: {  	v3 =	vmul.f32 v50, v3;
	_ =	sdelay $0x1  }
0xd9: {  	v51 =	vld.idx.msk [tilespmem:v1+s11+$0x100 ss:$0x1], $0xffff;
	[tilespmem:v1+s11+$0x14B0 ss:$0x1] =	vst.idx.msk $0xffff, v3  }
0xda: {  	v3 =	vld.idx.msk [tilespmem:v2+s11+$0x100 ss:$0x1], $0xffff;
	_ =	sdelay $0x4  }
0xdb: {  	v3 =	vmul.f32 v3, v51;
	_ =	sdelay $0x1  }
0xdc: {  	[tilespmem:v1+s11+$0x100 ss:$0x1] =	vst.idx.msk $0xffff, v3  }
0xdd: {  	v3 =	vld.idx.msk [tilespmem:v1+s11+$0x1500 ss:$0x1], $0xffff  }
0xde: {  	v52 =	vld.idx.msk [tilespmem:v2+s11+$0x140 ss:$0x1], $0xffff;
	_ =	sdelay $0x4  }
0xdf: {  	v3 =	vmul.f32 v52, v3;
	_ =	sdelay $0x1  }
0xe0: {  	[tilespmem:v1+s11+$0x1500 ss:$0x1] =	vst.idx.msk $0xffff, v3  }
0xe1: {  	v3 =	vld.idx.msk [tilespmem:v1+s11+$0x110 ss:$0x1], $0xffff  }
0xe2: {  	v53 =	vld.idx.msk [tilespmem:v2+s11+$0x110 ss:$0x1], $0xffff;
	_ =	sdelay $0x4  }
0xe3: {  	v3 =	vmul.f32 v53, v3;
	_ =	sdelay $0x1  }
0xe4: {  	[tilespmem:v1+s11+$0x110 ss:$0x1] =	vst.idx.msk $0xffff, v3  }
0xe5: {  	v3 =	vld.idx.msk [tilespmem:v1+s11+$0x1510 ss:$0x1], $0xffff  }
0xe6: {  	v54 =	vld.idx.msk [tilespmem:v2+s11+$0x150 ss:$0x1], $0xffff;
	_ =	sdelay $0x4  }
0xe7: {  	v3 =	vmul.f32 v54, v3;
	_ =	sdelay $0x1  }
0xe8: {  	[tilespmem:v1+s11+$0x1510 ss:$0x1] =	vst.idx.msk $0xffff, v3  }
0xe9: {  	v3 =	vld.idx.msk [tilespmem:v1+s11+$0x120 ss:$0x1], $0xffff  }
0xea: {  	v55 =	vld.idx.msk [tilespmem:v2+s11+$0x120 ss:$0x1], $0xffff;
	_ =	sdelay $0x4  }
0xeb: {  	v3 =	vmul.f32 v55, v3;
	_ =	sdelay $0x1  }
0xec: {  	[tilespmem:v1+s11+$0x120 ss:$0x1] =	vst.idx.msk $0xffff, v3  }
0xed: {  	v3 =	vld.idx.msk [tilespmem:v1+s11+$0x1520 ss:$0x1], $0xffff  }
0xee: {  	v56 =	vld.idx.msk [tilespmem:v2+s11+$0x160 ss:$0x1], $0xffff;
	_ =	sdelay $0x4  }
0xef: {  	v3 =	vmul.f32 v56, v3;
	_ =	sdelay $0x1  }
0xf0: {  	[tilespmem:v1+s11+$0x1520 ss:$0x1] =	vst.idx.msk $0xffff, v3  }
0xf1: {  	v3 =	vld.idx.msk [tilespmem:v1+s11+$0x130 ss:$0x1], $0xffff  }
0xf2: {  	v57 =	vld.idx.msk [tilespmem:v2+s11+$0x130 ss:$0x1], $0xffff;
	_ =	sdelay $0x4  }
0xf3: {  	v3 =	vmul.f32 v57, v3;
	_ =	sdelay $0x1  }
0xf4: {  	[tilespmem:v1+s11+$0x130 ss:$0x1] =	vst.idx.msk $0xffff, v3  }
0xf5: {  	v3 =	vld.idx.msk [tilespmem:v1+s11+$0x1530 ss:$0x1], $0xffff  }
0xf6: {  	v58 =	vld.idx.msk [tilespmem:v2+s11+$0x170 ss:$0x1], $0xffff;
	_ =	sdelay $0x4  }
0xf7: {  	v3 =	vmul.f32 v58, v3;
	_ =	sdelay $0x1  }
0xf8: {  	v59 =	vld.idx.msk [tilespmem:v1+s11+$0x180 ss:$0x1], $0xffff;
	[tilespmem:v1+s11+$0x1530 ss:$0x1] =	vst.idx.msk $0xffff, v3  }
0xf9: {  	v3 =	vld.idx.msk [tilespmem:v2+s11+$0x180 ss:$0x1], $0xffff;
	_ =	sdelay $0x4  }
0xfa: {  	v3 =	vmul.f32 v3, v59;
	_ =	sdelay $0x1  }
0xfb: {  	[tilespmem:v1+s11+$0x180 ss:$0x1] =	vst.idx.msk $0xffff, v3  }
0xfc: {  	v3 =	vld.idx.msk [tilespmem:v1+s11+$0x1580 ss:$0x1], $0xffff  }
0xfd: {  	v60 =	vld.idx.msk [tilespmem:v2+s11+$0x1C0 ss:$0x1], $0xffff;
	_ =	sdelay $0x4  }
0xfe: {  	v3 =	vmul.f32 v60, v3;
	_ =	sdelay $0x1  }
0xff: {  	[tilespmem:v1+s11+$0x1580 ss:$0x1] =	vst.idx.msk $0xffff, v3  }
0x100: {  	v3 =	vld.idx.msk [tilespmem:v1+s11+$0x190 ss:$0x1], $0xffff  }
0x101: {  	v61 =	vld.idx.msk [tilespmem:v2+s11+$0x190 ss:$0x1], $0xffff;
	_ =	sdelay $0x4  }
0x102: {  	v3 =	vmul.f32 v61, v3;
	_ =	sdelay $0x1  }
0x103: {  	[tilespmem:v1+s11+$0x190 ss:$0x1] =	vst.idx.msk $0xffff, v3  }
0x104: {  	v3 =	vld.idx.msk [tilespmem:v1+s11+$0x1590 ss:$0x1], $0xffff  }
0x105: {  	v62 =	vld.idx.msk [tilespmem:v2+s11+$0x1D0 ss:$0x1], $0xffff;
	_ =	sdelay $0x4  }
0x106: {  	s16 =	smul.u32 $0xAB, s12;
	v3 =	vmul.f32 v62, v3;
	_ =	sdelay $0x1  }
0x107: {  	s13 =	sshrl.u32 s16, $0x9;
	[tilespmem:v1+s11+$0x1590 ss:$0x1] =	vst.idx.msk $0xffff, v3  }
0x108: {  	s13 =	sand.u32 $0x7F, s13;
	v3 =	vld.idx.msk [tilespmem:v1+s11+$0x1A0 ss:$0x1], $0xffff  }
0x109: {  	s13 =	smul.u32 $0x3, s13;
	v63 =	vld.idx.msk [tilespmem:v2+s11+$0x1A0 ss:$0x1], $0xffff;
	_ =	sdelay $0x1  }
0x10a: {  	s17 =	ssub.s32 s12, s13  }
0x10b: {  	s12 =	sand.u32 $0xFF, s17  }
0x10c: {  	s26 =	smul.u32 $0xA000, s12  }
0x10d: {  	v3 =	vmul.f32 v63, v3  }
0x10e: {  	s13 =	sshrl.u32 s26, $0x2  }
0x10f: {  	s14 =	simm.s32 $0x0;
	s15 =	simm.s32 $0x0;
	s13 =	sadd.s32 $0x17880, s13;
	[tilespmem:v1+s11+$0x1A0 ss:$0x1] =	vst.idx.msk $0xffff, v3  }
.LBB2_14:
0x110: {  	s15 =	sadd.s32 $0x4, s15;
	v3 =	vld.idx.msk [tilespmem:v1+s11+$0x15A0 ss:$0x1], $0xffff;
	s14 =	sadd.s32 $0x800, s14  }
0x111: {  	p1 =	slt.u32 s15, $0x24;
	v4 =	vld.idx.msk [tilespmem:v2+s11+$0x1E0 ss:$0x1], $0xffff;
	_ =	sdelay $0x5  }
0x112: {  	v3 =	vmul.f32 v4, v3;
	_ =	sdelay $0x1  }
0x113: {  	[tilespmem:v1+s11+$0x15A0 ss:$0x1] =	vst.idx.msk $0xffff, v3  }
0x114: {  	v3 =	vld.idx.msk [tilespmem:v1+s11+$0x1B0 ss:$0x1], $0xffff  }
0x115: {  	v4 =	vld.idx.msk [tilespmem:v2+s11+$0x1B0 ss:$0x1], $0xffff;
	_ =	sdelay $0x5  }
0x116: {  	v3 =	vmul.f32 v4, v3;
	_ =	sdelay $0x1  }
0x117: {  	[tilespmem:v1+s11+$0x1B0 ss:$0x1] =	vst.idx.msk $0xffff, v3  }
0x118: {  	v3 =	vld.idx.msk [tilespmem:v1+s11+$0x15B0 ss:$0x1], $0xffff  }
0x119: {  	v4 =	vld.idx.msk [tilespmem:v2+s11+$0x1F0 ss:$0x1], $0xffff;
	_ =	sdelay $0x5  }
0x11a: {  	v3 =	vmul.f32 v4, v3  }
0x11b: {  	s16 =	sshra.s32 s14, $0x2  }
0x11c: {  	v4 =	vld.idx.msk [tilespmem:v1+s16+$0x0 ss:$0x1], $0xffff;
	[tilespmem:v1+s11+$0x15B0 ss:$0x1] =	vst.idx.msk $0xffff, v3;
	s11 =	smov.u32 s16  }
0x11d: {  	v3 =	vld.idx.msk [tilespmem:v2+s11+$0x0 ss:$0x1], $0xffff;
	_ =	sdelay $0x5  }
0x11e: {  	v3 =	vmul.f32 v3, v4;
	_ =	sdelay $0x1  }
0x11f: {  	[tilespmem:v1+s11+$0x0 ss:$0x1] =	vst.idx.msk $0xffff, v3  }
0x120: {  	v3 =	vld.idx.msk [tilespmem:v1+s11+$0x1400 ss:$0x1], $0xffff  }
0x121: {  	v4 =	vld.idx.msk [tilespmem:v2+s11+$0x40 ss:$0x1], $0xffff;
	_ =	sdelay $0x5  }
0x122: {  	v3 =	vmul.f32 v4, v3;
	_ =	sdelay $0x1  }
0x123: {  	[tilespmem:v1+s11+$0x1400 ss:$0x1] =	vst.idx.msk $0xffff, v3  }
0x124: {  	v3 =	vld.idx.msk [tilespmem:v1+s11+$0x10 ss:$0x1], $0xffff  }
0x125: {  	v4 =	vld.idx.msk [tilespmem:v2+s11+$0x10 ss:$0x1], $0xffff;
	_ =	sdelay $0x5  }
0x126: {  	v3 =	vmul.f32 v4, v3;
	_ =	sdelay $0x1  }
0x127: {  	[tilespmem:v1+s11+$0x10 ss:$0x1] =	vst.idx.msk $0xffff, v3  }
0x128: {  	v3 =	vld.idx.msk [tilespmem:v1+s11+$0x1410 ss:$0x1], $0xffff  }
0x129: {  	v4 =	vld.idx.msk [tilespmem:v2+s11+$0x50 ss:$0x1], $0xffff;
	_ =	sdelay $0x5  }
0x12a: {  	v3 =	vmul.f32 v4, v3;
	_ =	sdelay $0x1  }
0x12b: {  	[tilespmem:v1+s11+$0x1410 ss:$0x1] =	vst.idx.msk $0xffff, v3  }
0x12c: {  	v3 =	vld.idx.msk [tilespmem:v1+s11+$0x20 ss:$0x1], $0xffff  }
0x12d: {  	v4 =	vld.idx.msk [tilespmem:v2+s11+$0x20 ss:$0x1], $0xffff;
	_ =	sdelay $0x5  }
0x12e: {  	v3 =	vmul.f32 v4, v3;
	_ =	sdelay $0x1  }
0x12f: {  	[tilespmem:v1+s11+$0x20 ss:$0x1] =	vst.idx.msk $0xffff, v3  }
0x130: {  	v3 =	vld.idx.msk [tilespmem:v1+s11+$0x1420 ss:$0x1], $0xffff  }
0x131: {  	v4 =	vld.idx.msk [tilespmem:v2+s11+$0x60 ss:$0x1], $0xffff;
	_ =	sdelay $0x5  }
0x132: {  	v3 =	vmul.f32 v4, v3;
	_ =	sdelay $0x1  }
0x133: {  	[tilespmem:v1+s11+$0x1420 ss:$0x1] =	vst.idx.msk $0xffff, v3  }
0x134: {  	v3 =	vld.idx.msk [tilespmem:v1+s11+$0x30 ss:$0x1], $0xffff  }
0x135: {  	v4 =	vld.idx.msk [tilespmem:v2+s11+$0x30 ss:$0x1], $0xffff;
	_ =	sdelay $0x5  }
0x136: {  	v3 =	vmul.f32 v4, v3;
	_ =	sdelay $0x1  }
0x137: {  	[tilespmem:v1+s11+$0x30 ss:$0x1] =	vst.idx.msk $0xffff, v3  }
0x138: {  	v3 =	vld.idx.msk [tilespmem:v1+s11+$0x1430 ss:$0x1], $0xffff  }
0x139: {  	v4 =	vld.idx.msk [tilespmem:v2+s11+$0x70 ss:$0x1], $0xffff  }
0x13a: {  	v5 =	vld.idx.msk [tilespmem:v1+s11+$0x80 ss:$0x1], $0xffff;
	_ =	sdelay $0x4  }
0x13b: {  	v3 =	vmul.f32 v4, v3;
	_ =	sdelay $0x1  }
0x13c: {  	[tilespmem:v1+s11+$0x1430 ss:$0x1] =	vst.idx.msk $0xffff, v3  }
0x13d: {  	v3 =	vld.idx.msk [tilespmem:v2+s11+$0x80 ss:$0x1], $0xffff;
	_ =	sdelay $0x5  }
0x13e: {  	v3 =	vmul.f32 v3, v5;
	_ =	sdelay $0x1  }
0x13f: {  	[tilespmem:v1+s11+$0x80 ss:$0x1] =	vst.idx.msk $0xffff, v3  }
0x140: {  	v3 =	vld.idx.msk [tilespmem:v1+s11+$0x1480 ss:$0x1], $0xffff  }
0x141: {  	v4 =	vld.idx.msk [tilespmem:v2+s11+$0xC0 ss:$0x1], $0xffff;
	_ =	sdelay $0x5  }
0x142: {  	v3 =	vmul.f32 v4, v3;
	_ =	sdelay $0x1  }
0x143: {  	[tilespmem:v1+s11+$0x1480 ss:$0x1] =	vst.idx.msk $0xffff, v3  }
0x144: {  	v3 =	vld.idx.msk [tilespmem:v1+s11+$0x90 ss:$0x1], $0xffff  }
0x145: {  	v4 =	vld.idx.msk [tilespmem:v2+s11+$0x90 ss:$0x1], $0xffff;
	_ =	sdelay $0x5  }
0x146: {  	v3 =	vmul.f32 v4, v3;
	_ =	sdelay $0x1  }
0x147: {  	[tilespmem:v1+s11+$0x90 ss:$0x1] =	vst.idx.msk $0xffff, v3  }
0x148: {  	v3 =	vld.idx.msk [tilespmem:v1+s11+$0x1490 ss:$0x1], $0xffff  }
0x149: {  	v4 =	vld.idx.msk [tilespmem:v2+s11+$0xD0 ss:$0x1], $0xffff;
	_ =	sdelay $0x5  }
0x14a: {  	v3 =	vmul.f32 v4, v3;
	_ =	sdelay $0x1  }
0x14b: {  	[tilespmem:v1+s11+$0x1490 ss:$0x1] =	vst.idx.msk $0xffff, v3  }
0x14c: {  	v3 =	vld.idx.msk [tilespmem:v1+s11+$0xA0 ss:$0x1], $0xffff  }
0x14d: {  	v4 =	vld.idx.msk [tilespmem:v2+s11+$0xA0 ss:$0x1], $0xffff;
	_ =	sdelay $0x5  }
0x14e: {  	v3 =	vmul.f32 v4, v3;
	_ =	sdelay $0x1  }
0x14f: {  	[tilespmem:v1+s11+$0xA0 ss:$0x1] =	vst.idx.msk $0xffff, v3  }
0x150: {  	v3 =	vld.idx.msk [tilespmem:v1+s11+$0x14A0 ss:$0x1], $0xffff  }
0x151: {  	v4 =	vld.idx.msk [tilespmem:v2+s11+$0xE0 ss:$0x1], $0xffff;
	_ =	sdelay $0x5  }
0x152: {  	v3 =	vmul.f32 v4, v3;
	_ =	sdelay $0x1  }
0x153: {  	[tilespmem:v1+s11+$0x14A0 ss:$0x1] =	vst.idx.msk $0xffff, v3  }
0x154: {  	v3 =	vld.idx.msk [tilespmem:v1+s11+$0xB0 ss:$0x1], $0xffff  }
0x155: {  	v4 =	vld.idx.msk [tilespmem:v2+s11+$0xB0 ss:$0x1], $0xffff;
	_ =	sdelay $0x3  }
0x156: {  	v5 =	vld.idx.msk [tilespmem:v1+s11+$0x100 ss:$0x1], $0xffff;
	_ =	sdelay $0x1  }
0x157: {  	v3 =	vmul.f32 v4, v3;
	_ =	sdelay $0x1  }
0x158: {  	[tilespmem:v1+s11+$0xB0 ss:$0x1] =	vst.idx.msk $0xffff, v3  }
0x159: {  	v3 =	vld.idx.msk [tilespmem:v1+s11+$0x14B0 ss:$0x1], $0xffff  }
0x15a: {  	v4 =	vld.idx.msk [tilespmem:v2+s11+$0xF0 ss:$0x1], $0xffff;
	_ =	sdelay $0x5  }
0x15b: {  	v3 =	vmul.f32 v4, v3;
	_ =	sdelay $0x1  }
0x15c: {  	[tilespmem:v1+s11+$0x14B0 ss:$0x1] =	vst.idx.msk $0xffff, v3  }
0x15d: {  	v3 =	vld.idx.msk [tilespmem:v2+s11+$0x100 ss:$0x1], $0xffff;
	_ =	sdelay $0x5  }
0x15e: {  	v3 =	vmul.f32 v3, v5;
	_ =	sdelay $0x1  }
0x15f: {  	[tilespmem:v1+s11+$0x100 ss:$0x1] =	vst.idx.msk $0xffff, v3  }
0x160: {  	v3 =	vld.idx.msk [tilespmem:v1+s11+$0x1500 ss:$0x1], $0xffff  }
0x161: {  	v4 =	vld.idx.msk [tilespmem:v2+s11+$0x140 ss:$0x1], $0xffff;
	_ =	sdelay $0x5  }
0x162: {  	v3 =	vmul.f32 v4, v3;
	_ =	sdelay $0x1  }
0x163: {  	[tilespmem:v1+s11+$0x1500 ss:$0x1] =	vst.idx.msk $0xffff, v3  }
0x164: {  	v3 =	vld.idx.msk [tilespmem:v1+s11+$0x110 ss:$0x1], $0xffff  }
0x165: {  	v4 =	vld.idx.msk [tilespmem:v2+s11+$0x110 ss:$0x1], $0xffff;
	_ =	sdelay $0x5  }
0x166: {  	v3 =	vmul.f32 v4, v3;
	_ =	sdelay $0x1  }
0x167: {  	[tilespmem:v1+s11+$0x110 ss:$0x1] =	vst.idx.msk $0xffff, v3  }
0x168: {  	v3 =	vld.idx.msk [tilespmem:v1+s11+$0x1510 ss:$0x1], $0xffff  }
0x169: {  	v4 =	vld.idx.msk [tilespmem:v2+s11+$0x150 ss:$0x1], $0xffff;
	_ =	sdelay $0x5  }
0x16a: {  	v3 =	vmul.f32 v4, v3;
	_ =	sdelay $0x1  }
0x16b: {  	[tilespmem:v1+s11+$0x1510 ss:$0x1] =	vst.idx.msk $0xffff, v3  }
0x16c: {  	v3 =	vld.idx.msk [tilespmem:v1+s11+$0x120 ss:$0x1], $0xffff  }
0x16d: {  	v4 =	vld.idx.msk [tilespmem:v2+s11+$0x120 ss:$0x1], $0xffff;
	_ =	sdelay $0x5  }
0x16e: {  	v3 =	vmul.f32 v4, v3;
	_ =	sdelay $0x1  }
0x16f: {  	[tilespmem:v1+s11+$0x120 ss:$0x1] =	vst.idx.msk $0xffff, v3  }
0x170: {  	v3 =	vld.idx.msk [tilespmem:v1+s11+$0x1520 ss:$0x1], $0xffff  }
0x171: {  	v4 =	vld.idx.msk [tilespmem:v2+s11+$0x160 ss:$0x1], $0xffff;
	_ =	sdelay $0x5  }
0x172: {  	v3 =	vmul.f32 v4, v3  }
0x173: {  	v4 =	vld.idx.msk [tilespmem:v1+s11+$0x180 ss:$0x1], $0xffff  }
0x174: {  	[tilespmem:v1+s11+$0x1520 ss:$0x1] =	vst.idx.msk $0xffff, v3  }
0x175: {  	v3 =	vld.idx.msk [tilespmem:v1+s11+$0x130 ss:$0x1], $0xffff  }
0x176: {  	v5 =	vld.idx.msk [tilespmem:v2+s11+$0x130 ss:$0x1], $0xffff;
	_ =	sdelay $0x5  }
0x177: {  	v3 =	vmul.f32 v5, v3;
	_ =	sdelay $0x1  }
0x178: {  	[tilespmem:v1+s11+$0x130 ss:$0x1] =	vst.idx.msk $0xffff, v3  }
0x179: {  	v3 =	vld.idx.msk [tilespmem:v1+s11+$0x1530 ss:$0x1], $0xffff  }
0x17a: {  	v5 =	vld.idx.msk [tilespmem:v2+s11+$0x170 ss:$0x1], $0xffff;
	_ =	sdelay $0x5  }
0x17b: {  	v3 =	vmul.f32 v5, v3;
	_ =	sdelay $0x1  }
0x17c: {  	[tilespmem:v1+s11+$0x1530 ss:$0x1] =	vst.idx.msk $0xffff, v3  }
0x17d: {  	v3 =	vld.idx.msk [tilespmem:v2+s11+$0x180 ss:$0x1], $0xffff;
	_ =	sdelay $0x5  }
0x17e: {  	v3 =	vmul.f32 v3, v4;
	_ =	sdelay $0x1  }
0x17f: {  	[tilespmem:v1+s11+$0x180 ss:$0x1] =	vst.idx.msk $0xffff, v3  }
0x180: {  	v3 =	vld.idx.msk [tilespmem:v1+s11+$0x1580 ss:$0x1], $0xffff  }
0x181: {  	v4 =	vld.idx.msk [tilespmem:v2+s11+$0x1C0 ss:$0x1], $0xffff;
	_ =	sdelay $0x5  }
0x182: {  	v3 =	vmul.f32 v4, v3;
	_ =	sdelay $0x1  }
0x183: {  	[tilespmem:v1+s11+$0x1580 ss:$0x1] =	vst.idx.msk $0xffff, v3  }
0x184: {  	v3 =	vld.idx.msk [tilespmem:v1+s11+$0x190 ss:$0x1], $0xffff  }
0x185: {  	v4 =	vld.idx.msk [tilespmem:v2+s11+$0x190 ss:$0x1], $0xffff;
	_ =	sdelay $0x5  }
0x186: {  	v3 =	vmul.f32 v4, v3;
	_ =	sdelay $0x1  }
0x187: {  	[tilespmem:v1+s11+$0x190 ss:$0x1] =	vst.idx.msk $0xffff, v3  }
0x188: {  	v3 =	vld.idx.msk [tilespmem:v1+s11+$0x1590 ss:$0x1], $0xffff  }
0x189: {  	v4 =	vld.idx.msk [tilespmem:v2+s11+$0x1D0 ss:$0x1], $0xffff;
	_ =	sdelay $0x5  }
0x18a: {  	v3 =	vmul.f32 v4, v3;
	_ =	sdelay $0x1  }
0x18b: {  	[tilespmem:v1+s11+$0x1590 ss:$0x1] =	vst.idx.msk $0xffff, v3  }
0x18c: {  	v3 =	vld.idx.msk [tilespmem:v1+s11+$0x1A0 ss:$0x1], $0xffff  }
0x18d: {  	v4 =	vld.idx.msk [tilespmem:v2+s11+$0x1A0 ss:$0x1], $0xffff;
	_ =	sdelay $0x3  }
.Ltmp9:
0x18e: {  	(pc) =	sbr.rel @p1 .LBB2_14-.Ltmp9, $3  }
0x18f: {  	_ = 	snop  }
0x190: {  	v3 =	vmul.f32 v4, v3;
	_ =	sdelay $0x1  }
0x191: {  	[tilespmem:v1+s11+$0x1A0 ss:$0x1] =	vst.idx.msk $0xffff, v3  }
0x192: {  	_ =	sdelay $0x3  }
0x193: {  	v3 =	vld.idx.msk [tilespmem:v1+s11+$0x15A0 ss:$0x1], $0xffff  }
0x194: {  	v4 =	vld.idx.msk [tilespmem:v2+s11+$0x1E0 ss:$0x1], $0xffff;
	_ =	sdelay $0x4  }
0x195: {  	v3 =	vmul.f32 v4, v3;
	_ =	sdelay $0x1  }
0x196: {  	[tilespmem:v1+s11+$0x15A0 ss:$0x1] =	vst.idx.msk $0xffff, v3  }
0x197: {  	v3 =	vld.idx.msk [tilespmem:v1+s11+$0x1B0 ss:$0x1], $0xffff  }
0x198: {  	v63 =	vld.idx.msk [tilespmem:v2+s11+$0x1B0 ss:$0x1], $0xffff;
	_ =	sdelay $0x4  }
0x199: {  	v3 =	vmul.f32 v63, v3;
	_ =	sdelay $0x1  }
0x19a: {  	[tilespmem:v1+s11+$0x1B0 ss:$0x1] =	vst.idx.msk $0xffff, v3  }
0x19b: {  	v3 =	vld.idx.msk [tilespmem:v1+s11+$0x15B0 ss:$0x1], $0xffff  }
0x19c: {  	v2 =	vld.idx.msk [tilespmem:v2+s11+$0x1F0 ss:$0x1], $0xffff;
	_ =	sdelay $0x2  }
0x19d: {  	p1 =	sne.s32 s10, $0x7D  }
.Ltmp10:
0x19e: {  	_ = 	snop;
	(pc) =	sbr.rel @p1 .LBB2_8-.Ltmp10, $4  }
0x19f: {  	v2 =	vmul.f32 v2, v3  }
0x1a0: {  	s12 =	sshll.u32 s12, $0x7;
	s30 =	sadd.s32 $0x1400, s30  }
0x1a1: {  	s2 =	sadd.s32 $0x2800, s2;
	s26 =	sadd.s32 $0x13A80, s12;
	s12 =	smov.u32 s10;
	[tilespmem:v1+s11+$0x15B0 ss:$0x1] =	vst.idx.msk $0xffff, v2  }
0x1a2: {  	[spmem:s3] =	stream.indirect.scatter.add.f32 [tilespmem:s13], [sflag:$0x3], $0x80, s26, s31, $0xb8;
	[tilespmem:$0x1F080] =	vst v63  }
0x1a3: {  	_ =	swait.ge [sflag:s28], $0x2800  }
0x1a4: {  	[sflag:s28] =	ssyncset.done $0x0  }
0x1a5: {  	[sflag:s28] =	ssyncadd.s32 $0xFFFFD800  }
0x1a6: {  	_ =	swait.ge [sflag:s28], $0x2800  }
0x1a7: {  	[sflag:s28] =	ssyncset.done $0x0  }
0x1a8: {  	[sflag:s28] =	ssyncadd.s32 $0xFFFFD800  }
0x1a9: {  	s2 =	simm.s32 @p0 $0x1FC4;
	[bflag:$0x0] =	sbarrier.arrive $0xFFFF  }
0x1aa: {  	[hbm:s21], [sflag:s2] =	dma.local @p0 [spmem:s25], $0x1900  }
0x1ab: {  	s2 =	simm.s32 @p0 $0x4  }
0x1ac: {  	s10 =	stileid.u32;
	s29 =	sadd.s32 $0x1, s29;
	_ =	swait.ge @p0 [sflag:s2], $0x1900  }
0x1ad: {  	s10 =	sshll.u32 @!p0 s10, $0x6;
	p1 =	sne.s32 s29, s22;
	[sflag:s2] =	ssyncset.done @p0 $0x0  }
0x1ae: {  	[sflag:s2] =	ssyncadd.s32 @p0 $0xFFFFE700;
	s2 =	sor.u32 @!p0 $0x1C04, s10;
	s10 =	sshrl.u32 @!p0 s20, $0x3  }
0x1af: {  	[hbm:s21], [sflag:s2] =	dma.local @!p0 [spmem:s10], $0x2800  }
.Ltmp11:
0x1b0: {  	_ = 	snop;
	(pc) =	sbr.rel @p1 .LBB2_1-.Ltmp11, $4  }
0x1b1: {  	s2 =	simm.s32 @!p0 $0x4  }
0x1b2: {  	_ =	swait.ge @!p0 [sflag:s2], $0x2800  }
0x1b3: {  	[sflag:s2] =	ssyncset.done @!p0 $0x0  }
0x1b4: {  	[sflag:s2] =	ssyncadd.s32 @!p0 $0xFFFFD800  }
0x1b5: {  	_ =	sfence.sel $0x180000  }
0x1b6: {  	[bflag:$0x0] =	sbarrier.arrive $0xFFFF  }
0x1b7: {  	_ =	strace $0x90000047  }
0x1b8: {  	s0 =	stileid.u32;
	[bflag:$0x2] =	sbarrier.arrive $0xFFFF  }
0x1b9: {  	p0 =	sne.s32 s0, $0x0;
	s0 =	rddreg [dreg:$0x3]  }
0x1ba: {  	s0 =	sadd.s32 @!p0 $0x100000, s0  }
0x1bb: {  	[sflag:s0] =	ssyncadd.tile.s32 @!p0 $0x1;
	_ =	shalt  }
.Lfunc_end2:
_tile_overlayer_lowered:
.L_overlay_start_2:
0x1bc: {  	(tag) =	ssettag $0x2  }
0x1bd: {  	s0 =	rddreg [dreg:$0x0];
	s2 =	stileid.u32  }
0x1be: {  	s1 =	rddreg [dreg:$0x1];
	p0 =	sne.s32 s2, $0x0  }
0x1bf: {  	s3 =	rddreg [dreg:$0x2];
	[bflag:$0x3] =	sbarrier.arrive $0xFFFF;
	s2 =	simm.s32 @!p0 $0x1C04  }
0x1c0: {  	[timem:s3], [sflag:s2] =	dma.local @!p0 [hbm:s0], s1  }
0x1c1: {  	s0 =	simm.s32 @!p0 $0x4  }
0x1c2: {  	_ =	swait.ge @!p0 [sflag:s0], s1  }
0x1c3: {  	s1 =	ssub.s32 @!p0 $0x0, s1;
	[sflag:s0] =	ssyncset.done @!p0 $0x0  }
0x1c4: {  	[sflag:s0] =	ssyncadd.s32 @!p0 s1  }
0x1c5: {  	[bflag:$0x3] =	sbarrier.arrive $0xFFFF  }
0x1c6: {  	_ =	shalt  }

</sc_bundles>
